<compile_context>
chip_gen: v7x
topology: tpu7x:2x2x1
jax: 0.10.2.dev20260603
libtpu: 0.0.44.dev20260713+nightly
codegen_flags: <defaults>
</compile_context>

<pallas_src>
import functools

import jax
import jax.numpy as jnp
from jax import lax
from jax.experimental import pallas as pl
from jax.experimental.pallas import tpu as pltpu
from jax.experimental.pallas import tpu_sc as plsc

_INFO = plsc.get_sparse_core_info()
_NC = _INFO.num_cores
_NS = _INFO.num_subcores
_NW = _NC * _NS
_NBUF = 4


@functools.lru_cache(maxsize=None)
def _build(bsz, hist, vocab, dim):
    assert bsz % (_NW * _NBUF) == 0
    rows_per_w = bsz // _NW
    n_groups = rows_per_w // _NBUF
    parts = []
    off = 0
    while off < hist:
        ln = min(128, hist - off)
        parts.append((off, ln))
        off += ln
    mesh = plsc.VectorSubcoreMesh(core_axis_name="c", subcore_axis_name="s")

    @functools.partial(
        pl.kernel,
        mesh=mesh,
        out_type=jax.ShapeDtypeStruct((bsz, hist, dim), jnp.float32),
        scratch_types=[
            pltpu.VMEM((rows_per_w, hist), jnp.int32),
            tuple(pltpu.VMEM((_NBUF, ln, dim), jnp.float32) for _, ln in parts),
            pltpu.SemaphoreType.DMA((_NBUF,)),
            pltpu.SemaphoreType.DMA((_NBUF,)),
        ],
        compiler_params=pltpu.CompilerParams(use_tc_tiling_on_sc=False),
    )
    def gather_kernel(x_hbm, table_hbm, out_hbm, idx_v, bufs, gsems, wsems):
        wid = lax.axis_index("s") * _NC + lax.axis_index("c")
        row0 = wid * rows_per_w
        pltpu.sync_copy(x_hbm.at[pl.ds(row0, rows_per_w)], idx_v)

        def start_gather(r, b):
            for p, (off, ln) in enumerate(parts):
                pltpu.make_async_copy(
                    table_hbm.at[idx_v.at[r].at[pl.ds(off, ln)]],
                    bufs[p].at[b],
                    gsems.at[b],
                ).start()

        def wait_gather(r, b):
            for p, (off, ln) in enumerate(parts):
                pltpu.make_async_copy(
                    table_hbm.at[idx_v.at[r].at[pl.ds(off, ln)]],
                    bufs[p].at[b],
                    gsems.at[b],
                ).wait()

        def start_write(r, b):
            for p, (off, ln) in enumerate(parts):
                pltpu.make_async_copy(
                    bufs[p].at[b],
                    out_hbm.at[row0 + r].at[pl.ds(off, ln)],
                    wsems.at[b],
                ).start()

        def wait_write(r, b):
            for p, (off, ln) in enumerate(parts):
                pltpu.make_async_copy(
                    bufs[p].at[b],
                    out_hbm.at[row0 + r].at[pl.ds(off, ln)],
                    wsems.at[b],
                ).wait()

        for b in range(_NBUF):
            start_gather(b, b)

        def group(g, carry):
            base = g * _NBUF
            for b in range(_NBUF):
                wait_gather(base + b, b)
                start_write(base + b, b)
            for b in range(_NBUF):
                wait_write(base + b, b)
                start_gather(base + _NBUF + b, b)
            return carry

        lax.fori_loop(0, n_groups - 1, group, 0)

        base = (n_groups - 1) * _NBUF
        for b in range(_NBUF):
            wait_gather(base + b, b)
            start_write(base + b, b)
        for b in range(_NBUF):
            wait_write(base + b, b)

    return gather_kernel


def kernel(x, table):
    bsz, hist = x.shape
    vocab, dim = table.shape
    return _build(bsz, hist, vocab, dim)(x.astype(jnp.int32), table)

# --- scband reference (transcript-rebuilt; emitter-appended) ---
"""Pipeline reference for scband-anamee-embedding-1279900254929 (READ-ONLY COPY).

The authoritative reference and input builder live on the scoring server;
editing this copy changes nothing except your own understanding.
"""

import jax, jax.numpy as jnp
import numpy as np

VOCAB = 1000000
DIM = 64
BATCH = 4096
HIST = 200

def setup_inputs(seed: int = 0) -> dict:
    key = jax.random.key(seed)
    k_idx, k_tab = jax.random.split(key)
    x = jax.random.randint(k_idx, (BATCH, HIST), 0, VOCAB, dtype=jnp.int64 if jax.config.jax_enable_x64 else jnp.int32)
    table = jax.random.normal(k_tab, (VOCAB, DIM), dtype=jnp.float32)
    return {"x": x, "table": table}

def reference(x, table):
    # token_embedding(x): gather rows of the table
    out = jnp.take(table, x, axis=0)
    # dropout(p=0.05) is identity at inference time
    return out

if __name__ == "__main__":
    import jax
    _d = setup_inputs()
    print(jax.jit(kernel)(*tuple(_d.values())))

</pallas_src>

<mosaic_0001>
#map = affine_map<(d0, d1) -> (0, 0)>
#map1 = affine_map<(d0, d1) -> (0, 0, 0)>
module attributes {stable_mosaic.version = 14 : i64} {
  func.func @gather_kernel(%arg0: i32, %arg1: i32, %arg2: memref<4096x200xi32, #tpu.memory_space<hbm>>, %arg3: memref<1000000x64xf32, #tpu.memory_space<hbm>>, %arg4: memref<4096x200x64xf32, #tpu.memory_space<hbm>>, %arg5: memref<128x200xi32, #tpu.memory_space<vmem>>, %arg6: memref<4x128x64xf32, #tpu.memory_space<vmem>>, %arg7: memref<4x72x64xf32, #tpu.memory_space<vmem>>, %arg8: memref<4x!tpu.dma_semaphore, #tpu.memory_space<semaphore_mem>>, %arg9: memref<4x!tpu.dma_semaphore, #tpu.memory_space<semaphore_mem>>) attributes {dimension_semantics = [#tpu.dimension_semantics<core_parallel>, #tpu.dimension_semantics<subcore_parallel>], iteration_bounds = array<i64: 2, 16>, scalar_prefetch = 0 : i64, scratch_operands = 5 : i64, tpu.core_type = #tpu.core_type<sc_vector_subcore>, window_params = [{transform_indices = #map}, {transform_indices = #map}, {transform_indices = #map1}]} {
    %mul3A = arith.constant 2 : i32
    %mul3A_0 = arith.muli %arg1, %mul3A : i32
    %add3A = arith.addi %mul3A_0, %arg0 : i32
    %mul3A_1 = arith.constant 128 : i32
    %mul3A_2 = arith.muli %add3A, %mul3A_1 : i32
    "tpu.region"() ({
      %run_scoped3A = tpu.sem_alloc : memref<!tpu.dma_semaphore, #tpu.memory_space<semaphore_mem>>
      %dma_start3A_726 = arith.constant 0 : i32
      %dma_start3A_727 = tpu.memref_slice %arg2[%mul3A_2, %dma_start3A_726] : memref<4096x200xi32, #tpu.memory_space<hbm>> -> memref<128x200xi32, #tpu.memory_space<hbm>>
      %dma_start3A_728 = arith.constant 0 : i32
      %dma_start3A_729 = tpu.memref_slice %arg2[%mul3A_2, %dma_start3A_728] : memref<4096x200xi32, #tpu.memory_space<hbm>> -> memref<128x200xi32, #tpu.memory_space<hbm>>
      tpu.enqueue_dma source(%dma_start3A_729 : memref<128x200xi32, #tpu.memory_space<hbm>>) target(%arg5 : memref<128x200xi32, #tpu.memory_space<vmem>>) target_semaphore(%run_scoped3A : memref<!tpu.dma_semaphore, #tpu.memory_space<semaphore_mem>>)
      %dma_wait3A_730 = arith.constant 0 : i32
      %dma_wait3A_731 = tpu.memref_slice %arg2[%mul3A_2, %dma_wait3A_730] : memref<4096x200xi32, #tpu.memory_space<hbm>> -> memref<128x200xi32, #tpu.memory_space<hbm>>
      %dma_wait3A_732 = arith.constant 0 : i32
      %dma_wait3A_733 = tpu.memref_slice %arg2[%mul3A_2, %dma_wait3A_732] : memref<4096x200xi32, #tpu.memory_space<hbm>> -> memref<128x200xi32, #tpu.memory_space<hbm>>
      tpu.wait_dma2 semaphore(%run_scoped3A : memref<!tpu.dma_semaphore, #tpu.memory_space<semaphore_mem>>) src(%dma_wait3A_733 : memref<128x200xi32, #tpu.memory_space<hbm>>) dst(%arg5 : memref<128x200xi32, #tpu.memory_space<vmem>>)
      tpu.yield
    }) : () -> ()
    %dma_start3A = arith.constant 0 : i32
    %dma_start3A_3 = arith.constant 0 : i32
    %dma_start3A_4 = arith.constant 0 : i32
    %dma_start3A_5 = arith.constant 0 : i32
    %dma_start3A_6 = arith.constant 0 : i32
    %dma_start3A_7 = tpu.memref_slice %arg6[%dma_start3A_3, %dma_start3A_5, %dma_start3A_6] : memref<4x128x64xf32, #tpu.memory_space<vmem>> -> memref<1x128x64xf32, #tpu.memory_space<vmem>>
    %dma_start3A_8 = tpu.memref_squeeze %dma_start3A_7 : memref<1x128x64xf32, #tpu.memory_space<vmem>> -> memref<128x64xf32, #tpu.memory_space<vmem>>
    %dma_start3A_9 = arith.constant 0 : i32
    %dma_start3A_10 = tpu.memref_slice %arg5[%dma_start3A, %dma_start3A_9] : memref<128x200xi32, #tpu.memory_space<vmem>> -> memref<1x200xi32, #tpu.memory_space<vmem>>
    %dma_start3A_11 = tpu.memref_squeeze %dma_start3A_10 : memref<1x200xi32, #tpu.memory_space<vmem>> -> memref<200xi32, #tpu.memory_space<vmem>>
    %dma_start3A_12 = arith.constant 0 : i32
    %dma_start3A_13 = tpu.memref_slice %dma_start3A_11[%dma_start3A_12] : memref<200xi32, #tpu.memory_space<vmem>> -> memref<128xi32, #tpu.memory_space<vmem>>
    %dma_start3A_14 = arith.constant 0 : i32
    %dma_start3A_15 = arith.constant 0 : i32
    %dma_start3A_16 = tpu.memref_slice %arg3[%dma_start3A_14, %dma_start3A_15] : memref<1000000x64xf32, #tpu.memory_space<hbm>> -> memref<1000000x64xf32, #tpu.memory_space<hbm>>
    %dma_start3A_17 = tpu.memref_slice %arg8[%dma_start3A_4] : memref<4x!tpu.dma_semaphore, #tpu.memory_space<semaphore_mem>> -> memref<1x!tpu.dma_semaphore, #tpu.memory_space<semaphore_mem>>
    %dma_start3A_18 = tpu.memref_squeeze %dma_start3A_17 : memref<1x!tpu.dma_semaphore, #tpu.memory_space<semaphore_mem>> -> memref<!tpu.dma_semaphore, #tpu.memory_space<semaphore_mem>>
    tpu.enqueue_indirect_dma source(%dma_start3A_16 : memref<1000000x64xf32, #tpu.memory_space<hbm>>) target(%dma_start3A_8 : memref<128x64xf32, #tpu.memory_space<vmem>>) offsets(%dma_start3A_13 : memref<128xi32, #tpu.memory_space<vmem>>) semaphore(%dma_start3A_18 : memref<!tpu.dma_semaphore, #tpu.memory_space<semaphore_mem>>)
    %dma_start3A_19 = arith.constant 0 : i32
    %dma_start3A_20 = arith.constant 0 : i32
    %dma_start3A_21 = arith.constant 0 : i32
    %dma_start3A_22 = arith.constant 0 : i32
    %dma_start3A_23 = arith.constant 0 : i32
    %dma_start3A_24 = tpu.memref_slice %arg7[%dma_start3A_20, %dma_start3A_22, %dma_start3A_23] : memref<4x72x64xf32, #tpu.memory_space<vmem>> -> memref<1x72x64xf32, #tpu.memory_space<vmem>>
    %dma_start3A_25 = tpu.memref_squeeze %dma_start3A_24 : memref<1x72x64xf32, #tpu.memory_space<vmem>> -> memref<72x64xf32, #tpu.memory_space<vmem>>
    %dma_start3A_26 = arith.constant 0 : i32
    %dma_start3A_27 = tpu.memref_slice %arg5[%dma_start3A_19, %dma_start3A_26] : memref<128x200xi32, #tpu.memory_space<vmem>> -> memref<1x200xi32, #tpu.memory_space<vmem>>
    %dma_start3A_28 = tpu.memref_squeeze %dma_start3A_27 : memref<1x200xi32, #tpu.memory_space<vmem>> -> memref<200xi32, #tpu.memory_space<vmem>>
    %dma_start3A_29 = arith.constant 128 : i32
    %dma_start3A_30 = tpu.memref_slice %dma_start3A_28[%dma_start3A_29] : memref<200xi32, #tpu.memory_space<vmem>> -> memref<72xi32, #tpu.memory_space<vmem>>
    %dma_start3A_31 = arith.constant 0 : i32
    %dma_start3A_32 = arith.constant 0 : i32
    %dma_start3A_33 = tpu.memref_slice %arg3[%dma_start3A_31, %dma_start3A_32] : memref<1000000x64xf32, #tpu.memory_space<hbm>> -> memref<1000000x64xf32, #tpu.memory_space<hbm>>
    %dma_start3A_34 = tpu.memref_slice %arg8[%dma_start3A_21] : memref<4x!tpu.dma_semaphore, #tpu.memory_space<semaphore_mem>> -> memref<1x!tpu.dma_semaphore, #tpu.memory_space<semaphore_mem>>
    %dma_start3A_35 = tpu.memref_squeeze %dma_start3A_34 : memref<1x!tpu.dma_semaphore, #tpu.memory_space<semaphore_mem>> -> memref<!tpu.dma_semaphore, #tpu.memory_space<semaphore_mem>>
    tpu.enqueue_indirect_dma source(%dma_start3A_33 : memref<1000000x64xf32, #tpu.memory_space<hbm>>) target(%dma_start3A_25 : memref<72x64xf32, #tpu.memory_space<vmem>>) offsets(%dma_start3A_30 : memref<72xi32, #tpu.memory_space<vmem>>) semaphore(%dma_start3A_35 : memref<!tpu.dma_semaphore, #tpu.memory_space<semaphore_mem>>)
    %dma_start3A_36 = arith.constant 1 : i32
    %dma_start3A_37 = arith.constant 1 : i32
    %dma_start3A_38 = arith.constant 1 : i32
    %dma_start3A_39 = arith.constant 0 : i32
    %dma_start3A_40 = arith.constant 0 : i32
    %dma_start3A_41 = tpu.memref_slice %arg6[%dma_start3A_37, %dma_start3A_39, %dma_start3A_40] : memref<4x128x64xf32, #tpu.memory_space<vmem>> -> memref<1x128x64xf32, #tpu.memory_space<vmem>>
    %dma_start3A_42 = tpu.memref_squeeze %dma_start3A_41 : memref<1x128x64xf32, #tpu.memory_space<vmem>> -> memref<128x64xf32, #tpu.memory_space<vmem>>
    %dma_start3A_43 = arith.constant 0 : i32
    %dma_start3A_44 = tpu.memref_slice %arg5[%dma_start3A_36, %dma_start3A_43] : memref<128x200xi32, #tpu.memory_space<vmem>> -> memref<1x200xi32, #tpu.memory_space<vmem>>
    %dma_start3A_45 = tpu.memref_squeeze %dma_start3A_44 : memref<1x200xi32, #tpu.memory_space<vmem>> -> memref<200xi32, #tpu.memory_space<vmem>>
    %dma_start3A_46 = arith.constant 0 : i32
    %dma_start3A_47 = tpu.memref_slice %dma_start3A_45[%dma_start3A_46] : memref<200xi32, #tpu.memory_space<vmem>> -> memref<128xi32, #tpu.memory_space<vmem>>
    %dma_start3A_48 = arith.constant 0 : i32
    %dma_start3A_49 = arith.constant 0 : i32
    %dma_start3A_50 = tpu.memref_slice %arg3[%dma_start3A_48, %dma_start3A_49] : memref<1000000x64xf32, #tpu.memory_space<hbm>> -> memref<1000000x64xf32, #tpu.memory_space<hbm>>
    %dma_start3A_51 = tpu.memref_slice %arg8[%dma_start3A_38] : memref<4x!tpu.dma_semaphore, #tpu.memory_space<semaphore_mem>> -> memref<1x!tpu.dma_semaphore, #tpu.memory_space<semaphore_mem>>
    %dma_start3A_52 = tpu.memref_squeeze %dma_start3A_51 : memref<1x!tpu.dma_semaphore, #tpu.memory_space<semaphore_mem>> -> memref<!tpu.dma_semaphore, #tpu.memory_space<semaphore_mem>>
    tpu.enqueue_indirect_dma source(%dma_start3A_50 : memref<1000000x64xf32, #tpu.memory_space<hbm>>) target(%dma_start3A_42 : memref<128x64xf32, #tpu.memory_space<vmem>>) offsets(%dma_start3A_47 : memref<128xi32, #tpu.memory_space<vmem>>) semaphore(%dma_start3A_52 : memref<!tpu.dma_semaphore, #tpu.memory_space<semaphore_mem>>)
    %dma_start3A_53 = arith.constant 1 : i32
    %dma_start3A_54 = arith.constant 1 : i32
    %dma_start3A_55 = arith.constant 1 : i32
    %dma_start3A_56 = arith.constant 0 : i32
    %dma_start3A_57 = arith.constant 0 : i32
    %dma_start3A_58 = tpu.memref_slice %arg7[%dma_start3A_54, %dma_start3A_56, %dma_start3A_57] : memref<4x72x64xf32, #tpu.memory_space<vmem>> -> memref<1x72x64xf32, #tpu.memory_space<vmem>>
    %dma_start3A_59 = tpu.memref_squeeze %dma_start3A_58 : memref<1x72x64xf32, #tpu.memory_space<vmem>> -> memref<72x64xf32, #tpu.memory_space<vmem>>
    %dma_start3A_60 = arith.constant 0 : i32
    %dma_start3A_61 = tpu.memref_slice %arg5[%dma_start3A_53, %dma_start3A_60] : memref<128x200xi32, #tpu.memory_space<vmem>> -> memref<1x200xi32, #tpu.memory_space<vmem>>
    %dma_start3A_62 = tpu.memref_squeeze %dma_start3A_61 : memref<1x200xi32, #tpu.memory_space<vmem>> -> memref<200xi32, #tpu.memory_space<vmem>>
    %dma_start3A_63 = arith.constant 128 : i32
    %dma_start3A_64 = tpu.memref_slice %dma_start3A_62[%dma_start3A_63] : memref<200xi32, #tpu.memory_space<vmem>> -> memref<72xi32, #tpu.memory_space<vmem>>
    %dma_start3A_65 = arith.constant 0 : i32
    %dma_start3A_66 = arith.constant 0 : i32
    %dma_start3A_67 = tpu.memref_slice %arg3[%dma_start3A_65, %dma_start3A_66] : memref<1000000x64xf32, #tpu.memory_space<hbm>> -> memref<1000000x64xf32, #tpu.memory_space<hbm>>
    %dma_start3A_68 = tpu.memref_slice %arg8[%dma_start3A_55] : memref<4x!tpu.dma_semaphore, #tpu.memory_space<semaphore_mem>> -> memref<1x!tpu.dma_semaphore, #tpu.memory_space<semaphore_mem>>
    %dma_start3A_69 = tpu.memref_squeeze %dma_start3A_68 : memref<1x!tpu.dma_semaphore, #tpu.memory_space<semaphore_mem>> -> memref<!tpu.dma_semaphore, #tpu.memory_space<semaphore_mem>>
    tpu.enqueue_indirect_dma source(%dma_start3A_67 : memref<1000000x64xf32, #tpu.memory_space<hbm>>) target(%dma_start3A_59 : memref<72x64xf32, #tpu.memory_space<vmem>>) offsets(%dma_start3A_64 : memref<72xi32, #tpu.memory_space<vmem>>) semaphore(%dma_start3A_69 : memref<!tpu.dma_semaphore, #tpu.memory_space<semaphore_mem>>)
    %dma_start3A_70 = arith.constant 2 : i32
    %dma_start3A_71 = arith.constant 2 : i32
    %dma_start3A_72 = arith.constant 2 : i32
    %dma_start3A_73 = arith.constant 0 : i32
    %dma_start3A_74 = arith.constant 0 : i32
    %dma_start3A_75 = tpu.memref_slice %arg6[%dma_start3A_71, %dma_start3A_73, %dma_start3A_74] : memref<4x128x64xf32, #tpu.memory_space<vmem>> -> memref<1x128x64xf32, #tpu.memory_space<vmem>>
    %dma_start3A_76 = tpu.memref_squeeze %dma_start3A_75 : memref<1x128x64xf32, #tpu.memory_space<vmem>> -> memref<128x64xf32, #tpu.memory_space<vmem>>
    %dma_start3A_77 = arith.constant 0 : i32
    %dma_start3A_78 = tpu.memref_slice %arg5[%dma_start3A_70, %dma_start3A_77] : memref<128x200xi32, #tpu.memory_space<vmem>> -> memref<1x200xi32, #tpu.memory_space<vmem>>
    %dma_start3A_79 = tpu.memref_squeeze %dma_start3A_78 : memref<1x200xi32, #tpu.memory_space<vmem>> -> memref<200xi32, #tpu.memory_space<vmem>>
    %dma_start3A_80 = arith.constant 0 : i32
    %dma_start3A_81 = tpu.memref_slice %dma_start3A_79[%dma_start3A_80] : memref<200xi32, #tpu.memory_space<vmem>> -> memref<128xi32, #tpu.memory_space<vmem>>
    %dma_start3A_82 = arith.constant 0 : i32
    %dma_start3A_83 = arith.constant 0 : i32
    %dma_start3A_84 = tpu.memref_slice %arg3[%dma_start3A_82, %dma_start3A_83] : memref<1000000x64xf32, #tpu.memory_space<hbm>> -> memref<1000000x64xf32, #tpu.memory_space<hbm>>
    %dma_start3A_85 = tpu.memref_slice %arg8[%dma_start3A_72] : memref<4x!tpu.dma_semaphore, #tpu.memory_space<semaphore_mem>> -> memref<1x!tpu.dma_semaphore, #tpu.memory_space<semaphore_mem>>
    %dma_start3A_86 = tpu.memref_squeeze %dma_start3A_85 : memref<1x!tpu.dma_semaphore, #tpu.memory_space<semaphore_mem>> -> memref<!tpu.dma_semaphore, #tpu.memory_space<semaphore_mem>>
    tpu.enqueue_indirect_dma source(%dma_start3A_84 : memref<1000000x64xf32, #tpu.memory_space<hbm>>) target(%dma_start3A_76 : memref<128x64xf32, #tpu.memory_space<vmem>>) offsets(%dma_start3A_81 : memref<128xi32, #tpu.memory_space<vmem>>) semaphore(%dma_start3A_86 : memref<!tpu.dma_semaphore, #tpu.memory_space<semaphore_mem>>)
    %dma_start3A_87 = arith.constant 2 : i32
    %dma_start3A_88 = arith.constant 2 : i32
    %dma_start3A_89 = arith.constant 2 : i32
    %dma_start3A_90 = arith.constant 0 : i32
    %dma_start3A_91 = arith.constant 0 : i32
    %dma_start3A_92 = tpu.memref_slice %arg7[%dma_start3A_88, %dma_start3A_90, %dma_start3A_91] : memref<4x72x64xf32, #tpu.memory_space<vmem>> -> memref<1x72x64xf32, #tpu.memory_space<vmem>>
    %dma_start3A_93 = tpu.memref_squeeze %dma_start3A_92 : memref<1x72x64xf32, #tpu.memory_space<vmem>> -> memref<72x64xf32, #tpu.memory_space<vmem>>
    %dma_start3A_94 = arith.constant 0 : i32
    %dma_start3A_95 = tpu.memref_slice %arg5[%dma_start3A_87, %dma_start3A_94] : memref<128x200xi32, #tpu.memory_space<vmem>> -> memref<1x200xi32, #tpu.memory_space<vmem>>
    %dma_start3A_96 = tpu.memref_squeeze %dma_start3A_95 : memref<1x200xi32, #tpu.memory_space<vmem>> -> memref<200xi32, #tpu.memory_space<vmem>>
    %dma_start3A_97 = arith.constant 128 : i32
    %dma_start3A_98 = tpu.memref_slice %dma_start3A_96[%dma_start3A_97] : memref<200xi32, #tpu.memory_space<vmem>> -> memref<72xi32, #tpu.memory_space<vmem>>
    %dma_start3A_99 = arith.constant 0 : i32
    %dma_start3A_100 = arith.constant 0 : i32
    %dma_start3A_101 = tpu.memref_slice %arg3[%dma_start3A_99, %dma_start3A_100] : memref<1000000x64xf32, #tpu.memory_space<hbm>> -> memref<1000000x64xf32, #tpu.memory_space<hbm>>
    %dma_start3A_102 = tpu.memref_slice %arg8[%dma_start3A_89] : memref<4x!tpu.dma_semaphore, #tpu.memory_space<semaphore_mem>> -> memref<1x!tpu.dma_semaphore, #tpu.memory_space<semaphore_mem>>
    %dma_start3A_103 = tpu.memref_squeeze %dma_start3A_102 : memref<1x!tpu.dma_semaphore, #tpu.memory_space<semaphore_mem>> -> memref<!tpu.dma_semaphore, #tpu.memory_space<semaphore_mem>>
    tpu.enqueue_indirect_dma source(%dma_start3A_101 : memref<1000000x64xf32, #tpu.memory_space<hbm>>) target(%dma_start3A_93 : memref<72x64xf32, #tpu.memory_space<vmem>>) offsets(%dma_start3A_98 : memref<72xi32, #tpu.memory_space<vmem>>) semaphore(%dma_start3A_103 : memref<!tpu.dma_semaphore, #tpu.memory_space<semaphore_mem>>)
    %dma_start3A_104 = arith.constant 3 : i32
    %dma_start3A_105 = arith.constant 3 : i32
    %dma_start3A_106 = arith.constant 3 : i32
    %dma_start3A_107 = arith.constant 0 : i32
    %dma_start3A_108 = arith.constant 0 : i32
    %dma_start3A_109 = tpu.memref_slice %arg6[%dma_start3A_105, %dma_start3A_107, %dma_start3A_108] : memref<4x128x64xf32, #tpu.memory_space<vmem>> -> memref<1x128x64xf32, #tpu.memory_space<vmem>>
    %dma_start3A_110 = tpu.memref_squeeze %dma_start3A_109 : memref<1x128x64xf32, #tpu.memory_space<vmem>> -> memref<128x64xf32, #tpu.memory_space<vmem>>
    %dma_start3A_111 = arith.constant 0 : i32
    %dma_start3A_112 = tpu.memref_slice %arg5[%dma_start3A_104, %dma_start3A_111] : memref<128x200xi32, #tpu.memory_space<vmem>> -> memref<1x200xi32, #tpu.memory_space<vmem>>
    %dma_start3A_113 = tpu.memref_squeeze %dma_start3A_112 : memref<1x200xi32, #tpu.memory_space<vmem>> -> memref<200xi32, #tpu.memory_space<vmem>>
    %dma_start3A_114 = arith.constant 0 : i32
    %dma_start3A_115 = tpu.memref_slice %dma_start3A_113[%dma_start3A_114] : memref<200xi32, #tpu.memory_space<vmem>> -> memref<128xi32, #tpu.memory_space<vmem>>
    %dma_start3A_116 = arith.constant 0 : i32
    %dma_start3A_117 = arith.constant 0 : i32
    %dma_start3A_118 = tpu.memref_slice %arg3[%dma_start3A_116, %dma_start3A_117] : memref<1000000x64xf32, #tpu.memory_space<hbm>> -> memref<1000000x64xf32, #tpu.memory_space<hbm>>
    %dma_start3A_119 = tpu.memref_slice %arg8[%dma_start3A_106] : memref<4x!tpu.dma_semaphore, #tpu.memory_space<semaphore_mem>> -> memref<1x!tpu.dma_semaphore, #tpu.memory_space<semaphore_mem>>
    %dma_start3A_120 = tpu.memref_squeeze %dma_start3A_119 : memref<1x!tpu.dma_semaphore, #tpu.memory_space<semaphore_mem>> -> memref<!tpu.dma_semaphore, #tpu.memory_space<semaphore_mem>>
    tpu.enqueue_indirect_dma source(%dma_start3A_118 : memref<1000000x64xf32, #tpu.memory_space<hbm>>) target(%dma_start3A_110 : memref<128x64xf32, #tpu.memory_space<vmem>>) offsets(%dma_start3A_115 : memref<128xi32, #tpu.memory_space<vmem>>) semaphore(%dma_start3A_120 : memref<!tpu.dma_semaphore, #tpu.memory_space<semaphore_mem>>)
    %dma_start3A_121 = arith.constant 3 : i32
    %dma_start3A_122 = arith.constant 3 : i32
    %dma_start3A_123 = arith.constant 3 : i32
    %dma_start3A_124 = arith.constant 0 : i32
    %dma_start3A_125 = arith.constant 0 : i32
    %dma_start3A_126 = tpu.memref_slice %arg7[%dma_start3A_122, %dma_start3A_124, %dma_start3A_125] : memref<4x72x64xf32, #tpu.memory_space<vmem>> -> memref<1x72x64xf32, #tpu.memory_space<vmem>>
    %dma_start3A_127 = tpu.memref_squeeze %dma_start3A_126 : memref<1x72x64xf32, #tpu.memory_space<vmem>> -> memref<72x64xf32, #tpu.memory_space<vmem>>
    %dma_start3A_128 = arith.constant 0 : i32
    %dma_start3A_129 = tpu.memref_slice %arg5[%dma_start3A_121, %dma_start3A_128] : memref<128x200xi32, #tpu.memory_space<vmem>> -> memref<1x200xi32, #tpu.memory_space<vmem>>
    %dma_start3A_130 = tpu.memref_squeeze %dma_start3A_129 : memref<1x200xi32, #tpu.memory_space<vmem>> -> memref<200xi32, #tpu.memory_space<vmem>>
    %dma_start3A_131 = arith.constant 128 : i32
    %dma_start3A_132 = tpu.memref_slice %dma_start3A_130[%dma_start3A_131] : memref<200xi32, #tpu.memory_space<vmem>> -> memref<72xi32, #tpu.memory_space<vmem>>
    %dma_start3A_133 = arith.constant 0 : i32
    %dma_start3A_134 = arith.constant 0 : i32
    %dma_start3A_135 = tpu.memref_slice %arg3[%dma_start3A_133, %dma_start3A_134] : memref<1000000x64xf32, #tpu.memory_space<hbm>> -> memref<1000000x64xf32, #tpu.memory_space<hbm>>
    %dma_start3A_136 = tpu.memref_slice %arg8[%dma_start3A_123] : memref<4x!tpu.dma_semaphore, #tpu.memory_space<semaphore_mem>> -> memref<1x!tpu.dma_semaphore, #tpu.memory_space<semaphore_mem>>
    %dma_start3A_137 = tpu.memref_squeeze %dma_start3A_136 : memref<1x!tpu.dma_semaphore, #tpu.memory_space<semaphore_mem>> -> memref<!tpu.dma_semaphore, #tpu.memory_space<semaphore_mem>>
    tpu.enqueue_indirect_dma source(%dma_start3A_135 : memref<1000000x64xf32, #tpu.memory_space<hbm>>) target(%dma_start3A_127 : memref<72x64xf32, #tpu.memory_space<vmem>>) offsets(%dma_start3A_132 : memref<72xi32, #tpu.memory_space<vmem>>) semaphore(%dma_start3A_137 : memref<!tpu.dma_semaphore, #tpu.memory_space<semaphore_mem>>)
    %scan3A = arith.constant 0 : i32
    %scan3A_138 = arith.constant 0 : i32
    %scan3A_139 = arith.constant 31 : i32
    %scan3A_140 = arith.addi %scan3A_138, %scan3A_139 : i32
    %scan3A_141 = arith.constant 1 : i32
    scf.for %scan3A_726 = %scan3A_138 to %scan3A_140 step %scan3A_141  : i32 {
      %mul3A_727 = arith.constant 4 : i32
      %mul3A_728 = arith.muli %scan3A_726, %mul3A_727 : i32
      %add3A_729 = arith.constant 0 : i32
      %add3A_730 = arith.addi %mul3A_728, %add3A_729 : i32
      %dma_wait3A_731 = arith.constant 0 : i32
      %dma_wait3A_732 = arith.constant 0 : i32
      %dma_wait3A_733 = arith.constant 0 : i32
      %dma_wait3A_734 = arith.constant 0 : i32
      %dma_wait3A_735 = tpu.memref_slice %arg6[%dma_wait3A_731, %dma_wait3A_733, %dma_wait3A_734] : memref<4x128x64xf32, #tpu.memory_space<vmem>> -> memref<1x128x64xf32, #tpu.memory_space<vmem>>
      %dma_wait3A_736 = tpu.memref_squeeze %dma_wait3A_735 : memref<1x128x64xf32, #tpu.memory_space<vmem>> -> memref<128x64xf32, #tpu.memory_space<vmem>>
      %dma_wait3A_737 = arith.constant 0 : i32
      %dma_wait3A_738 = tpu.memref_slice %arg5[%add3A_730, %dma_wait3A_737] : memref<128x200xi32, #tpu.memory_space<vmem>> -> memref<1x200xi32, #tpu.memory_space<vmem>>
      %dma_wait3A_739 = tpu.memref_squeeze %dma_wait3A_738 : memref<1x200xi32, #tpu.memory_space<vmem>> -> memref<200xi32, #tpu.memory_space<vmem>>
      %dma_wait3A_740 = arith.constant 0 : i32
      %dma_wait3A_741 = tpu.memref_slice %dma_wait3A_739[%dma_wait3A_740] : memref<200xi32, #tpu.memory_space<vmem>> -> memref<128xi32, #tpu.memory_space<vmem>>
      %dma_wait3A_742 = arith.constant 0 : i32
      %dma_wait3A_743 = arith.constant 0 : i32
      %dma_wait3A_744 = tpu.memref_slice %arg3[%dma_wait3A_742, %dma_wait3A_743] : memref<1000000x64xf32, #tpu.memory_space<hbm>> -> memref<1000000x64xf32, #tpu.memory_space<hbm>>
      %dma_wait3A_745 = tpu.memref_slice %arg8[%dma_wait3A_732] : memref<4x!tpu.dma_semaphore, #tpu.memory_space<semaphore_mem>> -> memref<1x!tpu.dma_semaphore, #tpu.memory_space<semaphore_mem>>
      %dma_wait3A_746 = tpu.memref_squeeze %dma_wait3A_745 : memref<1x!tpu.dma_semaphore, #tpu.memory_space<semaphore_mem>> -> memref<!tpu.dma_semaphore, #tpu.memory_space<semaphore_mem>>
      tpu.wait_indirect_dma semaphore(%dma_wait3A_746 : memref<!tpu.dma_semaphore, #tpu.memory_space<semaphore_mem>>) src(%dma_wait3A_744 : memref<1000000x64xf32, #tpu.memory_space<hbm>>) dst(%dma_wait3A_736 : memref<128x64xf32, #tpu.memory_space<vmem>>)
      %dma_wait3A_747 = arith.constant 0 : i32
      %dma_wait3A_748 = arith.constant 0 : i32
      %dma_wait3A_749 = arith.constant 0 : i32
      %dma_wait3A_750 = arith.constant 0 : i32
      %dma_wait3A_751 = tpu.memref_slice %arg7[%dma_wait3A_747, %dma_wait3A_749, %dma_wait3A_750] : memref<4x72x64xf32, #tpu.memory_space<vmem>> -> memref<1x72x64xf32, #tpu.memory_space<vmem>>
      %dma_wait3A_752 = tpu.memref_squeeze %dma_wait3A_751 : memref<1x72x64xf32, #tpu.memory_space<vmem>> -> memref<72x64xf32, #tpu.memory_space<vmem>>
      %dma_wait3A_753 = arith.constant 0 : i32
      %dma_wait3A_754 = tpu.memref_slice %arg5[%add3A_730, %dma_wait3A_753] : memref<128x200xi32, #tpu.memory_space<vmem>> -> memref<1x200xi32, #tpu.memory_space<vmem>>
      %dma_wait3A_755 = tpu.memref_squeeze %dma_wait3A_754 : memref<1x200xi32, #tpu.memory_space<vmem>> -> memref<200xi32, #tpu.memory_space<vmem>>
      %dma_wait3A_756 = arith.constant 128 : i32
      %dma_wait3A_757 = tpu.memref_slice %dma_wait3A_755[%dma_wait3A_756] : memref<200xi32, #tpu.memory_space<vmem>> -> memref<72xi32, #tpu.memory_space<vmem>>
      %dma_wait3A_758 = arith.constant 0 : i32
      %dma_wait3A_759 = arith.constant 0 : i32
      %dma_wait3A_760 = tpu.memref_slice %arg3[%dma_wait3A_758, %dma_wait3A_759] : memref<1000000x64xf32, #tpu.memory_space<hbm>> -> memref<1000000x64xf32, #tpu.memory_space<hbm>>
      %dma_wait3A_761 = tpu.memref_slice %arg8[%dma_wait3A_748] : memref<4x!tpu.dma_semaphore, #tpu.memory_space<semaphore_mem>> -> memref<1x!tpu.dma_semaphore, #tpu.memory_space<semaphore_mem>>
      %dma_wait3A_762 = tpu.memref_squeeze %dma_wait3A_761 : memref<1x!tpu.dma_semaphore, #tpu.memory_space<semaphore_mem>> -> memref<!tpu.dma_semaphore, #tpu.memory_space<semaphore_mem>>
      tpu.wait_indirect_dma semaphore(%dma_wait3A_762 : memref<!tpu.dma_semaphore, #tpu.memory_space<semaphore_mem>>) src(%dma_wait3A_760 : memref<1000000x64xf32, #tpu.memory_space<hbm>>) dst(%dma_wait3A_752 : memref<72x64xf32, #tpu.memory_space<vmem>>)
      %add3A_763 = arith.constant 0 : i32
      %add3A_764 = arith.addi %mul3A_728, %add3A_763 : i32
      %add3A_765 = arith.addi %mul3A_2, %add3A_764 : i32
      %dma_start3A_766 = arith.constant 0 : i32
      %dma_start3A_767 = arith.constant 0 : i32
      %dma_start3A_768 = arith.constant 0 : i32
      %dma_start3A_769 = arith.constant 0 : i32
      %dma_start3A_770 = tpu.memref_slice %arg6[%dma_start3A_766, %dma_start3A_768, %dma_start3A_769] : memref<4x128x64xf32, #tpu.memory_space<vmem>> -> memref<1x128x64xf32, #tpu.memory_space<vmem>>
      %dma_start3A_771 = tpu.memref_squeeze %dma_start3A_770 : memref<1x128x64xf32, #tpu.memory_space<vmem>> -> memref<128x64xf32, #tpu.memory_space<vmem>>
      %dma_start3A_772 = arith.constant 0 : i32
      %dma_start3A_773 = arith.constant 0 : i32
      %dma_start3A_774 = tpu.memref_slice %arg4[%add3A_765, %dma_start3A_772, %dma_start3A_773] : memref<4096x200x64xf32, #tpu.memory_space<hbm>> -> memref<1x200x64xf32, #tpu.memory_space<hbm>>
      %dma_start3A_775 = tpu.memref_squeeze %dma_start3A_774 : memref<1x200x64xf32, #tpu.memory_space<hbm>> -> memref<200x64xf32, #tpu.memory_space<hbm>>
      %dma_start3A_776 = arith.constant 0 : i32
      %dma_start3A_777 = arith.constant 0 : i32
      %dma_start3A_778 = tpu.memref_slice %dma_start3A_775[%dma_start3A_776, %dma_start3A_777] : memref<200x64xf32, #tpu.memory_space<hbm>> -> memref<128x64xf32, #tpu.memory_space<hbm>>
      %dma_start3A_779 = tpu.memref_slice %arg9[%dma_start3A_767] : memref<4x!tpu.dma_semaphore, #tpu.memory_space<semaphore_mem>> -> memref<1x!tpu.dma_semaphore, #tpu.memory_space<semaphore_mem>>
      %dma_start3A_780 = tpu.memref_squeeze %dma_start3A_779 : memref<1x!tpu.dma_semaphore, #tpu.memory_space<semaphore_mem>> -> memref<!tpu.dma_semaphore, #tpu.memory_space<semaphore_mem>>
      %dma_start3A_781 = arith.constant 0 : i32
      %dma_start3A_782 = arith.constant 0 : i32
      %dma_start3A_783 = tpu.memref_slice %arg4[%add3A_765, %dma_start3A_781, %dma_start3A_782] : memref<4096x200x64xf32, #tpu.memory_space<hbm>> -> memref<1x200x64xf32, #tpu.memory_space<hbm>>
      %dma_start3A_784 = tpu.memref_squeeze %dma_start3A_783 : memref<1x200x64xf32, #tpu.memory_space<hbm>> -> memref<200x64xf32, #tpu.memory_space<hbm>>
      %dma_start3A_785 = arith.constant 0 : i32
      %dma_start3A_786 = arith.constant 0 : i32
      %dma_start3A_787 = tpu.memref_slice %dma_start3A_784[%dma_start3A_785, %dma_start3A_786] : memref<200x64xf32, #tpu.memory_space<hbm>> -> memref<128x64xf32, #tpu.memory_space<hbm>>
      %dma_start3A_788 = arith.constant 0 : i32
      %dma_start3A_789 = arith.constant 0 : i32
      %dma_start3A_790 = tpu.memref_slice %arg6[%dma_start3A_766, %dma_start3A_788, %dma_start3A_789] : memref<4x128x64xf32, #tpu.memory_space<vmem>> -> memref<1x128x64xf32, #tpu.memory_space<vmem>>
      %dma_start3A_791 = tpu.memref_squeeze %dma_start3A_790 : memref<1x128x64xf32, #tpu.memory_space<vmem>> -> memref<128x64xf32, #tpu.memory_space<vmem>>
      tpu.enqueue_dma source(%dma_start3A_791 : memref<128x64xf32, #tpu.memory_space<vmem>>) target(%dma_start3A_787 : memref<128x64xf32, #tpu.memory_space<hbm>>) target_semaphore(%dma_start3A_780 : memref<!tpu.dma_semaphore, #tpu.memory_space<semaphore_mem>>)
      %add3A_792 = arith.addi %mul3A_2, %add3A_764 : i32
      %dma_start3A_793 = arith.constant 0 : i32
      %dma_start3A_794 = arith.constant 0 : i32
      %dma_start3A_795 = arith.constant 0 : i32
      %dma_start3A_796 = arith.constant 0 : i32
      %dma_start3A_797 = tpu.memref_slice %arg7[%dma_start3A_793, %dma_start3A_795, %dma_start3A_796] : memref<4x72x64xf32, #tpu.memory_space<vmem>> -> memref<1x72x64xf32, #tpu.memory_space<vmem>>
      %dma_start3A_798 = tpu.memref_squeeze %dma_start3A_797 : memref<1x72x64xf32, #tpu.memory_space<vmem>> -> memref<72x64xf32, #tpu.memory_space<vmem>>
      %dma_start3A_799 = arith.constant 0 : i32
      %dma_start3A_800 = arith.constant 0 : i32
      %dma_start3A_801 = tpu.memref_slice %arg4[%add3A_792, %dma_start3A_799, %dma_start3A_800] : memref<4096x200x64xf32, #tpu.memory_space<hbm>> -> memref<1x200x64xf32, #tpu.memory_space<hbm>>
      %dma_start3A_802 = tpu.memref_squeeze %dma_start3A_801 : memref<1x200x64xf32, #tpu.memory_space<hbm>> -> memref<200x64xf32, #tpu.memory_space<hbm>>
      %dma_start3A_803 = arith.constant 128 : i32
      %dma_start3A_804 = arith.constant 0 : i32
      %dma_start3A_805 = tpu.memref_slice %dma_start3A_802[%dma_start3A_803, %dma_start3A_804] : memref<200x64xf32, #tpu.memory_space<hbm>> -> memref<72x64xf32, #tpu.memory_space<hbm>>
      %dma_start3A_806 = tpu.memref_slice %arg9[%dma_start3A_794] : memref<4x!tpu.dma_semaphore, #tpu.memory_space<semaphore_mem>> -> memref<1x!tpu.dma_semaphore, #tpu.memory_space<semaphore_mem>>
      %dma_start3A_807 = tpu.memref_squeeze %dma_start3A_806 : memref<1x!tpu.dma_semaphore, #tpu.memory_space<semaphore_mem>> -> memref<!tpu.dma_semaphore, #tpu.memory_space<semaphore_mem>>
      %dma_start3A_808 = arith.constant 0 : i32
      %dma_start3A_809 = arith.constant 0 : i32
      %dma_start3A_810 = tpu.memref_slice %arg4[%add3A_792, %dma_start3A_808, %dma_start3A_809] : memref<4096x200x64xf32, #tpu.memory_space<hbm>> -> memref<1x200x64xf32, #tpu.memory_space<hbm>>
      %dma_start3A_811 = tpu.memref_squeeze %dma_start3A_810 : memref<1x200x64xf32, #tpu.memory_space<hbm>> -> memref<200x64xf32, #tpu.memory_space<hbm>>
      %dma_start3A_812 = arith.constant 128 : i32
      %dma_start3A_813 = arith.constant 0 : i32
      %dma_start3A_814 = tpu.memref_slice %dma_start3A_811[%dma_start3A_812, %dma_start3A_813] : memref<200x64xf32, #tpu.memory_space<hbm>> -> memref<72x64xf32, #tpu.memory_space<hbm>>
      %dma_start3A_815 = arith.constant 0 : i32
      %dma_start3A_816 = arith.constant 0 : i32
      %dma_start3A_817 = tpu.memref_slice %arg7[%dma_start3A_793, %dma_start3A_815, %dma_start3A_816] : memref<4x72x64xf32, #tpu.memory_space<vmem>> -> memref<1x72x64xf32, #tpu.memory_space<vmem>>
      %dma_start3A_818 = tpu.memref_squeeze %dma_start3A_817 : memref<1x72x64xf32, #tpu.memory_space<vmem>> -> memref<72x64xf32, #tpu.memory_space<vmem>>
      tpu.enqueue_dma source(%dma_start3A_818 : memref<72x64xf32, #tpu.memory_space<vmem>>) target(%dma_start3A_814 : memref<72x64xf32, #tpu.memory_space<hbm>>) target_semaphore(%dma_start3A_807 : memref<!tpu.dma_semaphore, #tpu.memory_space<semaphore_mem>>)
      %add3A_819 = arith.constant 1 : i32
      %add3A_820 = arith.addi %mul3A_728, %add3A_819 : i32
      %dma_wait3A_821 = arith.constant 1 : i32
      %dma_wait3A_822 = arith.constant 1 : i32
      %dma_wait3A_823 = arith.constant 0 : i32
      %dma_wait3A_824 = arith.constant 0 : i32
      %dma_wait3A_825 = tpu.memref_slice %arg6[%dma_wait3A_821, %dma_wait3A_823, %dma_wait3A_824] : memref<4x128x64xf32, #tpu.memory_space<vmem>> -> memref<1x128x64xf32, #tpu.memory_space<vmem>>
      %dma_wait3A_826 = tpu.memref_squeeze %dma_wait3A_825 : memref<1x128x64xf32, #tpu.memory_space<vmem>> -> memref<128x64xf32, #tpu.memory_space<vmem>>
      %dma_wait3A_827 = arith.constant 0 : i32
      %dma_wait3A_828 = tpu.memref_slice %arg5[%add3A_820, %dma_wait3A_827] : memref<128x200xi32, #tpu.memory_space<vmem>> -> memref<1x200xi32, #tpu.memory_space<vmem>>
      %dma_wait3A_829 = tpu.memref_squeeze %dma_wait3A_828 : memref<1x200xi32, #tpu.memory_space<vmem>> -> memref<200xi32, #tpu.memory_space<vmem>>
      %dma_wait3A_830 = arith.constant 0 : i32
      %dma_wait3A_831 = tpu.memref_slice %dma_wait3A_829[%dma_wait3A_830] : memref<200xi32, #tpu.memory_space<vmem>> -> memref<128xi32, #tpu.memory_space<vmem>>
      %dma_wait3A_832 = arith.constant 0 : i32
      %dma_wait3A_833 = arith.constant 0 : i32
      %dma_wait3A_834 = tpu.memref_slice %arg3[%dma_wait3A_832, %dma_wait3A_833] : memref<1000000x64xf32, #tpu.memory_space<hbm>> -> memref<1000000x64xf32, #tpu.memory_space<hbm>>
      %dma_wait3A_835 = tpu.memref_slice %arg8[%dma_wait3A_822] : memref<4x!tpu.dma_semaphore, #tpu.memory_space<semaphore_mem>> -> memref<1x!tpu.dma_semaphore, #tpu.memory_space<semaphore_mem>>
      %dma_wait3A_836 = tpu.memref_squeeze %dma_wait3A_835 : memref<1x!tpu.dma_semaphore, #tpu.memory_space<semaphore_mem>> -> memref<!tpu.dma_semaphore, #tpu.memory_space<semaphore_mem>>
      tpu.wait_indirect_dma semaphore(%dma_wait3A_836 : memref<!tpu.dma_semaphore, #tpu.memory_space<semaphore_mem>>) src(%dma_wait3A_834 : memref<1000000x64xf32, #tpu.memory_space<hbm>>) dst(%dma_wait3A_826 : memref<128x64xf32, #tpu.memory_space<vmem>>)
      %dma_wait3A_837 = arith.constant 1 : i32
      %dma_wait3A_838 = arith.constant 1 : i32
      %dma_wait3A_839 = arith.constant 0 : i32
      %dma_wait3A_840 = arith.constant 0 : i32
      %dma_wait3A_841 = tpu.memref_slice %arg7[%dma_wait3A_837, %dma_wait3A_839, %dma_wait3A_840] : memref<4x72x64xf32, #tpu.memory_space<vmem>> -> memref<1x72x64xf32, #tpu.memory_space<vmem>>
      %dma_wait3A_842 = tpu.memref_squeeze %dma_wait3A_841 : memref<1x72x64xf32, #tpu.memory_space<vmem>> -> memref<72x64xf32, #tpu.memory_space<vmem>>
      %dma_wait3A_843 = arith.constant 0 : i32
      %dma_wait3A_844 = tpu.memref_slice %arg5[%add3A_820, %dma_wait3A_843] : memref<128x200xi32, #tpu.memory_space<vmem>> -> memref<1x200xi32, #tpu.memory_space<vmem>>
      %dma_wait3A_845 = tpu.memref_squeeze %dma_wait3A_844 : memref<1x200xi32, #tpu.memory_space<vmem>> -> memref<200xi32, #tpu.memory_space<vmem>>
      %dma_wait3A_846 = arith.constant 128 : i32
      %dma_wait3A_847 = tpu.memref_slice %dma_wait3A_845[%dma_wait3A_846] : memref<200xi32, #tpu.memory_space<vmem>> -> memref<72xi32, #tpu.memory_space<vmem>>
      %dma_wait3A_848 = arith.constant 0 : i32
      %dma_wait3A_849 = arith.constant 0 : i32
      %dma_wait3A_850 = tpu.memref_slice %arg3[%dma_wait3A_848, %dma_wait3A_849] : memref<1000000x64xf32, #tpu.memory_space<hbm>> -> memref<1000000x64xf32, #tpu.memory_space<hbm>>
      %dma_wait3A_851 = tpu.memref_slice %arg8[%dma_wait3A_838] : memref<4x!tpu.dma_semaphore, #tpu.memory_space<semaphore_mem>> -> memref<1x!tpu.dma_semaphore, #tpu.memory_space<semaphore_mem>>
      %dma_wait3A_852 = tpu.memref_squeeze %dma_wait3A_851 : memref<1x!tpu.dma_semaphore, #tpu.memory_space<semaphore_mem>> -> memref<!tpu.dma_semaphore, #tpu.memory_space<semaphore_mem>>
      tpu.wait_indirect_dma semaphore(%dma_wait3A_852 : memref<!tpu.dma_semaphore, #tpu.memory_space<semaphore_mem>>) src(%dma_wait3A_850 : memref<1000000x64xf32, #tpu.memory_space<hbm>>) dst(%dma_wait3A_842 : memref<72x64xf32, #tpu.memory_space<vmem>>)
      %add3A_853 = arith.constant 1 : i32
      %add3A_854 = arith.addi %mul3A_728, %add3A_853 : i32
      %add3A_855 = arith.addi %mul3A_2, %add3A_854 : i32
      %dma_start3A_856 = arith.constant 1 : i32
      %dma_start3A_857 = arith.constant 1 : i32
      %dma_start3A_858 = arith.constant 0 : i32
      %dma_start3A_859 = arith.constant 0 : i32
      %dma_start3A_860 = tpu.memref_slice %arg6[%dma_start3A_856, %dma_start3A_858, %dma_start3A_859] : memref<4x128x64xf32, #tpu.memory_space<vmem>> -> memref<1x128x64xf32, #tpu.memory_space<vmem>>
      %dma_start3A_861 = tpu.memref_squeeze %dma_start3A_860 : memref<1x128x64xf32, #tpu.memory_space<vmem>> -> memref<128x64xf32, #tpu.memory_space<vmem>>
      %dma_start3A_862 = arith.constant 0 : i32
      %dma_start3A_863 = arith.constant 0 : i32
      %dma_start3A_864 = tpu.memref_slice %arg4[%add3A_855, %dma_start3A_862, %dma_start3A_863] : memref<4096x200x64xf32, #tpu.memory_space<hbm>> -> memref<1x200x64xf32, #tpu.memory_space<hbm>>
      %dma_start3A_865 = tpu.memref_squeeze %dma_start3A_864 : memref<1x200x64xf32, #tpu.memory_space<hbm>> -> memref<200x64xf32, #tpu.memory_space<hbm>>
      %dma_start3A_866 = arith.constant 0 : i32
      %dma_start3A_867 = arith.constant 0 : i32
      %dma_start3A_868 = tpu.memref_slice %dma_start3A_865[%dma_start3A_866, %dma_start3A_867] : memref<200x64xf32, #tpu.memory_space<hbm>> -> memref<128x64xf32, #tpu.memory_space<hbm>>
      %dma_start3A_869 = tpu.memref_slice %arg9[%dma_start3A_857] : memref<4x!tpu.dma_semaphore, #tpu.memory_space<semaphore_mem>> -> memref<1x!tpu.dma_semaphore, #tpu.memory_space<semaphore_mem>>
      %dma_start3A_870 = tpu.memref_squeeze %dma_start3A_869 : memref<1x!tpu.dma_semaphore, #tpu.memory_space<semaphore_mem>> -> memref<!tpu.dma_semaphore, #tpu.memory_space<semaphore_mem>>
      %dma_start3A_871 = arith.constant 0 : i32
      %dma_start3A_872 = arith.constant 0 : i32
      %dma_start3A_873 = tpu.memref_slice %arg4[%add3A_855, %dma_start3A_871, %dma_start3A_872] : memref<4096x200x64xf32, #tpu.memory_space<hbm>> -> memref<1x200x64xf32, #tpu.memory_space<hbm>>
      %dma_start3A_874 = tpu.memref_squeeze %dma_start3A_873 : memref<1x200x64xf32, #tpu.memory_space<hbm>> -> memref<200x64xf32, #tpu.memory_space<hbm>>
      %dma_start3A_875 = arith.constant 0 : i32
      %dma_start3A_876 = arith.constant 0 : i32
      %dma_start3A_877 = tpu.memref_slice %dma_start3A_874[%dma_start3A_875, %dma_start3A_876] : memref<200x64xf32, #tpu.memory_space<hbm>> -> memref<128x64xf32, #tpu.memory_space<hbm>>
      %dma_start3A_878 = arith.constant 0 : i32
      %dma_start3A_879 = arith.constant 0 : i32
      %dma_start3A_880 = tpu.memref_slice %arg6[%dma_start3A_856, %dma_start3A_878, %dma_start3A_879] : memref<4x128x64xf32, #tpu.memory_space<vmem>> -> memref<1x128x64xf32, #tpu.memory_space<vmem>>
      %dma_start3A_881 = tpu.memref_squeeze %dma_start3A_880 : memref<1x128x64xf32, #tpu.memory_space<vmem>> -> memref<128x64xf32, #tpu.memory_space<vmem>>
      tpu.enqueue_dma source(%dma_start3A_881 : memref<128x64xf32, #tpu.memory_space<vmem>>) target(%dma_start3A_877 : memref<128x64xf32, #tpu.memory_space<hbm>>) target_semaphore(%dma_start3A_870 : memref<!tpu.dma_semaphore, #tpu.memory_space<semaphore_mem>>)
      %add3A_882 = arith.addi %mul3A_2, %add3A_854 : i32
      %dma_start3A_883 = arith.constant 1 : i32
      %dma_start3A_884 = arith.constant 1 : i32
      %dma_start3A_885 = arith.constant 0 : i32
      %dma_start3A_886 = arith.constant 0 : i32
      %dma_start3A_887 = tpu.memref_slice %arg7[%dma_start3A_883, %dma_start3A_885, %dma_start3A_886] : memref<4x72x64xf32, #tpu.memory_space<vmem>> -> memref<1x72x64xf32, #tpu.memory_space<vmem>>
      %dma_start3A_888 = tpu.memref_squeeze %dma_start3A_887 : memref<1x72x64xf32, #tpu.memory_space<vmem>> -> memref<72x64xf32, #tpu.memory_space<vmem>>
      %dma_start3A_889 = arith.constant 0 : i32
      %dma_start3A_890 = arith.constant 0 : i32
      %dma_start3A_891 = tpu.memref_slice %arg4[%add3A_882, %dma_start3A_889, %dma_start3A_890] : memref<4096x200x64xf32, #tpu.memory_space<hbm>> -> memref<1x200x64xf32, #tpu.memory_space<hbm>>
      %dma_start3A_892 = tpu.memref_squeeze %dma_start3A_891 : memref<1x200x64xf32, #tpu.memory_space<hbm>> -> memref<200x64xf32, #tpu.memory_space<hbm>>
      %dma_start3A_893 = arith.constant 128 : i32
      %dma_start3A_894 = arith.constant 0 : i32
      %dma_start3A_895 = tpu.memref_slice %dma_start3A_892[%dma_start3A_893, %dma_start3A_894] : memref<200x64xf32, #tpu.memory_space<hbm>> -> memref<72x64xf32, #tpu.memory_space<hbm>>
      %dma_start3A_896 = tpu.memref_slice %arg9[%dma_start3A_884] : memref<4x!tpu.dma_semaphore, #tpu.memory_space<semaphore_mem>> -> memref<1x!tpu.dma_semaphore, #tpu.memory_space<semaphore_mem>>
      %dma_start3A_897 = tpu.memref_squeeze %dma_start3A_896 : memref<1x!tpu.dma_semaphore, #tpu.memory_space<semaphore_mem>> -> memref<!tpu.dma_semaphore, #tpu.memory_space<semaphore_mem>>
      %dma_start3A_898 = arith.constant 0 : i32
      %dma_start3A_899 = arith.constant 0 : i32
      %dma_start3A_900 = tpu.memref_slice %arg4[%add3A_882, %dma_start3A_898, %dma_start3A_899] : memref<4096x200x64xf32, #tpu.memory_space<hbm>> -> memref<1x200x64xf32, #tpu.memory_space<hbm>>
      %dma_start3A_901 = tpu.memref_squeeze %dma_start3A_900 : memref<1x200x64xf32, #tpu.memory_space<hbm>> -> memref<200x64xf32, #tpu.memory_space<hbm>>
      %dma_start3A_902 = arith.constant 128 : i32
      %dma_start3A_903 = arith.constant 0 : i32
      %dma_start3A_904 = tpu.memref_slice %dma_start3A_901[%dma_start3A_902, %dma_start3A_903] : memref<200x64xf32, #tpu.memory_space<hbm>> -> memref<72x64xf32, #tpu.memory_space<hbm>>
      %dma_start3A_905 = arith.constant 0 : i32
      %dma_start3A_906 = arith.constant 0 : i32
      %dma_start3A_907 = tpu.memref_slice %arg7[%dma_start3A_883, %dma_start3A_905, %dma_start3A_906] : memref<4x72x64xf32, #tpu.memory_space<vmem>> -> memref<1x72x64xf32, #tpu.memory_space<vmem>>
      %dma_start3A_908 = tpu.memref_squeeze %dma_start3A_907 : memref<1x72x64xf32, #tpu.memory_space<vmem>> -> memref<72x64xf32, #tpu.memory_space<vmem>>
      tpu.enqueue_dma source(%dma_start3A_908 : memref<72x64xf32, #tpu.memory_space<vmem>>) target(%dma_start3A_904 : memref<72x64xf32, #tpu.memory_space<hbm>>) target_semaphore(%dma_start3A_897 : memref<!tpu.dma_semaphore, #tpu.memory_space<semaphore_mem>>)
      %add3A_909 = arith.constant 2 : i32
      %add3A_910 = arith.addi %mul3A_728, %add3A_909 : i32
      %dma_wait3A_911 = arith.constant 2 : i32
      %dma_wait3A_912 = arith.constant 2 : i32
      %dma_wait3A_913 = arith.constant 0 : i32
      %dma_wait3A_914 = arith.constant 0 : i32
      %dma_wait3A_915 = tpu.memref_slice %arg6[%dma_wait3A_911, %dma_wait3A_913, %dma_wait3A_914] : memref<4x128x64xf32, #tpu.memory_space<vmem>> -> memref<1x128x64xf32, #tpu.memory_space<vmem>>
      %dma_wait3A_916 = tpu.memref_squeeze %dma_wait3A_915 : memref<1x128x64xf32, #tpu.memory_space<vmem>> -> memref<128x64xf32, #tpu.memory_space<vmem>>
      %dma_wait3A_917 = arith.constant 0 : i32
      %dma_wait3A_918 = tpu.memref_slice %arg5[%add3A_910, %dma_wait3A_917] : memref<128x200xi32, #tpu.memory_space<vmem>> -> memref<1x200xi32, #tpu.memory_space<vmem>>
      %dma_wait3A_919 = tpu.memref_squeeze %dma_wait3A_918 : memref<1x200xi32, #tpu.memory_space<vmem>> -> memref<200xi32, #tpu.memory_space<vmem>>
      %dma_wait3A_920 = arith.constant 0 : i32
      %dma_wait3A_921 = tpu.memref_slice %dma_wait3A_919[%dma_wait3A_920] : memref<200xi32, #tpu.memory_space<vmem>> -> memref<128xi32, #tpu.memory_space<vmem>>
      %dma_wait3A_922 = arith.constant 0 : i32
      %dma_wait3A_923 = arith.constant 0 : i32
      %dma_wait3A_924 = tpu.memref_slice %arg3[%dma_wait3A_922, %dma_wait3A_923] : memref<1000000x64xf32, #tpu.memory_space<hbm>> -> memref<1000000x64xf32, #tpu.memory_space<hbm>>
      %dma_wait3A_925 = tpu.memref_slice %arg8[%dma_wait3A_912] : memref<4x!tpu.dma_semaphore, #tpu.memory_space<semaphore_mem>> -> memref<1x!tpu.dma_semaphore, #tpu.memory_space<semaphore_mem>>
      %dma_wait3A_926 = tpu.memref_squeeze %dma_wait3A_925 : memref<1x!tpu.dma_semaphore, #tpu.memory_space<semaphore_mem>> -> memref<!tpu.dma_semaphore, #tpu.memory_space<semaphore_mem>>
      tpu.wait_indirect_dma semaphore(%dma_wait3A_926 : memref<!tpu.dma_semaphore, #tpu.memory_space<semaphore_mem>>) src(%dma_wait3A_924 : memref<1000000x64xf32, #tpu.memory_space<hbm>>) dst(%dma_wait3A_916 : memref<128x64xf32, #tpu.memory_space<vmem>>)
      %dma_wait3A_927 = arith.constant 2 : i32
      %dma_wait3A_928 = arith.constant 2 : i32
      %dma_wait3A_929 = arith.constant 0 : i32
      %dma_wait3A_930 = arith.constant 0 : i32
      %dma_wait3A_931 = tpu.memref_slice %arg7[%dma_wait3A_927, %dma_wait3A_929, %dma_wait3A_930] : memref<4x72x64xf32, #tpu.memory_space<vmem>> -> memref<1x72x64xf32, #tpu.memory_space<vmem>>
      %dma_wait3A_932 = tpu.memref_squeeze %dma_wait3A_931 : memref<1x72x64xf32, #tpu.memory_space<vmem>> -> memref<72x64xf32, #tpu.memory_space<vmem>>
      %dma_wait3A_933 = arith.constant 0 : i32
      %dma_wait3A_934 = tpu.memref_slice %arg5[%add3A_910, %dma_wait3A_933] : memref<128x200xi32, #tpu.memory_space<vmem>> -> memref<1x200xi32, #tpu.memory_space<vmem>>
      %dma_wait3A_935 = tpu.memref_squeeze %dma_wait3A_934 : memref<1x200xi32, #tpu.memory_space<vmem>> -> memref<200xi32, #tpu.memory_space<vmem>>
      %dma_wait3A_936 = arith.constant 128 : i32
      %dma_wait3A_937 = tpu.memref_slice %dma_wait3A_935[%dma_wait3A_936] : memref<200xi32, #tpu.memory_space<vmem>> -> memref<72xi32, #tpu.memory_space<vmem>>
      %dma_wait3A_938 = arith.constant 0 : i32
      %dma_wait3A_939 = arith.constant 0 : i32
      %dma_wait3A_940 = tpu.memref_slice %arg3[%dma_wait3A_938, %dma_wait3A_939] : memref<1000000x64xf32, #tpu.memory_space<hbm>> -> memref<1000000x64xf32, #tpu.memory_space<hbm>>
      %dma_wait3A_941 = tpu.memref_slice %arg8[%dma_wait3A_928] : memref<4x!tpu.dma_semaphore, #tpu.memory_space<semaphore_mem>> -> memref<1x!tpu.dma_semaphore, #tpu.memory_space<semaphore_mem>>
      %dma_wait3A_942 = tpu.memref_squeeze %dma_wait3A_941 : memref<1x!tpu.dma_semaphore, #tpu.memory_space<semaphore_mem>> -> memref<!tpu.dma_semaphore, #tpu.memory_space<semaphore_mem>>
      tpu.wait_indirect_dma semaphore(%dma_wait3A_942 : memref<!tpu.dma_semaphore, #tpu.memory_space<semaphore_mem>>) src(%dma_wait3A_940 : memref<1000000x64xf32, #tpu.memory_space<hbm>>) dst(%dma_wait3A_932 : memref<72x64xf32, #tpu.memory_space<vmem>>)
      %add3A_943 = arith.constant 2 : i32
      %add3A_944 = arith.addi %mul3A_728, %add3A_943 : i32
      %add3A_945 = arith.addi %mul3A_2, %add3A_944 : i32
      %dma_start3A_946 = arith.constant 2 : i32
      %dma_start3A_947 = arith.constant 2 : i32
      %dma_start3A_948 = arith.constant 0 : i32
      %dma_start3A_949 = arith.constant 0 : i32
      %dma_start3A_950 = tpu.memref_slice %arg6[%dma_start3A_946, %dma_start3A_948, %dma_start3A_949] : memref<4x128x64xf32, #tpu.memory_space<vmem>> -> memref<1x128x64xf32, #tpu.memory_space<vmem>>
      %dma_start3A_951 = tpu.memref_squeeze %dma_start3A_950 : memref<1x128x64xf32, #tpu.memory_space<vmem>> -> memref<128x64xf32, #tpu.memory_space<vmem>>
      %dma_start3A_952 = arith.constant 0 : i32
      %dma_start3A_953 = arith.constant 0 : i32
      %dma_start3A_954 = tpu.memref_slice %arg4[%add3A_945, %dma_start3A_952, %dma_start3A_953] : memref<4096x200x64xf32, #tpu.memory_space<hbm>> -> memref<1x200x64xf32, #tpu.memory_space<hbm>>
      %dma_start3A_955 = tpu.memref_squeeze %dma_start3A_954 : memref<1x200x64xf32, #tpu.memory_space<hbm>> -> memref<200x64xf32, #tpu.memory_space<hbm>>
      %dma_start3A_956 = arith.constant 0 : i32
      %dma_start3A_957 = arith.constant 0 : i32
      %dma_start3A_958 = tpu.memref_slice %dma_start3A_955[%dma_start3A_956, %dma_start3A_957] : memref<200x64xf32, #tpu.memory_space<hbm>> -> memref<128x64xf32, #tpu.memory_space<hbm>>
      %dma_start3A_959 = tpu.memref_slice %arg9[%dma_start3A_947] : memref<4x!tpu.dma_semaphore, #tpu.memory_space<semaphore_mem>> -> memref<1x!tpu.dma_semaphore, #tpu.memory_space<semaphore_mem>>
      %dma_start3A_960 = tpu.memref_squeeze %dma_start3A_959 : memref<1x!tpu.dma_semaphore, #tpu.memory_space<semaphore_mem>> -> memref<!tpu.dma_semaphore, #tpu.memory_space<semaphore_mem>>
      %dma_start3A_961 = arith.constant 0 : i32
      %dma_start3A_962 = arith.constant 0 : i32
      %dma_start3A_963 = tpu.memref_slice %arg4[%add3A_945, %dma_start3A_961, %dma_start3A_962] : memref<4096x200x64xf32, #tpu.memory_space<hbm>> -> memref<1x200x64xf32, #tpu.memory_space<hbm>>
      %dma_start3A_964 = tpu.memref_squeeze %dma_start3A_963 : memref<1x200x64xf32, #tpu.memory_space<hbm>> -> memref<200x64xf32, #tpu.memory_space<hbm>>
      %dma_start3A_965 = arith.constant 0 : i32
      %dma_start3A_966 = arith.constant 0 : i32
      %dma_start3A_967 = tpu.memref_slice %dma_start3A_964[%dma_start3A_965, %dma_start3A_966] : memref<200x64xf32, #tpu.memory_space<hbm>> -> memref<128x64xf32, #tpu.memory_space<hbm>>
      %dma_start3A_968 = arith.constant 0 : i32
      %dma_start3A_969 = arith.constant 0 : i32
      %dma_start3A_970 = tpu.memref_slice %arg6[%dma_start3A_946, %dma_start3A_968, %dma_start3A_969] : memref<4x128x64xf32, #tpu.memory_space<vmem>> -> memref<1x128x64xf32, #tpu.memory_space<vmem>>
      %dma_start3A_971 = tpu.memref_squeeze %dma_start3A_970 : memref<1x128x64xf32, #tpu.memory_space<vmem>> -> memref<128x64xf32, #tpu.memory_space<vmem>>
      tpu.enqueue_dma source(%dma_start3A_971 : memref<128x64xf32, #tpu.memory_space<vmem>>) target(%dma_start3A_967 : memref<128x64xf32, #tpu.memory_space<hbm>>) target_semaphore(%dma_start3A_960 : memref<!tpu.dma_semaphore, #tpu.memory_space<semaphore_mem>>)
      %add3A_972 = arith.addi %mul3A_2, %add3A_944 : i32
      %dma_start3A_973 = arith.constant 2 : i32
      %dma_start3A_974 = arith.constant 2 : i32
      %dma_start3A_975 = arith.constant 0 : i32
      %dma_start3A_976 = arith.constant 0 : i32
      %dma_start3A_977 = tpu.memref_slice %arg7[%dma_start3A_973, %dma_start3A_975, %dma_start3A_976] : memref<4x72x64xf32, #tpu.memory_space<vmem>> -> memref<1x72x64xf32, #tpu.memory_space<vmem>>
      %dma_start3A_978 = tpu.memref_squeeze %dma_start3A_977 : memref<1x72x64xf32, #tpu.memory_space<vmem>> -> memref<72x64xf32, #tpu.memory_space<vmem>>
      %dma_start3A_979 = arith.constant 0 : i32
      %dma_start3A_980 = arith.constant 0 : i32
      %dma_start3A_981 = tpu.memref_slice %arg4[%add3A_972, %dma_start3A_979, %dma_start3A_980] : memref<4096x200x64xf32, #tpu.memory_space<hbm>> -> memref<1x200x64xf32, #tpu.memory_space<hbm>>
      %dma_start3A_982 = tpu.memref_squeeze %dma_start3A_981 : memref<1x200x64xf32, #tpu.memory_space<hbm>> -> memref<200x64xf32, #tpu.memory_space<hbm>>
      %dma_start3A_983 = arith.constant 128 : i32
      %dma_start3A_984 = arith.constant 0 : i32
      %dma_start3A_985 = tpu.memref_slice %dma_start3A_982[%dma_start3A_983, %dma_start3A_984] : memref<200x64xf32, #tpu.memory_space<hbm>> -> memref<72x64xf32, #tpu.memory_space<hbm>>
      %dma_start3A_986 = tpu.memref_slice %arg9[%dma_start3A_974] : memref<4x!tpu.dma_semaphore, #tpu.memory_space<semaphore_mem>> -> memref<1x!tpu.dma_semaphore, #tpu.memory_space<semaphore_mem>>
      %dma_start3A_987 = tpu.memref_squeeze %dma_start3A_986 : memref<1x!tpu.dma_semaphore, #tpu.memory_space<semaphore_mem>> -> memref<!tpu.dma_semaphore, #tpu.memory_space<semaphore_mem>>
      %dma_start3A_988 = arith.constant 0 : i32
      %dma_start3A_989 = arith.constant 0 : i32
      %dma_start3A_990 = tpu.memref_slice %arg4[%add3A_972, %dma_start3A_988, %dma_start3A_989] : memref<4096x200x64xf32, #tpu.memory_space<hbm>> -> memref<1x200x64xf32, #tpu.memory_space<hbm>>
      %dma_start3A_991 = tpu.memref_squeeze %dma_start3A_990 : memref<1x200x64xf32, #tpu.memory_space<hbm>> -> memref<200x64xf32, #tpu.memory_space<hbm>>
      %dma_start3A_992 = arith.constant 128 : i32
      %dma_start3A_993 = arith.constant 0 : i32
      %dma_start3A_994 = tpu.memref_slice %dma_start3A_991[%dma_start3A_992, %dma_start3A_993] : memref<200x64xf32, #tpu.memory_space<hbm>> -> memref<72x64xf32, #tpu.memory_space<hbm>>
      %dma_start3A_995 = arith.constant 0 : i32
      %dma_start3A_996 = arith.constant 0 : i32
      %dma_start3A_997 = tpu.memref_slice %arg7[%dma_start3A_973, %dma_start3A_995, %dma_start3A_996] : memref<4x72x64xf32, #tpu.memory_space<vmem>> -> memref<1x72x64xf32, #tpu.memory_space<vmem>>
      %dma_start3A_998 = tpu.memref_squeeze %dma_start3A_997 : memref<1x72x64xf32, #tpu.memory_space<vmem>> -> memref<72x64xf32, #tpu.memory_space<vmem>>
      tpu.enqueue_dma source(%dma_start3A_998 : memref<72x64xf32, #tpu.memory_space<vmem>>) target(%dma_start3A_994 : memref<72x64xf32, #tpu.memory_space<hbm>>) target_semaphore(%dma_start3A_987 : memref<!tpu.dma_semaphore, #tpu.memory_space<semaphore_mem>>)
      %add3A_999 = arith.constant 3 : i32
      %add3A_1000 = arith.addi %mul3A_728, %add3A_999 : i32
      %dma_wait3A_1001 = arith.constant 3 : i32
      %dma_wait3A_1002 = arith.constant 3 : i32
      %dma_wait3A_1003 = arith.constant 0 : i32
      %dma_wait3A_1004 = arith.constant 0 : i32
      %dma_wait3A_1005 = tpu.memref_slice %arg6[%dma_wait3A_1001, %dma_wait3A_1003, %dma_wait3A_1004] : memref<4x128x64xf32, #tpu.memory_space<vmem>> -> memref<1x128x64xf32, #tpu.memory_space<vmem>>
      %dma_wait3A_1006 = tpu.memref_squeeze %dma_wait3A_1005 : memref<1x128x64xf32, #tpu.memory_space<vmem>> -> memref<128x64xf32, #tpu.memory_space<vmem>>
      %dma_wait3A_1007 = arith.constant 0 : i32
      %dma_wait3A_1008 = tpu.memref_slice %arg5[%add3A_1000, %dma_wait3A_1007] : memref<128x200xi32, #tpu.memory_space<vmem>> -> memref<1x200xi32, #tpu.memory_space<vmem>>
      %dma_wait3A_1009 = tpu.memref_squeeze %dma_wait3A_1008 : memref<1x200xi32, #tpu.memory_space<vmem>> -> memref<200xi32, #tpu.memory_space<vmem>>
      %dma_wait3A_1010 = arith.constant 0 : i32
      %dma_wait3A_1011 = tpu.memref_slice %dma_wait3A_1009[%dma_wait3A_1010] : memref<200xi32, #tpu.memory_space<vmem>> -> memref<128xi32, #tpu.memory_space<vmem>>
      %dma_wait3A_1012 = arith.constant 0 : i32
      %dma_wait3A_1013 = arith.constant 0 : i32
      %dma_wait3A_1014 = tpu.memref_slice %arg3[%dma_wait3A_1012, %dma_wait3A_1013] : memref<1000000x64xf32, #tpu.memory_space<hbm>> -> memref<1000000x64xf32, #tpu.memory_space<hbm>>
      %dma_wait3A_1015 = tpu.memref_slice %arg8[%dma_wait3A_1002] : memref<4x!tpu.dma_semaphore, #tpu.memory_space<semaphore_mem>> -> memref<1x!tpu.dma_semaphore, #tpu.memory_space<semaphore_mem>>
      %dma_wait3A_1016 = tpu.memref_squeeze %dma_wait3A_1015 : memref<1x!tpu.dma_semaphore, #tpu.memory_space<semaphore_mem>> -> memref<!tpu.dma_semaphore, #tpu.memory_space<semaphore_mem>>
      tpu.wait_indirect_dma semaphore(%dma_wait3A_1016 : memref<!tpu.dma_semaphore, #tpu.memory_space<semaphore_mem>>) src(%dma_wait3A_1014 : memref<1000000x64xf32, #tpu.memory_space<hbm>>) dst(%dma_wait3A_1006 : memref<128x64xf32, #tpu.memory_space<vmem>>)
      %dma_wait3A_1017 = arith.constant 3 : i32
      %dma_wait3A_1018 = arith.constant 3 : i32
      %dma_wait3A_1019 = arith.constant 0 : i32
      %dma_wait3A_1020 = arith.constant 0 : i32
      %dma_wait3A_1021 = tpu.memref_slice %arg7[%dma_wait3A_1017, %dma_wait3A_1019, %dma_wait3A_1020] : memref<4x72x64xf32, #tpu.memory_space<vmem>> -> memref<1x72x64xf32, #tpu.memory_space<vmem>>
      %dma_wait3A_1022 = tpu.memref_squeeze %dma_wait3A_1021 : memref<1x72x64xf32, #tpu.memory_space<vmem>> -> memref<72x64xf32, #tpu.memory_space<vmem>>
      %dma_wait3A_1023 = arith.constant 0 : i32
      %dma_wait3A_1024 = tpu.memref_slice %arg5[%add3A_1000, %dma_wait3A_1023] : memref<128x200xi32, #tpu.memory_space<vmem>> -> memref<1x200xi32, #tpu.memory_space<vmem>>
      %dma_wait3A_1025 = tpu.memref_squeeze %dma_wait3A_1024 : memref<1x200xi32, #tpu.memory_space<vmem>> -> memref<200xi32, #tpu.memory_space<vmem>>
      %dma_wait3A_1026 = arith.constant 128 : i32
      %dma_wait3A_1027 = tpu.memref_slice %dma_wait3A_1025[%dma_wait3A_1026] : memref<200xi32, #tpu.memory_space<vmem>> -> memref<72xi32, #tpu.memory_space<vmem>>
      %dma_wait3A_1028 = arith.constant 0 : i32
      %dma_wait3A_1029 = arith.constant 0 : i32
      %dma_wait3A_1030 = tpu.memref_slice %arg3[%dma_wait3A_1028, %dma_wait3A_1029] : memref<1000000x64xf32, #tpu.memory_space<hbm>> -> memref<1000000x64xf32, #tpu.memory_space<hbm>>
      %dma_wait3A_1031 = tpu.memref_slice %arg8[%dma_wait3A_1018] : memref<4x!tpu.dma_semaphore, #tpu.memory_space<semaphore_mem>> -> memref<1x!tpu.dma_semaphore, #tpu.memory_space<semaphore_mem>>
      %dma_wait3A_1032 = tpu.memref_squeeze %dma_wait3A_1031 : memref<1x!tpu.dma_semaphore, #tpu.memory_space<semaphore_mem>> -> memref<!tpu.dma_semaphore, #tpu.memory_space<semaphore_mem>>
      tpu.wait_indirect_dma semaphore(%dma_wait3A_1032 : memref<!tpu.dma_semaphore, #tpu.memory_space<semaphore_mem>>) src(%dma_wait3A_1030 : memref<1000000x64xf32, #tpu.memory_space<hbm>>) dst(%dma_wait3A_1022 : memref<72x64xf32, #tpu.memory_space<vmem>>)
      %add3A_1033 = arith.constant 3 : i32
      %add3A_1034 = arith.addi %mul3A_728, %add3A_1033 : i32
      %add3A_1035 = arith.addi %mul3A_2, %add3A_1034 : i32
      %dma_start3A_1036 = arith.constant 3 : i32
      %dma_start3A_1037 = arith.constant 3 : i32
      %dma_start3A_1038 = arith.constant 0 : i32
      %dma_start3A_1039 = arith.constant 0 : i32
      %dma_start3A_1040 = tpu.memref_slice %arg6[%dma_start3A_1036, %dma_start3A_1038, %dma_start3A_1039] : memref<4x128x64xf32, #tpu.memory_space<vmem>> -> memref<1x128x64xf32, #tpu.memory_space<vmem>>
      %dma_start3A_1041 = tpu.memref_squeeze %dma_start3A_1040 : memref<1x128x64xf32, #tpu.memory_space<vmem>> -> memref<128x64xf32, #tpu.memory_space<vmem>>
      %dma_start3A_1042 = arith.constant 0 : i32
      %dma_start3A_1043 = arith.constant 0 : i32
      %dma_start3A_1044 = tpu.memref_slice %arg4[%add3A_1035, %dma_start3A_1042, %dma_start3A_1043] : memref<4096x200x64xf32, #tpu.memory_space<hbm>> -> memref<1x200x64xf32, #tpu.memory_space<hbm>>
      %dma_start3A_1045 = tpu.memref_squeeze %dma_start3A_1044 : memref<1x200x64xf32, #tpu.memory_space<hbm>> -> memref<200x64xf32, #tpu.memory_space<hbm>>
      %dma_start3A_1046 = arith.constant 0 : i32
      %dma_start3A_1047 = arith.constant 0 : i32
      %dma_start3A_1048 = tpu.memref_slice %dma_start3A_1045[%dma_start3A_1046, %dma_start3A_1047] : memref<200x64xf32, #tpu.memory_space<hbm>> -> memref<128x64xf32, #tpu.memory_space<hbm>>
      %dma_start3A_1049 = tpu.memref_slice %arg9[%dma_start3A_1037] : memref<4x!tpu.dma_semaphore, #tpu.memory_space<semaphore_mem>> -> memref<1x!tpu.dma_semaphore, #tpu.memory_space<semaphore_mem>>
      %dma_start3A_1050 = tpu.memref_squeeze %dma_start3A_1049 : memref<1x!tpu.dma_semaphore, #tpu.memory_space<semaphore_mem>> -> memref<!tpu.dma_semaphore, #tpu.memory_space<semaphore_mem>>
      %dma_start3A_1051 = arith.constant 0 : i32
      %dma_start3A_1052 = arith.constant 0 : i32
      %dma_start3A_1053 = tpu.memref_slice %arg4[%add3A_1035, %dma_start3A_1051, %dma_start3A_1052] : memref<4096x200x64xf32, #tpu.memory_space<hbm>> -> memref<1x200x64xf32, #tpu.memory_space<hbm>>
      %dma_start3A_1054 = tpu.memref_squeeze %dma_start3A_1053 : memref<1x200x64xf32, #tpu.memory_space<hbm>> -> memref<200x64xf32, #tpu.memory_space<hbm>>
      %dma_start3A_1055 = arith.constant 0 : i32
      %dma_start3A_1056 = arith.constant 0 : i32
      %dma_start3A_1057 = tpu.memref_slice %dma_start3A_1054[%dma_start3A_1055, %dma_start3A_1056] : memref<200x64xf32, #tpu.memory_space<hbm>> -> memref<128x64xf32, #tpu.memory_space<hbm>>
      %dma_start3A_1058 = arith.constant 0 : i32
      %dma_start3A_1059 = arith.constant 0 : i32
      %dma_start3A_1060 = tpu.memref_slice %arg6[%dma_start3A_1036, %dma_start3A_1058, %dma_start3A_1059] : memref<4x128x64xf32, #tpu.memory_space<vmem>> -> memref<1x128x64xf32, #tpu.memory_space<vmem>>
      %dma_start3A_1061 = tpu.memref_squeeze %dma_start3A_1060 : memref<1x128x64xf32, #tpu.memory_space<vmem>> -> memref<128x64xf32, #tpu.memory_space<vmem>>
      tpu.enqueue_dma source(%dma_start3A_1061 : memref<128x64xf32, #tpu.memory_space<vmem>>) target(%dma_start3A_1057 : memref<128x64xf32, #tpu.memory_space<hbm>>) target_semaphore(%dma_start3A_1050 : memref<!tpu.dma_semaphore, #tpu.memory_space<semaphore_mem>>)
      %add3A_1062 = arith.addi %mul3A_2, %add3A_1034 : i32
      %dma_start3A_1063 = arith.constant 3 : i32
      %dma_start3A_1064 = arith.constant 3 : i32
      %dma_start3A_1065 = arith.constant 0 : i32
      %dma_start3A_1066 = arith.constant 0 : i32
      %dma_start3A_1067 = tpu.memref_slice %arg7[%dma_start3A_1063, %dma_start3A_1065, %dma_start3A_1066] : memref<4x72x64xf32, #tpu.memory_space<vmem>> -> memref<1x72x64xf32, #tpu.memory_space<vmem>>
      %dma_start3A_1068 = tpu.memref_squeeze %dma_start3A_1067 : memref<1x72x64xf32, #tpu.memory_space<vmem>> -> memref<72x64xf32, #tpu.memory_space<vmem>>
      %dma_start3A_1069 = arith.constant 0 : i32
      %dma_start3A_1070 = arith.constant 0 : i32
      %dma_start3A_1071 = tpu.memref_slice %arg4[%add3A_1062, %dma_start3A_1069, %dma_start3A_1070] : memref<4096x200x64xf32, #tpu.memory_space<hbm>> -> memref<1x200x64xf32, #tpu.memory_space<hbm>>
      %dma_start3A_1072 = tpu.memref_squeeze %dma_start3A_1071 : memref<1x200x64xf32, #tpu.memory_space<hbm>> -> memref<200x64xf32, #tpu.memory_space<hbm>>
      %dma_start3A_1073 = arith.constant 128 : i32
      %dma_start3A_1074 = arith.constant 0 : i32
      %dma_start3A_1075 = tpu.memref_slice %dma_start3A_1072[%dma_start3A_1073, %dma_start3A_1074] : memref<200x64xf32, #tpu.memory_space<hbm>> -> memref<72x64xf32, #tpu.memory_space<hbm>>
      %dma_start3A_1076 = tpu.memref_slice %arg9[%dma_start3A_1064] : memref<4x!tpu.dma_semaphore, #tpu.memory_space<semaphore_mem>> -> memref<1x!tpu.dma_semaphore, #tpu.memory_space<semaphore_mem>>
      %dma_start3A_1077 = tpu.memref_squeeze %dma_start3A_1076 : memref<1x!tpu.dma_semaphore, #tpu.memory_space<semaphore_mem>> -> memref<!tpu.dma_semaphore, #tpu.memory_space<semaphore_mem>>
      %dma_start3A_1078 = arith.constant 0 : i32
      %dma_start3A_1079 = arith.constant 0 : i32
      %dma_start3A_1080 = tpu.memref_slice %arg4[%add3A_1062, %dma_start3A_1078, %dma_start3A_1079] : memref<4096x200x64xf32, #tpu.memory_space<hbm>> -> memref<1x200x64xf32, #tpu.memory_space<hbm>>
      %dma_start3A_1081 = tpu.memref_squeeze %dma_start3A_1080 : memref<1x200x64xf32, #tpu.memory_space<hbm>> -> memref<200x64xf32, #tpu.memory_space<hbm>>
      %dma_start3A_1082 = arith.constant 128 : i32
      %dma_start3A_1083 = arith.constant 0 : i32
      %dma_start3A_1084 = tpu.memref_slice %dma_start3A_1081[%dma_start3A_1082, %dma_start3A_1083] : memref<200x64xf32, #tpu.memory_space<hbm>> -> memref<72x64xf32, #tpu.memory_space<hbm>>
      %dma_start3A_1085 = arith.constant 0 : i32
      %dma_start3A_1086 = arith.constant 0 : i32
      %dma_start3A_1087 = tpu.memref_slice %arg7[%dma_start3A_1063, %dma_start3A_1085, %dma_start3A_1086] : memref<4x72x64xf32, #tpu.memory_space<vmem>> -> memref<1x72x64xf32, #tpu.memory_space<vmem>>
      %dma_start3A_1088 = tpu.memref_squeeze %dma_start3A_1087 : memref<1x72x64xf32, #tpu.memory_space<vmem>> -> memref<72x64xf32, #tpu.memory_space<vmem>>
      tpu.enqueue_dma source(%dma_start3A_1088 : memref<72x64xf32, #tpu.memory_space<vmem>>) target(%dma_start3A_1084 : memref<72x64xf32, #tpu.memory_space<hbm>>) target_semaphore(%dma_start3A_1077 : memref<!tpu.dma_semaphore, #tpu.memory_space<semaphore_mem>>)
      %add3A_1089 = arith.constant 0 : i32
      %add3A_1090 = arith.addi %mul3A_728, %add3A_1089 : i32
      %add3A_1091 = arith.addi %mul3A_2, %add3A_1090 : i32
      %dma_wait3A_1092 = arith.constant 0 : i32
      %dma_wait3A_1093 = arith.constant 0 : i32
      %dma_wait3A_1094 = arith.constant 0 : i32
      %dma_wait3A_1095 = arith.constant 0 : i32
      %dma_wait3A_1096 = tpu.memref_slice %arg6[%dma_wait3A_1092, %dma_wait3A_1094, %dma_wait3A_1095] : memref<4x128x64xf32, #tpu.memory_space<vmem>> -> memref<1x128x64xf32, #tpu.memory_space<vmem>>
      %dma_wait3A_1097 = tpu.memref_squeeze %dma_wait3A_1096 : memref<1x128x64xf32, #tpu.memory_space<vmem>> -> memref<128x64xf32, #tpu.memory_space<vmem>>
      %dma_wait3A_1098 = arith.constant 0 : i32
      %dma_wait3A_1099 = arith.constant 0 : i32
      %dma_wait3A_1100 = tpu.memref_slice %arg4[%add3A_1091, %dma_wait3A_1098, %dma_wait3A_1099] : memref<4096x200x64xf32, #tpu.memory_space<hbm>> -> memref<1x200x64xf32, #tpu.memory_space<hbm>>
      %dma_wait3A_1101 = tpu.memref_squeeze %dma_wait3A_1100 : memref<1x200x64xf32, #tpu.memory_space<hbm>> -> memref<200x64xf32, #tpu.memory_space<hbm>>
      %dma_wait3A_1102 = arith.constant 0 : i32
      %dma_wait3A_1103 = arith.constant 0 : i32
      %dma_wait3A_1104 = tpu.memref_slice %dma_wait3A_1101[%dma_wait3A_1102, %dma_wait3A_1103] : memref<200x64xf32, #tpu.memory_space<hbm>> -> memref<128x64xf32, #tpu.memory_space<hbm>>
      %dma_wait3A_1105 = tpu.memref_slice %arg9[%dma_wait3A_1093] : memref<4x!tpu.dma_semaphore, #tpu.memory_space<semaphore_mem>> -> memref<1x!tpu.dma_semaphore, #tpu.memory_space<semaphore_mem>>
      %dma_wait3A_1106 = tpu.memref_squeeze %dma_wait3A_1105 : memref<1x!tpu.dma_semaphore, #tpu.memory_space<semaphore_mem>> -> memref<!tpu.dma_semaphore, #tpu.memory_space<semaphore_mem>>
      %dma_wait3A_1107 = arith.constant 0 : i32
      %dma_wait3A_1108 = arith.constant 0 : i32
      %dma_wait3A_1109 = tpu.memref_slice %arg4[%add3A_1091, %dma_wait3A_1107, %dma_wait3A_1108] : memref<4096x200x64xf32, #tpu.memory_space<hbm>> -> memref<1x200x64xf32, #tpu.memory_space<hbm>>
      %dma_wait3A_1110 = tpu.memref_squeeze %dma_wait3A_1109 : memref<1x200x64xf32, #tpu.memory_space<hbm>> -> memref<200x64xf32, #tpu.memory_space<hbm>>
      %dma_wait3A_1111 = arith.constant 0 : i32
      %dma_wait3A_1112 = arith.constant 0 : i32
      %dma_wait3A_1113 = tpu.memref_slice %dma_wait3A_1110[%dma_wait3A_1111, %dma_wait3A_1112] : memref<200x64xf32, #tpu.memory_space<hbm>> -> memref<128x64xf32, #tpu.memory_space<hbm>>
      %dma_wait3A_1114 = arith.constant 0 : i32
      %dma_wait3A_1115 = arith.constant 0 : i32
      %dma_wait3A_1116 = tpu.memref_slice %arg6[%dma_wait3A_1092, %dma_wait3A_1114, %dma_wait3A_1115] : memref<4x128x64xf32, #tpu.memory_space<vmem>> -> memref<1x128x64xf32, #tpu.memory_space<vmem>>
      %dma_wait3A_1117 = tpu.memref_squeeze %dma_wait3A_1116 : memref<1x128x64xf32, #tpu.memory_space<vmem>> -> memref<128x64xf32, #tpu.memory_space<vmem>>
      tpu.wait_dma2 semaphore(%dma_wait3A_1106 : memref<!tpu.dma_semaphore, #tpu.memory_space<semaphore_mem>>) src(%dma_wait3A_1117 : memref<128x64xf32, #tpu.memory_space<vmem>>) dst(%dma_wait3A_1113 : memref<128x64xf32, #tpu.memory_space<hbm>>)
      %add3A_1118 = arith.addi %mul3A_2, %add3A_1090 : i32
      %dma_wait3A_1119 = arith.constant 0 : i32
      %dma_wait3A_1120 = arith.constant 0 : i32
      %dma_wait3A_1121 = arith.constant 0 : i32
      %dma_wait3A_1122 = arith.constant 0 : i32
      %dma_wait3A_1123 = tpu.memref_slice %arg7[%dma_wait3A_1119, %dma_wait3A_1121, %dma_wait3A_1122] : memref<4x72x64xf32, #tpu.memory_space<vmem>> -> memref<1x72x64xf32, #tpu.memory_space<vmem>>
      %dma_wait3A_1124 = tpu.memref_squeeze %dma_wait3A_1123 : memref<1x72x64xf32, #tpu.memory_space<vmem>> -> memref<72x64xf32, #tpu.memory_space<vmem>>
      %dma_wait3A_1125 = arith.constant 0 : i32
      %dma_wait3A_1126 = arith.constant 0 : i32
      %dma_wait3A_1127 = tpu.memref_slice %arg4[%add3A_1118, %dma_wait3A_1125, %dma_wait3A_1126] : memref<4096x200x64xf32, #tpu.memory_space<hbm>> -> memref<1x200x64xf32, #tpu.memory_space<hbm>>
      %dma_wait3A_1128 = tpu.memref_squeeze %dma_wait3A_1127 : memref<1x200x64xf32, #tpu.memory_space<hbm>> -> memref<200x64xf32, #tpu.memory_space<hbm>>
      %dma_wait3A_1129 = arith.constant 128 : i32
      %dma_wait3A_1130 = arith.constant 0 : i32
      %dma_wait3A_1131 = tpu.memref_slice %dma_wait3A_1128[%dma_wait3A_1129, %dma_wait3A_1130] : memref<200x64xf32, #tpu.memory_space<hbm>> -> memref<72x64xf32, #tpu.memory_space<hbm>>
      %dma_wait3A_1132 = tpu.memref_slice %arg9[%dma_wait3A_1120] : memref<4x!tpu.dma_semaphore, #tpu.memory_space<semaphore_mem>> -> memref<1x!tpu.dma_semaphore, #tpu.memory_space<semaphore_mem>>
      %dma_wait3A_1133 = tpu.memref_squeeze %dma_wait3A_1132 : memref<1x!tpu.dma_semaphore, #tpu.memory_space<semaphore_mem>> -> memref<!tpu.dma_semaphore, #tpu.memory_space<semaphore_mem>>
      %dma_wait3A_1134 = arith.constant 0 : i32
      %dma_wait3A_1135 = arith.constant 0 : i32
      %dma_wait3A_1136 = tpu.memref_slice %arg4[%add3A_1118, %dma_wait3A_1134, %dma_wait3A_1135] : memref<4096x200x64xf32, #tpu.memory_space<hbm>> -> memref<1x200x64xf32, #tpu.memory_space<hbm>>
      %dma_wait3A_1137 = tpu.memref_squeeze %dma_wait3A_1136 : memref<1x200x64xf32, #tpu.memory_space<hbm>> -> memref<200x64xf32, #tpu.memory_space<hbm>>
      %dma_wait3A_1138 = arith.constant 128 : i32
      %dma_wait3A_1139 = arith.constant 0 : i32
      %dma_wait3A_1140 = tpu.memref_slice %dma_wait3A_1137[%dma_wait3A_1138, %dma_wait3A_1139] : memref<200x64xf32, #tpu.memory_space<hbm>> -> memref<72x64xf32, #tpu.memory_space<hbm>>
      %dma_wait3A_1141 = arith.constant 0 : i32
      %dma_wait3A_1142 = arith.constant 0 : i32
      %dma_wait3A_1143 = tpu.memref_slice %arg7[%dma_wait3A_1119, %dma_wait3A_1141, %dma_wait3A_1142] : memref<4x72x64xf32, #tpu.memory_space<vmem>> -> memref<1x72x64xf32, #tpu.memory_space<vmem>>
      %dma_wait3A_1144 = tpu.memref_squeeze %dma_wait3A_1143 : memref<1x72x64xf32, #tpu.memory_space<vmem>> -> memref<72x64xf32, #tpu.memory_space<vmem>>
      tpu.wait_dma2 semaphore(%dma_wait3A_1133 : memref<!tpu.dma_semaphore, #tpu.memory_space<semaphore_mem>>) src(%dma_wait3A_1144 : memref<72x64xf32, #tpu.memory_space<vmem>>) dst(%dma_wait3A_1140 : memref<72x64xf32, #tpu.memory_space<hbm>>)
      %add3A_1145 = arith.constant 4 : i32
      %add3A_1146 = arith.addi %mul3A_728, %add3A_1145 : i32
      %add3A_1147 = arith.constant 0 : i32
      %add3A_1148 = arith.addi %add3A_1146, %add3A_1147 : i32
      %dma_start3A_1149 = arith.constant 0 : i32
      %dma_start3A_1150 = arith.constant 0 : i32
      %dma_start3A_1151 = arith.constant 0 : i32
      %dma_start3A_1152 = arith.constant 0 : i32
      %dma_start3A_1153 = tpu.memref_slice %arg6[%dma_start3A_1149, %dma_start3A_1151, %dma_start3A_1152] : memref<4x128x64xf32, #tpu.memory_space<vmem>> -> memref<1x128x64xf32, #tpu.memory_space<vmem>>
      %dma_start3A_1154 = tpu.memref_squeeze %dma_start3A_1153 : memref<1x128x64xf32, #tpu.memory_space<vmem>> -> memref<128x64xf32, #tpu.memory_space<vmem>>
      %dma_start3A_1155 = arith.constant 0 : i32
      %dma_start3A_1156 = tpu.memref_slice %arg5[%add3A_1148, %dma_start3A_1155] : memref<128x200xi32, #tpu.memory_space<vmem>> -> memref<1x200xi32, #tpu.memory_space<vmem>>
      %dma_start3A_1157 = tpu.memref_squeeze %dma_start3A_1156 : memref<1x200xi32, #tpu.memory_space<vmem>> -> memref<200xi32, #tpu.memory_space<vmem>>
      %dma_start3A_1158 = arith.constant 0 : i32
      %dma_start3A_1159 = tpu.memref_slice %dma_start3A_1157[%dma_start3A_1158] : memref<200xi32, #tpu.memory_space<vmem>> -> memref<128xi32, #tpu.memory_space<vmem>>
      %dma_start3A_1160 = arith.constant 0 : i32
      %dma_start3A_1161 = arith.constant 0 : i32
      %dma_start3A_1162 = tpu.memref_slice %arg3[%dma_start3A_1160, %dma_start3A_1161] : memref<1000000x64xf32, #tpu.memory_space<hbm>> -> memref<1000000x64xf32, #tpu.memory_space<hbm>>
      %dma_start3A_1163 = tpu.memref_slice %arg8[%dma_start3A_1150] : memref<4x!tpu.dma_semaphore, #tpu.memory_space<semaphore_mem>> -> memref<1x!tpu.dma_semaphore, #tpu.memory_space<semaphore_mem>>
      %dma_start3A_1164 = tpu.memref_squeeze %dma_start3A_1163 : memref<1x!tpu.dma_semaphore, #tpu.memory_space<semaphore_mem>> -> memref<!tpu.dma_semaphore, #tpu.memory_space<semaphore_mem>>
      tpu.enqueue_indirect_dma source(%dma_start3A_1162 : memref<1000000x64xf32, #tpu.memory_space<hbm>>) target(%dma_start3A_1154 : memref<128x64xf32, #tpu.memory_space<vmem>>) offsets(%dma_start3A_1159 : memref<128xi32, #tpu.memory_space<vmem>>) semaphore(%dma_start3A_1164 : memref<!tpu.dma_semaphore, #tpu.memory_space<semaphore_mem>>)
      %dma_start3A_1165 = arith.constant 0 : i32
      %dma_start3A_1166 = arith.constant 0 : i32
      %dma_start3A_1167 = arith.constant 0 : i32
      %dma_start3A_1168 = arith.constant 0 : i32
      %dma_start3A_1169 = tpu.memref_slice %arg7[%dma_start3A_1165, %dma_start3A_1167, %dma_start3A_1168] : memref<4x72x64xf32, #tpu.memory_space<vmem>> -> memref<1x72x64xf32, #tpu.memory_space<vmem>>
      %dma_start3A_1170 = tpu.memref_squeeze %dma_start3A_1169 : memref<1x72x64xf32, #tpu.memory_space<vmem>> -> memref<72x64xf32, #tpu.memory_space<vmem>>
      %dma_start3A_1171 = arith.constant 0 : i32
      %dma_start3A_1172 = tpu.memref_slice %arg5[%add3A_1148, %dma_start3A_1171] : memref<128x200xi32, #tpu.memory_space<vmem>> -> memref<1x200xi32, #tpu.memory_space<vmem>>
      %dma_start3A_1173 = tpu.memref_squeeze %dma_start3A_1172 : memref<1x200xi32, #tpu.memory_space<vmem>> -> memref<200xi32, #tpu.memory_space<vmem>>
      %dma_start3A_1174 = arith.constant 128 : i32
      %dma_start3A_1175 = tpu.memref_slice %dma_start3A_1173[%dma_start3A_1174] : memref<200xi32, #tpu.memory_space<vmem>> -> memref<72xi32, #tpu.memory_space<vmem>>
      %dma_start3A_1176 = arith.constant 0 : i32
      %dma_start3A_1177 = arith.constant 0 : i32
      %dma_start3A_1178 = tpu.memref_slice %arg3[%dma_start3A_1176, %dma_start3A_1177] : memref<1000000x64xf32, #tpu.memory_space<hbm>> -> memref<1000000x64xf32, #tpu.memory_space<hbm>>
      %dma_start3A_1179 = tpu.memref_slice %arg8[%dma_start3A_1166] : memref<4x!tpu.dma_semaphore, #tpu.memory_space<semaphore_mem>> -> memref<1x!tpu.dma_semaphore, #tpu.memory_space<semaphore_mem>>
      %dma_start3A_1180 = tpu.memref_squeeze %dma_start3A_1179 : memref<1x!tpu.dma_semaphore, #tpu.memory_space<semaphore_mem>> -> memref<!tpu.dma_semaphore, #tpu.memory_space<semaphore_mem>>
      tpu.enqueue_indirect_dma source(%dma_start3A_1178 : memref<1000000x64xf32, #tpu.memory_space<hbm>>) target(%dma_start3A_1170 : memref<72x64xf32, #tpu.memory_space<vmem>>) offsets(%dma_start3A_1175 : memref<72xi32, #tpu.memory_space<vmem>>) semaphore(%dma_start3A_1180 : memref<!tpu.dma_semaphore, #tpu.memory_space<semaphore_mem>>)
      %add3A_1181 = arith.constant 1 : i32
      %add3A_1182 = arith.addi %mul3A_728, %add3A_1181 : i32
      %add3A_1183 = arith.addi %mul3A_2, %add3A_1182 : i32
      %dma_wait3A_1184 = arith.constant 1 : i32
      %dma_wait3A_1185 = arith.constant 1 : i32
      %dma_wait3A_1186 = arith.constant 0 : i32
      %dma_wait3A_1187 = arith.constant 0 : i32
      %dma_wait3A_1188 = tpu.memref_slice %arg6[%dma_wait3A_1184, %dma_wait3A_1186, %dma_wait3A_1187] : memref<4x128x64xf32, #tpu.memory_space<vmem>> -> memref<1x128x64xf32, #tpu.memory_space<vmem>>
      %dma_wait3A_1189 = tpu.memref_squeeze %dma_wait3A_1188 : memref<1x128x64xf32, #tpu.memory_space<vmem>> -> memref<128x64xf32, #tpu.memory_space<vmem>>
      %dma_wait3A_1190 = arith.constant 0 : i32
      %dma_wait3A_1191 = arith.constant 0 : i32
      %dma_wait3A_1192 = tpu.memref_slice %arg4[%add3A_1183, %dma_wait3A_1190, %dma_wait3A_1191] : memref<4096x200x64xf32, #tpu.memory_space<hbm>> -> memref<1x200x64xf32, #tpu.memory_space<hbm>>
      %dma_wait3A_1193 = tpu.memref_squeeze %dma_wait3A_1192 : memref<1x200x64xf32, #tpu.memory_space<hbm>> -> memref<200x64xf32, #tpu.memory_space<hbm>>
      %dma_wait3A_1194 = arith.constant 0 : i32
      %dma_wait3A_1195 = arith.constant 0 : i32
      %dma_wait3A_1196 = tpu.memref_slice %dma_wait3A_1193[%dma_wait3A_1194, %dma_wait3A_1195] : memref<200x64xf32, #tpu.memory_space<hbm>> -> memref<128x64xf32, #tpu.memory_space<hbm>>
      %dma_wait3A_1197 = tpu.memref_slice %arg9[%dma_wait3A_1185] : memref<4x!tpu.dma_semaphore, #tpu.memory_space<semaphore_mem>> -> memref<1x!tpu.dma_semaphore, #tpu.memory_space<semaphore_mem>>
      %dma_wait3A_1198 = tpu.memref_squeeze %dma_wait3A_1197 : memref<1x!tpu.dma_semaphore, #tpu.memory_space<semaphore_mem>> -> memref<!tpu.dma_semaphore, #tpu.memory_space<semaphore_mem>>
      %dma_wait3A_1199 = arith.constant 0 : i32
      %dma_wait3A_1200 = arith.constant 0 : i32
      %dma_wait3A_1201 = tpu.memref_slice %arg4[%add3A_1183, %dma_wait3A_1199, %dma_wait3A_1200] : memref<4096x200x64xf32, #tpu.memory_space<hbm>> -> memref<1x200x64xf32, #tpu.memory_space<hbm>>
      %dma_wait3A_1202 = tpu.memref_squeeze %dma_wait3A_1201 : memref<1x200x64xf32, #tpu.memory_space<hbm>> -> memref<200x64xf32, #tpu.memory_space<hbm>>
      %dma_wait3A_1203 = arith.constant 0 : i32
      %dma_wait3A_1204 = arith.constant 0 : i32
      %dma_wait3A_1205 = tpu.memref_slice %dma_wait3A_1202[%dma_wait3A_1203, %dma_wait3A_1204] : memref<200x64xf32, #tpu.memory_space<hbm>> -> memref<128x64xf32, #tpu.memory_space<hbm>>
      %dma_wait3A_1206 = arith.constant 0 : i32
      %dma_wait3A_1207 = arith.constant 0 : i32
      %dma_wait3A_1208 = tpu.memref_slice %arg6[%dma_wait3A_1184, %dma_wait3A_1206, %dma_wait3A_1207] : memref<4x128x64xf32, #tpu.memory_space<vmem>> -> memref<1x128x64xf32, #tpu.memory_space<vmem>>
      %dma_wait3A_1209 = tpu.memref_squeeze %dma_wait3A_1208 : memref<1x128x64xf32, #tpu.memory_space<vmem>> -> memref<128x64xf32, #tpu.memory_space<vmem>>
      tpu.wait_dma2 semaphore(%dma_wait3A_1198 : memref<!tpu.dma_semaphore, #tpu.memory_space<semaphore_mem>>) src(%dma_wait3A_1209 : memref<128x64xf32, #tpu.memory_space<vmem>>) dst(%dma_wait3A_1205 : memref<128x64xf32, #tpu.memory_space<hbm>>)
      %add3A_1210 = arith.addi %mul3A_2, %add3A_1182 : i32
      %dma_wait3A_1211 = arith.constant 1 : i32
      %dma_wait3A_1212 = arith.constant 1 : i32
      %dma_wait3A_1213 = arith.constant 0 : i32
      %dma_wait3A_1214 = arith.constant 0 : i32
      %dma_wait3A_1215 = tpu.memref_slice %arg7[%dma_wait3A_1211, %dma_wait3A_1213, %dma_wait3A_1214] : memref<4x72x64xf32, #tpu.memory_space<vmem>> -> memref<1x72x64xf32, #tpu.memory_space<vmem>>
      %dma_wait3A_1216 = tpu.memref_squeeze %dma_wait3A_1215 : memref<1x72x64xf32, #tpu.memory_space<vmem>> -> memref<72x64xf32, #tpu.memory_space<vmem>>
      %dma_wait3A_1217 = arith.constant 0 : i32
      %dma_wait3A_1218 = arith.constant 0 : i32
      %dma_wait3A_1219 = tpu.memref_slice %arg4[%add3A_1210, %dma_wait3A_1217, %dma_wait3A_1218] : memref<4096x200x64xf32, #tpu.memory_space<hbm>> -> memref<1x200x64xf32, #tpu.memory_space<hbm>>
      %dma_wait3A_1220 = tpu.memref_squeeze %dma_wait3A_1219 : memref<1x200x64xf32, #tpu.memory_space<hbm>> -> memref<200x64xf32, #tpu.memory_space<hbm>>
      %dma_wait3A_1221 = arith.constant 128 : i32
      %dma_wait3A_1222 = arith.constant 0 : i32
      %dma_wait3A_1223 = tpu.memref_slice %dma_wait3A_1220[%dma_wait3A_1221, %dma_wait3A_1222] : memref<200x64xf32, #tpu.memory_space<hbm>> -> memref<72x64xf32, #tpu.memory_space<hbm>>
      %dma_wait3A_1224 = tpu.memref_slice %arg9[%dma_wait3A_1212] : memref<4x!tpu.dma_semaphore, #tpu.memory_space<semaphore_mem>> -> memref<1x!tpu.dma_semaphore, #tpu.memory_space<semaphore_mem>>
      %dma_wait3A_1225 = tpu.memref_squeeze %dma_wait3A_1224 : memref<1x!tpu.dma_semaphore, #tpu.memory_space<semaphore_mem>> -> memref<!tpu.dma_semaphore, #tpu.memory_space<semaphore_mem>>
      %dma_wait3A_1226 = arith.constant 0 : i32
      %dma_wait3A_1227 = arith.constant 0 : i32
      %dma_wait3A_1228 = tpu.memref_slice %arg4[%add3A_1210, %dma_wait3A_1226, %dma_wait3A_1227] : memref<4096x200x64xf32, #tpu.memory_space<hbm>> -> memref<1x200x64xf32, #tpu.memory_space<hbm>>
      %dma_wait3A_1229 = tpu.memref_squeeze %dma_wait3A_1228 : memref<1x200x64xf32, #tpu.memory_space<hbm>> -> memref<200x64xf32, #tpu.memory_space<hbm>>
      %dma_wait3A_1230 = arith.constant 128 : i32
      %dma_wait3A_1231 = arith.constant 0 : i32
      %dma_wait3A_1232 = tpu.memref_slice %dma_wait3A_1229[%dma_wait3A_1230, %dma_wait3A_1231] : memref<200x64xf32, #tpu.memory_space<hbm>> -> memref<72x64xf32, #tpu.memory_space<hbm>>
      %dma_wait3A_1233 = arith.constant 0 : i32
      %dma_wait3A_1234 = arith.constant 0 : i32
      %dma_wait3A_1235 = tpu.memref_slice %arg7[%dma_wait3A_1211, %dma_wait3A_1233, %dma_wait3A_1234] : memref<4x72x64xf32, #tpu.memory_space<vmem>> -> memref<1x72x64xf32, #tpu.memory_space<vmem>>
      %dma_wait3A_1236 = tpu.memref_squeeze %dma_wait3A_1235 : memref<1x72x64xf32, #tpu.memory_space<vmem>> -> memref<72x64xf32, #tpu.memory_space<vmem>>
      tpu.wait_dma2 semaphore(%dma_wait3A_1225 : memref<!tpu.dma_semaphore, #tpu.memory_space<semaphore_mem>>) src(%dma_wait3A_1236 : memref<72x64xf32, #tpu.memory_space<vmem>>) dst(%dma_wait3A_1232 : memref<72x64xf32, #tpu.memory_space<hbm>>)
      %add3A_1237 = arith.constant 4 : i32
      %add3A_1238 = arith.addi %mul3A_728, %add3A_1237 : i32
      %add3A_1239 = arith.constant 1 : i32
      %add3A_1240 = arith.addi %add3A_1238, %add3A_1239 : i32
      %dma_start3A_1241 = arith.constant 1 : i32
      %dma_start3A_1242 = arith.constant 1 : i32
      %dma_start3A_1243 = arith.constant 0 : i32
      %dma_start3A_1244 = arith.constant 0 : i32
      %dma_start3A_1245 = tpu.memref_slice %arg6[%dma_start3A_1241, %dma_start3A_1243, %dma_start3A_1244] : memref<4x128x64xf32, #tpu.memory_space<vmem>> -> memref<1x128x64xf32, #tpu.memory_space<vmem>>
      %dma_start3A_1246 = tpu.memref_squeeze %dma_start3A_1245 : memref<1x128x64xf32, #tpu.memory_space<vmem>> -> memref<128x64xf32, #tpu.memory_space<vmem>>
      %dma_start3A_1247 = arith.constant 0 : i32
      %dma_start3A_1248 = tpu.memref_slice %arg5[%add3A_1240, %dma_start3A_1247] : memref<128x200xi32, #tpu.memory_space<vmem>> -> memref<1x200xi32, #tpu.memory_space<vmem>>
      %dma_start3A_1249 = tpu.memref_squeeze %dma_start3A_1248 : memref<1x200xi32, #tpu.memory_space<vmem>> -> memref<200xi32, #tpu.memory_space<vmem>>
      %dma_start3A_1250 = arith.constant 0 : i32
      %dma_start3A_1251 = tpu.memref_slice %dma_start3A_1249[%dma_start3A_1250] : memref<200xi32, #tpu.memory_space<vmem>> -> memref<128xi32, #tpu.memory_space<vmem>>
      %dma_start3A_1252 = arith.constant 0 : i32
      %dma_start3A_1253 = arith.constant 0 : i32
      %dma_start3A_1254 = tpu.memref_slice %arg3[%dma_start3A_1252, %dma_start3A_1253] : memref<1000000x64xf32, #tpu.memory_space<hbm>> -> memref<1000000x64xf32, #tpu.memory_space<hbm>>
      %dma_start3A_1255 = tpu.memref_slice %arg8[%dma_start3A_1242] : memref<4x!tpu.dma_semaphore, #tpu.memory_space<semaphore_mem>> -> memref<1x!tpu.dma_semaphore, #tpu.memory_space<semaphore_mem>>
      %dma_start3A_1256 = tpu.memref_squeeze %dma_start3A_1255 : memref<1x!tpu.dma_semaphore, #tpu.memory_space<semaphore_mem>> -> memref<!tpu.dma_semaphore, #tpu.memory_space<semaphore_mem>>
      tpu.enqueue_indirect_dma source(%dma_start3A_1254 : memref<1000000x64xf32, #tpu.memory_space<hbm>>) target(%dma_start3A_1246 : memref<128x64xf32, #tpu.memory_space<vmem>>) offsets(%dma_start3A_1251 : memref<128xi32, #tpu.memory_space<vmem>>) semaphore(%dma_start3A_1256 : memref<!tpu.dma_semaphore, #tpu.memory_space<semaphore_mem>>)
      %dma_start3A_1257 = arith.constant 1 : i32
      %dma_start3A_1258 = arith.constant 1 : i32
      %dma_start3A_1259 = arith.constant 0 : i32
      %dma_start3A_1260 = arith.constant 0 : i32
      %dma_start3A_1261 = tpu.memref_slice %arg7[%dma_start3A_1257, %dma_start3A_1259, %dma_start3A_1260] : memref<4x72x64xf32, #tpu.memory_space<vmem>> -> memref<1x72x64xf32, #tpu.memory_space<vmem>>
      %dma_start3A_1262 = tpu.memref_squeeze %dma_start3A_1261 : memref<1x72x64xf32, #tpu.memory_space<vmem>> -> memref<72x64xf32, #tpu.memory_space<vmem>>
      %dma_start3A_1263 = arith.constant 0 : i32
      %dma_start3A_1264 = tpu.memref_slice %arg5[%add3A_1240, %dma_start3A_1263] : memref<128x200xi32, #tpu.memory_space<vmem>> -> memref<1x200xi32, #tpu.memory_space<vmem>>
      %dma_start3A_1265 = tpu.memref_squeeze %dma_start3A_1264 : memref<1x200xi32, #tpu.memory_space<vmem>> -> memref<200xi32, #tpu.memory_space<vmem>>
      %dma_start3A_1266 = arith.constant 128 : i32
      %dma_start3A_1267 = tpu.memref_slice %dma_start3A_1265[%dma_start3A_1266] : memref<200xi32, #tpu.memory_space<vmem>> -> memref<72xi32, #tpu.memory_space<vmem>>
      %dma_start3A_1268 = arith.constant 0 : i32
      %dma_start3A_1269 = arith.constant 0 : i32
      %dma_start3A_1270 = tpu.memref_slice %arg3[%dma_start3A_1268, %dma_start3A_1269] : memref<1000000x64xf32, #tpu.memory_space<hbm>> -> memref<1000000x64xf32, #tpu.memory_space<hbm>>
      %dma_start3A_1271 = tpu.memref_slice %arg8[%dma_start3A_1258] : memref<4x!tpu.dma_semaphore, #tpu.memory_space<semaphore_mem>> -> memref<1x!tpu.dma_semaphore, #tpu.memory_space<semaphore_mem>>
      %dma_start3A_1272 = tpu.memref_squeeze %dma_start3A_1271 : memref<1x!tpu.dma_semaphore, #tpu.memory_space<semaphore_mem>> -> memref<!tpu.dma_semaphore, #tpu.memory_space<semaphore_mem>>
      tpu.enqueue_indirect_dma source(%dma_start3A_1270 : memref<1000000x64xf32, #tpu.memory_space<hbm>>) target(%dma_start3A_1262 : memref<72x64xf32, #tpu.memory_space<vmem>>) offsets(%dma_start3A_1267 : memref<72xi32, #tpu.memory_space<vmem>>) semaphore(%dma_start3A_1272 : memref<!tpu.dma_semaphore, #tpu.memory_space<semaphore_mem>>)
      %add3A_1273 = arith.constant 2 : i32
      %add3A_1274 = arith.addi %mul3A_728, %add3A_1273 : i32
      %add3A_1275 = arith.addi %mul3A_2, %add3A_1274 : i32
      %dma_wait3A_1276 = arith.constant 2 : i32
      %dma_wait3A_1277 = arith.constant 2 : i32
      %dma_wait3A_1278 = arith.constant 0 : i32
      %dma_wait3A_1279 = arith.constant 0 : i32
      %dma_wait3A_1280 = tpu.memref_slice %arg6[%dma_wait3A_1276, %dma_wait3A_1278, %dma_wait3A_1279] : memref<4x128x64xf32, #tpu.memory_space<vmem>> -> memref<1x128x64xf32, #tpu.memory_space<vmem>>
      %dma_wait3A_1281 = tpu.memref_squeeze %dma_wait3A_1280 : memref<1x128x64xf32, #tpu.memory_space<vmem>> -> memref<128x64xf32, #tpu.memory_space<vmem>>
      %dma_wait3A_1282 = arith.constant 0 : i32
      %dma_wait3A_1283 = arith.constant 0 : i32
      %dma_wait3A_1284 = tpu.memref_slice %arg4[%add3A_1275, %dma_wait3A_1282, %dma_wait3A_1283] : memref<4096x200x64xf32, #tpu.memory_space<hbm>> -> memref<1x200x64xf32, #tpu.memory_space<hbm>>
      %dma_wait3A_1285 = tpu.memref_squeeze %dma_wait3A_1284 : memref<1x200x64xf32, #tpu.memory_space<hbm>> -> memref<200x64xf32, #tpu.memory_space<hbm>>
      %dma_wait3A_1286 = arith.constant 0 : i32
      %dma_wait3A_1287 = arith.constant 0 : i32
      %dma_wait3A_1288 = tpu.memref_slice %dma_wait3A_1285[%dma_wait3A_1286, %dma_wait3A_1287] : memref<200x64xf32, #tpu.memory_space<hbm>> -> memref<128x64xf32, #tpu.memory_space<hbm>>
      %dma_wait3A_1289 = tpu.memref_slice %arg9[%dma_wait3A_1277] : memref<4x!tpu.dma_semaphore, #tpu.memory_space<semaphore_mem>> -> memref<1x!tpu.dma_semaphore, #tpu.memory_space<semaphore_mem>>
      %dma_wait3A_1290 = tpu.memref_squeeze %dma_wait3A_1289 : memref<1x!tpu.dma_semaphore, #tpu.memory_space<semaphore_mem>> -> memref<!tpu.dma_semaphore, #tpu.memory_space<semaphore_mem>>
      %dma_wait3A_1291 = arith.constant 0 : i32
      %dma_wait3A_1292 = arith.constant 0 : i32
      %dma_wait3A_1293 = tpu.memref_slice %arg4[%add3A_1275, %dma_wait3A_1291, %dma_wait3A_1292] : memref<4096x200x64xf32, #tpu.memory_space<hbm>> -> memref<1x200x64xf32, #tpu.memory_space<hbm>>
      %dma_wait3A_1294 = tpu.memref_squeeze %dma_wait3A_1293 : memref<1x200x64xf32, #tpu.memory_space<hbm>> -> memref<200x64xf32, #tpu.memory_space<hbm>>
      %dma_wait3A_1295 = arith.constant 0 : i32
      %dma_wait3A_1296 = arith.constant 0 : i32
      %dma_wait3A_1297 = tpu.memref_slice %dma_wait3A_1294[%dma_wait3A_1295, %dma_wait3A_1296] : memref<200x64xf32, #tpu.memory_space<hbm>> -> memref<128x64xf32, #tpu.memory_space<hbm>>
      %dma_wait3A_1298 = arith.constant 0 : i32
      %dma_wait3A_1299 = arith.constant 0 : i32
      %dma_wait3A_1300 = tpu.memref_slice %arg6[%dma_wait3A_1276, %dma_wait3A_1298, %dma_wait3A_1299] : memref<4x128x64xf32, #tpu.memory_space<vmem>> -> memref<1x128x64xf32, #tpu.memory_space<vmem>>
      %dma_wait3A_1301 = tpu.memref_squeeze %dma_wait3A_1300 : memref<1x128x64xf32, #tpu.memory_space<vmem>> -> memref<128x64xf32, #tpu.memory_space<vmem>>
      tpu.wait_dma2 semaphore(%dma_wait3A_1290 : memref<!tpu.dma_semaphore, #tpu.memory_space<semaphore_mem>>) src(%dma_wait3A_1301 : memref<128x64xf32, #tpu.memory_space<vmem>>) dst(%dma_wait3A_1297 : memref<128x64xf32, #tpu.memory_space<hbm>>)
      %add3A_1302 = arith.addi %mul3A_2, %add3A_1274 : i32
      %dma_wait3A_1303 = arith.constant 2 : i32
      %dma_wait3A_1304 = arith.constant 2 : i32
      %dma_wait3A_1305 = arith.constant 0 : i32
      %dma_wait3A_1306 = arith.constant 0 : i32
      %dma_wait3A_1307 = tpu.memref_slice %arg7[%dma_wait3A_1303, %dma_wait3A_1305, %dma_wait3A_1306] : memref<4x72x64xf32, #tpu.memory_space<vmem>> -> memref<1x72x64xf32, #tpu.memory_space<vmem>>
      %dma_wait3A_1308 = tpu.memref_squeeze %dma_wait3A_1307 : memref<1x72x64xf32, #tpu.memory_space<vmem>> -> memref<72x64xf32, #tpu.memory_space<vmem>>
      %dma_wait3A_1309 = arith.constant 0 : i32
      %dma_wait3A_1310 = arith.constant 0 : i32
      %dma_wait3A_1311 = tpu.memref_slice %arg4[%add3A_1302, %dma_wait3A_1309, %dma_wait3A_1310] : memref<4096x200x64xf32, #tpu.memory_space<hbm>> -> memref<1x200x64xf32, #tpu.memory_space<hbm>>
      %dma_wait3A_1312 = tpu.memref_squeeze %dma_wait3A_1311 : memref<1x200x64xf32, #tpu.memory_space<hbm>> -> memref<200x64xf32, #tpu.memory_space<hbm>>
      %dma_wait3A_1313 = arith.constant 128 : i32
      %dma_wait3A_1314 = arith.constant 0 : i32
      %dma_wait3A_1315 = tpu.memref_slice %dma_wait3A_1312[%dma_wait3A_1313, %dma_wait3A_1314] : memref<200x64xf32, #tpu.memory_space<hbm>> -> memref<72x64xf32, #tpu.memory_space<hbm>>
      %dma_wait3A_1316 = tpu.memref_slice %arg9[%dma_wait3A_1304] : memref<4x!tpu.dma_semaphore, #tpu.memory_space<semaphore_mem>> -> memref<1x!tpu.dma_semaphore, #tpu.memory_space<semaphore_mem>>
      %dma_wait3A_1317 = tpu.memref_squeeze %dma_wait3A_1316 : memref<1x!tpu.dma_semaphore, #tpu.memory_space<semaphore_mem>> -> memref<!tpu.dma_semaphore, #tpu.memory_space<semaphore_mem>>
      %dma_wait3A_1318 = arith.constant 0 : i32
      %dma_wait3A_1319 = arith.constant 0 : i32
      %dma_wait3A_1320 = tpu.memref_slice %arg4[%add3A_1302, %dma_wait3A_1318, %dma_wait3A_1319] : memref<4096x200x64xf32, #tpu.memory_space<hbm>> -> memref<1x200x64xf32, #tpu.memory_space<hbm>>
      %dma_wait3A_1321 = tpu.memref_squeeze %dma_wait3A_1320 : memref<1x200x64xf32, #tpu.memory_space<hbm>> -> memref<200x64xf32, #tpu.memory_space<hbm>>
      %dma_wait3A_1322 = arith.constant 128 : i32
      %dma_wait3A_1323 = arith.constant 0 : i32
      %dma_wait3A_1324 = tpu.memref_slice %dma_wait3A_1321[%dma_wait3A_1322, %dma_wait3A_1323] : memref<200x64xf32, #tpu.memory_space<hbm>> -> memref<72x64xf32, #tpu.memory_space<hbm>>
      %dma_wait3A_1325 = arith.constant 0 : i32
      %dma_wait3A_1326 = arith.constant 0 : i32
      %dma_wait3A_1327 = tpu.memref_slice %arg7[%dma_wait3A_1303, %dma_wait3A_1325, %dma_wait3A_1326] : memref<4x72x64xf32, #tpu.memory_space<vmem>> -> memref<1x72x64xf32, #tpu.memory_space<vmem>>
      %dma_wait3A_1328 = tpu.memref_squeeze %dma_wait3A_1327 : memref<1x72x64xf32, #tpu.memory_space<vmem>> -> memref<72x64xf32, #tpu.memory_space<vmem>>
      tpu.wait_dma2 semaphore(%dma_wait3A_1317 : memref<!tpu.dma_semaphore, #tpu.memory_space<semaphore_mem>>) src(%dma_wait3A_1328 : memref<72x64xf32, #tpu.memory_space<vmem>>) dst(%dma_wait3A_1324 : memref<72x64xf32, #tpu.memory_space<hbm>>)
      %add3A_1329 = arith.constant 4 : i32
      %add3A_1330 = arith.addi %mul3A_728, %add3A_1329 : i32
      %add3A_1331 = arith.constant 2 : i32
      %add3A_1332 = arith.addi %add3A_1330, %add3A_1331 : i32
      %dma_start3A_1333 = arith.constant 2 : i32
      %dma_start3A_1334 = arith.constant 2 : i32
      %dma_start3A_1335 = arith.constant 0 : i32
      %dma_start3A_1336 = arith.constant 0 : i32
      %dma_start3A_1337 = tpu.memref_slice %arg6[%dma_start3A_1333, %dma_start3A_1335, %dma_start3A_1336] : memref<4x128x64xf32, #tpu.memory_space<vmem>> -> memref<1x128x64xf32, #tpu.memory_space<vmem>>
      %dma_start3A_1338 = tpu.memref_squeeze %dma_start3A_1337 : memref<1x128x64xf32, #tpu.memory_space<vmem>> -> memref<128x64xf32, #tpu.memory_space<vmem>>
      %dma_start3A_1339 = arith.constant 0 : i32
      %dma_start3A_1340 = tpu.memref_slice %arg5[%add3A_1332, %dma_start3A_1339] : memref<128x200xi32, #tpu.memory_space<vmem>> -> memref<1x200xi32, #tpu.memory_space<vmem>>
      %dma_start3A_1341 = tpu.memref_squeeze %dma_start3A_1340 : memref<1x200xi32, #tpu.memory_space<vmem>> -> memref<200xi32, #tpu.memory_space<vmem>>
      %dma_start3A_1342 = arith.constant 0 : i32
      %dma_start3A_1343 = tpu.memref_slice %dma_start3A_1341[%dma_start3A_1342] : memref<200xi32, #tpu.memory_space<vmem>> -> memref<128xi32, #tpu.memory_space<vmem>>
      %dma_start3A_1344 = arith.constant 0 : i32
      %dma_start3A_1345 = arith.constant 0 : i32
      %dma_start3A_1346 = tpu.memref_slice %arg3[%dma_start3A_1344, %dma_start3A_1345] : memref<1000000x64xf32, #tpu.memory_space<hbm>> -> memref<1000000x64xf32, #tpu.memory_space<hbm>>
      %dma_start3A_1347 = tpu.memref_slice %arg8[%dma_start3A_1334] : memref<4x!tpu.dma_semaphore, #tpu.memory_space<semaphore_mem>> -> memref<1x!tpu.dma_semaphore, #tpu.memory_space<semaphore_mem>>
      %dma_start3A_1348 = tpu.memref_squeeze %dma_start3A_1347 : memref<1x!tpu.dma_semaphore, #tpu.memory_space<semaphore_mem>> -> memref<!tpu.dma_semaphore, #tpu.memory_space<semaphore_mem>>
      tpu.enqueue_indirect_dma source(%dma_start3A_1346 : memref<1000000x64xf32, #tpu.memory_space<hbm>>) target(%dma_start3A_1338 : memref<128x64xf32, #tpu.memory_space<vmem>>) offsets(%dma_start3A_1343 : memref<128xi32, #tpu.memory_space<vmem>>) semaphore(%dma_start3A_1348 : memref<!tpu.dma_semaphore, #tpu.memory_space<semaphore_mem>>)
      %dma_start3A_1349 = arith.constant 2 : i32
      %dma_start3A_1350 = arith.constant 2 : i32
      %dma_start3A_1351 = arith.constant 0 : i32
      %dma_start3A_1352 = arith.constant 0 : i32
      %dma_start3A_1353 = tpu.memref_slice %arg7[%dma_start3A_1349, %dma_start3A_1351, %dma_start3A_1352] : memref<4x72x64xf32, #tpu.memory_space<vmem>> -> memref<1x72x64xf32, #tpu.memory_space<vmem>>
      %dma_start3A_1354 = tpu.memref_squeeze %dma_start3A_1353 : memref<1x72x64xf32, #tpu.memory_space<vmem>> -> memref<72x64xf32, #tpu.memory_space<vmem>>
      %dma_start3A_1355 = arith.constant 0 : i32
      %dma_start3A_1356 = tpu.memref_slice %arg5[%add3A_1332, %dma_start3A_1355] : memref<128x200xi32, #tpu.memory_space<vmem>> -> memref<1x200xi32, #tpu.memory_space<vmem>>
      %dma_start3A_1357 = tpu.memref_squeeze %dma_start3A_1356 : memref<1x200xi32, #tpu.memory_space<vmem>> -> memref<200xi32, #tpu.memory_space<vmem>>
      %dma_start3A_1358 = arith.constant 128 : i32
      %dma_start3A_1359 = tpu.memref_slice %dma_start3A_1357[%dma_start3A_1358] : memref<200xi32, #tpu.memory_space<vmem>> -> memref<72xi32, #tpu.memory_space<vmem>>
      %dma_start3A_1360 = arith.constant 0 : i32
      %dma_start3A_1361 = arith.constant 0 : i32
      %dma_start3A_1362 = tpu.memref_slice %arg3[%dma_start3A_1360, %dma_start3A_1361] : memref<1000000x64xf32, #tpu.memory_space<hbm>> -> memref<1000000x64xf32, #tpu.memory_space<hbm>>
      %dma_start3A_1363 = tpu.memref_slice %arg8[%dma_start3A_1350] : memref<4x!tpu.dma_semaphore, #tpu.memory_space<semaphore_mem>> -> memref<1x!tpu.dma_semaphore, #tpu.memory_space<semaphore_mem>>
      %dma_start3A_1364 = tpu.memref_squeeze %dma_start3A_1363 : memref<1x!tpu.dma_semaphore, #tpu.memory_space<semaphore_mem>> -> memref<!tpu.dma_semaphore, #tpu.memory_space<semaphore_mem>>
      tpu.enqueue_indirect_dma source(%dma_start3A_1362 : memref<1000000x64xf32, #tpu.memory_space<hbm>>) target(%dma_start3A_1354 : memref<72x64xf32, #tpu.memory_space<vmem>>) offsets(%dma_start3A_1359 : memref<72xi32, #tpu.memory_space<vmem>>) semaphore(%dma_start3A_1364 : memref<!tpu.dma_semaphore, #tpu.memory_space<semaphore_mem>>)
      %add3A_1365 = arith.constant 3 : i32
      %add3A_1366 = arith.addi %mul3A_728, %add3A_1365 : i32
      %add3A_1367 = arith.addi %mul3A_2, %add3A_1366 : i32
      %dma_wait3A_1368 = arith.constant 3 : i32
      %dma_wait3A_1369 = arith.constant 3 : i32
      %dma_wait3A_1370 = arith.constant 0 : i32
      %dma_wait3A_1371 = arith.constant 0 : i32
      %dma_wait3A_1372 = tpu.memref_slice %arg6[%dma_wait3A_1368, %dma_wait3A_1370, %dma_wait3A_1371] : memref<4x128x64xf32, #tpu.memory_space<vmem>> -> memref<1x128x64xf32, #tpu.memory_space<vmem>>
      %dma_wait3A_1373 = tpu.memref_squeeze %dma_wait3A_1372 : memref<1x128x64xf32, #tpu.memory_space<vmem>> -> memref<128x64xf32, #tpu.memory_space<vmem>>
      %dma_wait3A_1374 = arith.constant 0 : i32
      %dma_wait3A_1375 = arith.constant 0 : i32
      %dma_wait3A_1376 = tpu.memref_slice %arg4[%add3A_1367, %dma_wait3A_1374, %dma_wait3A_1375] : memref<4096x200x64xf32, #tpu.memory_space<hbm>> -> memref<1x200x64xf32, #tpu.memory_space<hbm>>
      %dma_wait3A_1377 = tpu.memref_squeeze %dma_wait3A_1376 : memref<1x200x64xf32, #tpu.memory_space<hbm>> -> memref<200x64xf32, #tpu.memory_space<hbm>>
      %dma_wait3A_1378 = arith.constant 0 : i32
      %dma_wait3A_1379 = arith.constant 0 : i32
      %dma_wait3A_1380 = tpu.memref_slice %dma_wait3A_1377[%dma_wait3A_1378, %dma_wait3A_1379] : memref<200x64xf32, #tpu.memory_space<hbm>> -> memref<128x64xf32, #tpu.memory_space<hbm>>
      %dma_wait3A_1381 = tpu.memref_slice %arg9[%dma_wait3A_1369] : memref<4x!tpu.dma_semaphore, #tpu.memory_space<semaphore_mem>> -> memref<1x!tpu.dma_semaphore, #tpu.memory_space<semaphore_mem>>
      %dma_wait3A_1382 = tpu.memref_squeeze %dma_wait3A_1381 : memref<1x!tpu.dma_semaphore, #tpu.memory_space<semaphore_mem>> -> memref<!tpu.dma_semaphore, #tpu.memory_space<semaphore_mem>>
      %dma_wait3A_1383 = arith.constant 0 : i32
      %dma_wait3A_1384 = arith.constant 0 : i32
      %dma_wait3A_1385 = tpu.memref_slice %arg4[%add3A_1367, %dma_wait3A_1383, %dma_wait3A_1384] : memref<4096x200x64xf32, #tpu.memory_space<hbm>> -> memref<1x200x64xf32, #tpu.memory_space<hbm>>
      %dma_wait3A_1386 = tpu.memref_squeeze %dma_wait3A_1385 : memref<1x200x64xf32, #tpu.memory_space<hbm>> -> memref<200x64xf32, #tpu.memory_space<hbm>>
      %dma_wait3A_1387 = arith.constant 0 : i32
      %dma_wait3A_1388 = arith.constant 0 : i32
      %dma_wait3A_1389 = tpu.memref_slice %dma_wait3A_1386[%dma_wait3A_1387, %dma_wait3A_1388] : memref<200x64xf32, #tpu.memory_space<hbm>> -> memref<128x64xf32, #tpu.memory_space<hbm>>
      %dma_wait3A_1390 = arith.constant 0 : i32
      %dma_wait3A_1391 = arith.constant 0 : i32
      %dma_wait3A_1392 = tpu.memref_slice %arg6[%dma_wait3A_1368, %dma_wait3A_1390, %dma_wait3A_1391] : memref<4x128x64xf32, #tpu.memory_space<vmem>> -> memref<1x128x64xf32, #tpu.memory_space<vmem>>
      %dma_wait3A_1393 = tpu.memref_squeeze %dma_wait3A_1392 : memref<1x128x64xf32, #tpu.memory_space<vmem>> -> memref<128x64xf32, #tpu.memory_space<vmem>>
      tpu.wait_dma2 semaphore(%dma_wait3A_1382 : memref<!tpu.dma_semaphore, #tpu.memory_space<semaphore_mem>>) src(%dma_wait3A_1393 : memref<128x64xf32, #tpu.memory_space<vmem>>) dst(%dma_wait3A_1389 : memref<128x64xf32, #tpu.memory_space<hbm>>)
      %add3A_1394 = arith.addi %mul3A_2, %add3A_1366 : i32
      %dma_wait3A_1395 = arith.constant 3 : i32
      %dma_wait3A_1396 = arith.constant 3 : i32
      %dma_wait3A_1397 = arith.constant 0 : i32
      %dma_wait3A_1398 = arith.constant 0 : i32
      %dma_wait3A_1399 = tpu.memref_slice %arg7[%dma_wait3A_1395, %dma_wait3A_1397, %dma_wait3A_1398] : memref<4x72x64xf32, #tpu.memory_space<vmem>> -> memref<1x72x64xf32, #tpu.memory_space<vmem>>
      %dma_wait3A_1400 = tpu.memref_squeeze %dma_wait3A_1399 : memref<1x72x64xf32, #tpu.memory_space<vmem>> -> memref<72x64xf32, #tpu.memory_space<vmem>>
      %dma_wait3A_1401 = arith.constant 0 : i32
      %dma_wait3A_1402 = arith.constant 0 : i32
      %dma_wait3A_1403 = tpu.memref_slice %arg4[%add3A_1394, %dma_wait3A_1401, %dma_wait3A_1402] : memref<4096x200x64xf32, #tpu.memory_space<hbm>> -> memref<1x200x64xf32, #tpu.memory_space<hbm>>
      %dma_wait3A_1404 = tpu.memref_squeeze %dma_wait3A_1403 : memref<1x200x64xf32, #tpu.memory_space<hbm>> -> memref<200x64xf32, #tpu.memory_space<hbm>>
      %dma_wait3A_1405 = arith.constant 128 : i32
      %dma_wait3A_1406 = arith.constant 0 : i32
      %dma_wait3A_1407 = tpu.memref_slice %dma_wait3A_1404[%dma_wait3A_1405, %dma_wait3A_1406] : memref<200x64xf32, #tpu.memory_space<hbm>> -> memref<72x64xf32, #tpu.memory_space<hbm>>
      %dma_wait3A_1408 = tpu.memref_slice %arg9[%dma_wait3A_1396] : memref<4x!tpu.dma_semaphore, #tpu.memory_space<semaphore_mem>> -> memref<1x!tpu.dma_semaphore, #tpu.memory_space<semaphore_mem>>
      %dma_wait3A_1409 = tpu.memref_squeeze %dma_wait3A_1408 : memref<1x!tpu.dma_semaphore, #tpu.memory_space<semaphore_mem>> -> memref<!tpu.dma_semaphore, #tpu.memory_space<semaphore_mem>>
      %dma_wait3A_1410 = arith.constant 0 : i32
      %dma_wait3A_1411 = arith.constant 0 : i32
      %dma_wait3A_1412 = tpu.memref_slice %arg4[%add3A_1394, %dma_wait3A_1410, %dma_wait3A_1411] : memref<4096x200x64xf32, #tpu.memory_space<hbm>> -> memref<1x200x64xf32, #tpu.memory_space<hbm>>
      %dma_wait3A_1413 = tpu.memref_squeeze %dma_wait3A_1412 : memref<1x200x64xf32, #tpu.memory_space<hbm>> -> memref<200x64xf32, #tpu.memory_space<hbm>>
      %dma_wait3A_1414 = arith.constant 128 : i32
      %dma_wait3A_1415 = arith.constant 0 : i32
      %dma_wait3A_1416 = tpu.memref_slice %dma_wait3A_1413[%dma_wait3A_1414, %dma_wait3A_1415] : memref<200x64xf32, #tpu.memory_space<hbm>> -> memref<72x64xf32, #tpu.memory_space<hbm>>
      %dma_wait3A_1417 = arith.constant 0 : i32
      %dma_wait3A_1418 = arith.constant 0 : i32
      %dma_wait3A_1419 = tpu.memref_slice %arg7[%dma_wait3A_1395, %dma_wait3A_1417, %dma_wait3A_1418] : memref<4x72x64xf32, #tpu.memory_space<vmem>> -> memref<1x72x64xf32, #tpu.memory_space<vmem>>
      %dma_wait3A_1420 = tpu.memref_squeeze %dma_wait3A_1419 : memref<1x72x64xf32, #tpu.memory_space<vmem>> -> memref<72x64xf32, #tpu.memory_space<vmem>>
      tpu.wait_dma2 semaphore(%dma_wait3A_1409 : memref<!tpu.dma_semaphore, #tpu.memory_space<semaphore_mem>>) src(%dma_wait3A_1420 : memref<72x64xf32, #tpu.memory_space<vmem>>) dst(%dma_wait3A_1416 : memref<72x64xf32, #tpu.memory_space<hbm>>)
      %add3A_1421 = arith.constant 4 : i32
      %add3A_1422 = arith.addi %mul3A_728, %add3A_1421 : i32
      %add3A_1423 = arith.constant 3 : i32
      %add3A_1424 = arith.addi %add3A_1422, %add3A_1423 : i32
      %dma_start3A_1425 = arith.constant 3 : i32
      %dma_start3A_1426 = arith.constant 3 : i32
      %dma_start3A_1427 = arith.constant 0 : i32
      %dma_start3A_1428 = arith.constant 0 : i32
      %dma_start3A_1429 = tpu.memref_slice %arg6[%dma_start3A_1425, %dma_start3A_1427, %dma_start3A_1428] : memref<4x128x64xf32, #tpu.memory_space<vmem>> -> memref<1x128x64xf32, #tpu.memory_space<vmem>>
      %dma_start3A_1430 = tpu.memref_squeeze %dma_start3A_1429 : memref<1x128x64xf32, #tpu.memory_space<vmem>> -> memref<128x64xf32, #tpu.memory_space<vmem>>
      %dma_start3A_1431 = arith.constant 0 : i32
      %dma_start3A_1432 = tpu.memref_slice %arg5[%add3A_1424, %dma_start3A_1431] : memref<128x200xi32, #tpu.memory_space<vmem>> -> memref<1x200xi32, #tpu.memory_space<vmem>>
      %dma_start3A_1433 = tpu.memref_squeeze %dma_start3A_1432 : memref<1x200xi32, #tpu.memory_space<vmem>> -> memref<200xi32, #tpu.memory_space<vmem>>
      %dma_start3A_1434 = arith.constant 0 : i32
      %dma_start3A_1435 = tpu.memref_slice %dma_start3A_1433[%dma_start3A_1434] : memref<200xi32, #tpu.memory_space<vmem>> -> memref<128xi32, #tpu.memory_space<vmem>>
      %dma_start3A_1436 = arith.constant 0 : i32
      %dma_start3A_1437 = arith.constant 0 : i32
      %dma_start3A_1438 = tpu.memref_slice %arg3[%dma_start3A_1436, %dma_start3A_1437] : memref<1000000x64xf32, #tpu.memory_space<hbm>> -> memref<1000000x64xf32, #tpu.memory_space<hbm>>
      %dma_start3A_1439 = tpu.memref_slice %arg8[%dma_start3A_1426] : memref<4x!tpu.dma_semaphore, #tpu.memory_space<semaphore_mem>> -> memref<1x!tpu.dma_semaphore, #tpu.memory_space<semaphore_mem>>
      %dma_start3A_1440 = tpu.memref_squeeze %dma_start3A_1439 : memref<1x!tpu.dma_semaphore, #tpu.memory_space<semaphore_mem>> -> memref<!tpu.dma_semaphore, #tpu.memory_space<semaphore_mem>>
      tpu.enqueue_indirect_dma source(%dma_start3A_1438 : memref<1000000x64xf32, #tpu.memory_space<hbm>>) target(%dma_start3A_1430 : memref<128x64xf32, #tpu.memory_space<vmem>>) offsets(%dma_start3A_1435 : memref<128xi32, #tpu.memory_space<vmem>>) semaphore(%dma_start3A_1440 : memref<!tpu.dma_semaphore, #tpu.memory_space<semaphore_mem>>)
      %dma_start3A_1441 = arith.constant 3 : i32
      %dma_start3A_1442 = arith.constant 3 : i32
      %dma_start3A_1443 = arith.constant 0 : i32
      %dma_start3A_1444 = arith.constant 0 : i32
      %dma_start3A_1445 = tpu.memref_slice %arg7[%dma_start3A_1441, %dma_start3A_1443, %dma_start3A_1444] : memref<4x72x64xf32, #tpu.memory_space<vmem>> -> memref<1x72x64xf32, #tpu.memory_space<vmem>>
      %dma_start3A_1446 = tpu.memref_squeeze %dma_start3A_1445 : memref<1x72x64xf32, #tpu.memory_space<vmem>> -> memref<72x64xf32, #tpu.memory_space<vmem>>
      %dma_start3A_1447 = arith.constant 0 : i32
      %dma_start3A_1448 = tpu.memref_slice %arg5[%add3A_1424, %dma_start3A_1447] : memref<128x200xi32, #tpu.memory_space<vmem>> -> memref<1x200xi32, #tpu.memory_space<vmem>>
      %dma_start3A_1449 = tpu.memref_squeeze %dma_start3A_1448 : memref<1x200xi32, #tpu.memory_space<vmem>> -> memref<200xi32, #tpu.memory_space<vmem>>
      %dma_start3A_1450 = arith.constant 128 : i32
      %dma_start3A_1451 = tpu.memref_slice %dma_start3A_1449[%dma_start3A_1450] : memref<200xi32, #tpu.memory_space<vmem>> -> memref<72xi32, #tpu.memory_space<vmem>>
      %dma_start3A_1452 = arith.constant 0 : i32
      %dma_start3A_1453 = arith.constant 0 : i32
      %dma_start3A_1454 = tpu.memref_slice %arg3[%dma_start3A_1452, %dma_start3A_1453] : memref<1000000x64xf32, #tpu.memory_space<hbm>> -> memref<1000000x64xf32, #tpu.memory_space<hbm>>
      %dma_start3A_1455 = tpu.memref_slice %arg8[%dma_start3A_1442] : memref<4x!tpu.dma_semaphore, #tpu.memory_space<semaphore_mem>> -> memref<1x!tpu.dma_semaphore, #tpu.memory_space<semaphore_mem>>
      %dma_start3A_1456 = tpu.memref_squeeze %dma_start3A_1455 : memref<1x!tpu.dma_semaphore, #tpu.memory_space<semaphore_mem>> -> memref<!tpu.dma_semaphore, #tpu.memory_space<semaphore_mem>>
      tpu.enqueue_indirect_dma source(%dma_start3A_1454 : memref<1000000x64xf32, #tpu.memory_space<hbm>>) target(%dma_start3A_1446 : memref<72x64xf32, #tpu.memory_space<vmem>>) offsets(%dma_start3A_1451 : memref<72xi32, #tpu.memory_space<vmem>>) semaphore(%dma_start3A_1456 : memref<!tpu.dma_semaphore, #tpu.memory_space<semaphore_mem>>)
    }
    %scan3A_142 = arith.constant 31 : i32
    %dma_wait3A = arith.constant 124 : i32
    %dma_wait3A_143 = arith.constant 0 : i32
    %dma_wait3A_144 = arith.constant 0 : i32
    %dma_wait3A_145 = arith.constant 0 : i32
    %dma_wait3A_146 = arith.constant 0 : i32
    %dma_wait3A_147 = tpu.memref_slice %arg6[%dma_wait3A_143, %dma_wait3A_145, %dma_wait3A_146] : memref<4x128x64xf32, #tpu.memory_space<vmem>> -> memref<1x128x64xf32, #tpu.memory_space<vmem>>
    %dma_wait3A_148 = tpu.memref_squeeze %dma_wait3A_147 : memref<1x128x64xf32, #tpu.memory_space<vmem>> -> memref<128x64xf32, #tpu.memory_space<vmem>>
    %dma_wait3A_149 = arith.constant 0 : i32
    %dma_wait3A_150 = tpu.memref_slice %arg5[%dma_wait3A, %dma_wait3A_149] : memref<128x200xi32, #tpu.memory_space<vmem>> -> memref<1x200xi32, #tpu.memory_space<vmem>>
    %dma_wait3A_151 = tpu.memref_squeeze %dma_wait3A_150 : memref<1x200xi32, #tpu.memory_space<vmem>> -> memref<200xi32, #tpu.memory_space<vmem>>
    %dma_wait3A_152 = arith.constant 0 : i32
    %dma_wait3A_153 = tpu.memref_slice %dma_wait3A_151[%dma_wait3A_152] : memref<200xi32, #tpu.memory_space<vmem>> -> memref<128xi32, #tpu.memory_space<vmem>>
    %dma_wait3A_154 = arith.constant 0 : i32
    %dma_wait3A_155 = arith.constant 0 : i32
    %dma_wait3A_156 = tpu.memref_slice %arg3[%dma_wait3A_154, %dma_wait3A_155] : memref<1000000x64xf32, #tpu.memory_space<hbm>> -> memref<1000000x64xf32, #tpu.memory_space<hbm>>
    %dma_wait3A_157 = tpu.memref_slice %arg8[%dma_wait3A_144] : memref<4x!tpu.dma_semaphore, #tpu.memory_space<semaphore_mem>> -> memref<1x!tpu.dma_semaphore, #tpu.memory_space<semaphore_mem>>
    %dma_wait3A_158 = tpu.memref_squeeze %dma_wait3A_157 : memref<1x!tpu.dma_semaphore, #tpu.memory_space<semaphore_mem>> -> memref<!tpu.dma_semaphore, #tpu.memory_space<semaphore_mem>>
    tpu.wait_indirect_dma semaphore(%dma_wait3A_158 : memref<!tpu.dma_semaphore, #tpu.memory_space<semaphore_mem>>) src(%dma_wait3A_156 : memref<1000000x64xf32, #tpu.memory_space<hbm>>) dst(%dma_wait3A_148 : memref<128x64xf32, #tpu.memory_space<vmem>>)
    %dma_wait3A_159 = arith.constant 124 : i32
    %dma_wait3A_160 = arith.constant 0 : i32
    %dma_wait3A_161 = arith.constant 0 : i32
    %dma_wait3A_162 = arith.constant 0 : i32
    %dma_wait3A_163 = arith.constant 0 : i32
    %dma_wait3A_164 = tpu.memref_slice %arg7[%dma_wait3A_160, %dma_wait3A_162, %dma_wait3A_163] : memref<4x72x64xf32, #tpu.memory_space<vmem>> -> memref<1x72x64xf32, #tpu.memory_space<vmem>>
    %dma_wait3A_165 = tpu.memref_squeeze %dma_wait3A_164 : memref<1x72x64xf32, #tpu.memory_space<vmem>> -> memref<72x64xf32, #tpu.memory_space<vmem>>
    %dma_wait3A_166 = arith.constant 0 : i32
    %dma_wait3A_167 = tpu.memref_slice %arg5[%dma_wait3A_159, %dma_wait3A_166] : memref<128x200xi32, #tpu.memory_space<vmem>> -> memref<1x200xi32, #tpu.memory_space<vmem>>
    %dma_wait3A_168 = tpu.memref_squeeze %dma_wait3A_167 : memref<1x200xi32, #tpu.memory_space<vmem>> -> memref<200xi32, #tpu.memory_space<vmem>>
    %dma_wait3A_169 = arith.constant 128 : i32
    %dma_wait3A_170 = tpu.memref_slice %dma_wait3A_168[%dma_wait3A_169] : memref<200xi32, #tpu.memory_space<vmem>> -> memref<72xi32, #tpu.memory_space<vmem>>
    %dma_wait3A_171 = arith.constant 0 : i32
    %dma_wait3A_172 = arith.constant 0 : i32
    %dma_wait3A_173 = tpu.memref_slice %arg3[%dma_wait3A_171, %dma_wait3A_172] : memref<1000000x64xf32, #tpu.memory_space<hbm>> -> memref<1000000x64xf32, #tpu.memory_space<hbm>>
    %dma_wait3A_174 = tpu.memref_slice %arg8[%dma_wait3A_161] : memref<4x!tpu.dma_semaphore, #tpu.memory_space<semaphore_mem>> -> memref<1x!tpu.dma_semaphore, #tpu.memory_space<semaphore_mem>>
    %dma_wait3A_175 = tpu.memref_squeeze %dma_wait3A_174 : memref<1x!tpu.dma_semaphore, #tpu.memory_space<semaphore_mem>> -> memref<!tpu.dma_semaphore, #tpu.memory_space<semaphore_mem>>
    tpu.wait_indirect_dma semaphore(%dma_wait3A_175 : memref<!tpu.dma_semaphore, #tpu.memory_space<semaphore_mem>>) src(%dma_wait3A_173 : memref<1000000x64xf32, #tpu.memory_space<hbm>>) dst(%dma_wait3A_165 : memref<72x64xf32, #tpu.memory_space<vmem>>)
    %add3A_176 = arith.constant 124 : i32
    %add3A_177 = arith.addi %mul3A_2, %add3A_176 : i32
    %dma_start3A_178 = arith.constant 0 : i32
    %dma_start3A_179 = arith.constant 0 : i32
    %dma_start3A_180 = arith.constant 0 : i32
    %dma_start3A_181 = arith.constant 0 : i32
    %dma_start3A_182 = tpu.memref_slice %arg6[%dma_start3A_178, %dma_start3A_180, %dma_start3A_181] : memref<4x128x64xf32, #tpu.memory_space<vmem>> -> memref<1x128x64xf32, #tpu.memory_space<vmem>>
    %dma_start3A_183 = tpu.memref_squeeze %dma_start3A_182 : memref<1x128x64xf32, #tpu.memory_space<vmem>> -> memref<128x64xf32, #tpu.memory_space<vmem>>
    %dma_start3A_184 = arith.constant 0 : i32
    %dma_start3A_185 = arith.constant 0 : i32
    %dma_start3A_186 = tpu.memref_slice %arg4[%add3A_177, %dma_start3A_184, %dma_start3A_185] : memref<4096x200x64xf32, #tpu.memory_space<hbm>> -> memref<1x200x64xf32, #tpu.memory_space<hbm>>
    %dma_start3A_187 = tpu.memref_squeeze %dma_start3A_186 : memref<1x200x64xf32, #tpu.memory_space<hbm>> -> memref<200x64xf32, #tpu.memory_space<hbm>>
    %dma_start3A_188 = arith.constant 0 : i32
    %dma_start3A_189 = arith.constant 0 : i32
    %dma_start3A_190 = tpu.memref_slice %dma_start3A_187[%dma_start3A_188, %dma_start3A_189] : memref<200x64xf32, #tpu.memory_space<hbm>> -> memref<128x64xf32, #tpu.memory_space<hbm>>
    %dma_start3A_191 = tpu.memref_slice %arg9[%dma_start3A_179] : memref<4x!tpu.dma_semaphore, #tpu.memory_space<semaphore_mem>> -> memref<1x!tpu.dma_semaphore, #tpu.memory_space<semaphore_mem>>
    %dma_start3A_192 = tpu.memref_squeeze %dma_start3A_191 : memref<1x!tpu.dma_semaphore, #tpu.memory_space<semaphore_mem>> -> memref<!tpu.dma_semaphore, #tpu.memory_space<semaphore_mem>>
    %dma_start3A_193 = arith.constant 0 : i32
    %dma_start3A_194 = arith.constant 0 : i32
    %dma_start3A_195 = tpu.memref_slice %arg4[%add3A_177, %dma_start3A_193, %dma_start3A_194] : memref<4096x200x64xf32, #tpu.memory_space<hbm>> -> memref<1x200x64xf32, #tpu.memory_space<hbm>>
    %dma_start3A_196 = tpu.memref_squeeze %dma_start3A_195 : memref<1x200x64xf32, #tpu.memory_space<hbm>> -> memref<200x64xf32, #tpu.memory_space<hbm>>
    %dma_start3A_197 = arith.constant 0 : i32
    %dma_start3A_198 = arith.constant 0 : i32
    %dma_start3A_199 = tpu.memref_slice %dma_start3A_196[%dma_start3A_197, %dma_start3A_198] : memref<200x64xf32, #tpu.memory_space<hbm>> -> memref<128x64xf32, #tpu.memory_space<hbm>>
    %dma_start3A_200 = arith.constant 0 : i32
    %dma_start3A_201 = arith.constant 0 : i32
    %dma_start3A_202 = tpu.memref_slice %arg6[%dma_start3A_178, %dma_start3A_200, %dma_start3A_201] : memref<4x128x64xf32, #tpu.memory_space<vmem>> -> memref<1x128x64xf32, #tpu.memory_space<vmem>>
    %dma_start3A_203 = tpu.memref_squeeze %dma_start3A_202 : memref<1x128x64xf32, #tpu.memory_space<vmem>> -> memref<128x64xf32, #tpu.memory_space<vmem>>
    tpu.enqueue_dma source(%dma_start3A_203 : memref<128x64xf32, #tpu.memory_space<vmem>>) target(%dma_start3A_199 : memref<128x64xf32, #tpu.memory_space<hbm>>) target_semaphore(%dma_start3A_192 : memref<!tpu.dma_semaphore, #tpu.memory_space<semaphore_mem>>)
    %add3A_204 = arith.constant 124 : i32
    %add3A_205 = arith.addi %mul3A_2, %add3A_204 : i32
    %dma_start3A_206 = arith.constant 0 : i32
    %dma_start3A_207 = arith.constant 0 : i32
    %dma_start3A_208 = arith.constant 0 : i32
    %dma_start3A_209 = arith.constant 0 : i32
    %dma_start3A_210 = tpu.memref_slice %arg7[%dma_start3A_206, %dma_start3A_208, %dma_start3A_209] : memref<4x72x64xf32, #tpu.memory_space<vmem>> -> memref<1x72x64xf32, #tpu.memory_space<vmem>>
    %dma_start3A_211 = tpu.memref_squeeze %dma_start3A_210 : memref<1x72x64xf32, #tpu.memory_space<vmem>> -> memref<72x64xf32, #tpu.memory_space<vmem>>
    %dma_start3A_212 = arith.constant 0 : i32
    %dma_start3A_213 = arith.constant 0 : i32
    %dma_start3A_214 = tpu.memref_slice %arg4[%add3A_205, %dma_start3A_212, %dma_start3A_213] : memref<4096x200x64xf32, #tpu.memory_space<hbm>> -> memref<1x200x64xf32, #tpu.memory_space<hbm>>
    %dma_start3A_215 = tpu.memref_squeeze %dma_start3A_214 : memref<1x200x64xf32, #tpu.memory_space<hbm>> -> memref<200x64xf32, #tpu.memory_space<hbm>>
    %dma_start3A_216 = arith.constant 128 : i32
    %dma_start3A_217 = arith.constant 0 : i32
    %dma_start3A_218 = tpu.memref_slice %dma_start3A_215[%dma_start3A_216, %dma_start3A_217] : memref<200x64xf32, #tpu.memory_space<hbm>> -> memref<72x64xf32, #tpu.memory_space<hbm>>
    %dma_start3A_219 = tpu.memref_slice %arg9[%dma_start3A_207] : memref<4x!tpu.dma_semaphore, #tpu.memory_space<semaphore_mem>> -> memref<1x!tpu.dma_semaphore, #tpu.memory_space<semaphore_mem>>
    %dma_start3A_220 = tpu.memref_squeeze %dma_start3A_219 : memref<1x!tpu.dma_semaphore, #tpu.memory_space<semaphore_mem>> -> memref<!tpu.dma_semaphore, #tpu.memory_space<semaphore_mem>>
    %dma_start3A_221 = arith.constant 0 : i32
    %dma_start3A_222 = arith.constant 0 : i32
    %dma_start3A_223 = tpu.memref_slice %arg4[%add3A_205, %dma_start3A_221, %dma_start3A_222] : memref<4096x200x64xf32, #tpu.memory_space<hbm>> -> memref<1x200x64xf32, #tpu.memory_space<hbm>>
    %dma_start3A_224 = tpu.memref_squeeze %dma_start3A_223 : memref<1x200x64xf32, #tpu.memory_space<hbm>> -> memref<200x64xf32, #tpu.memory_space<hbm>>
    %dma_start3A_225 = arith.constant 128 : i32
    %dma_start3A_226 = arith.constant 0 : i32
    %dma_start3A_227 = tpu.memref_slice %dma_start3A_224[%dma_start3A_225, %dma_start3A_226] : memref<200x64xf32, #tpu.memory_space<hbm>> -> memref<72x64xf32, #tpu.memory_space<hbm>>
    %dma_start3A_228 = arith.constant 0 : i32
    %dma_start3A_229 = arith.constant 0 : i32
    %dma_start3A_230 = tpu.memref_slice %arg7[%dma_start3A_206, %dma_start3A_228, %dma_start3A_229] : memref<4x72x64xf32, #tpu.memory_space<vmem>> -> memref<1x72x64xf32, #tpu.memory_space<vmem>>
    %dma_start3A_231 = tpu.memref_squeeze %dma_start3A_230 : memref<1x72x64xf32, #tpu.memory_space<vmem>> -> memref<72x64xf32, #tpu.memory_space<vmem>>
    tpu.enqueue_dma source(%dma_start3A_231 : memref<72x64xf32, #tpu.memory_space<vmem>>) target(%dma_start3A_227 : memref<72x64xf32, #tpu.memory_space<hbm>>) target_semaphore(%dma_start3A_220 : memref<!tpu.dma_semaphore, #tpu.memory_space<semaphore_mem>>)
    %dma_wait3A_232 = arith.constant 125 : i32
    %dma_wait3A_233 = arith.constant 1 : i32
    %dma_wait3A_234 = arith.constant 1 : i32
    %dma_wait3A_235 = arith.constant 0 : i32
    %dma_wait3A_236 = arith.constant 0 : i32
    %dma_wait3A_237 = tpu.memref_slice %arg6[%dma_wait3A_233, %dma_wait3A_235, %dma_wait3A_236] : memref<4x128x64xf32, #tpu.memory_space<vmem>> -> memref<1x128x64xf32, #tpu.memory_space<vmem>>
    %dma_wait3A_238 = tpu.memref_squeeze %dma_wait3A_237 : memref<1x128x64xf32, #tpu.memory_space<vmem>> -> memref<128x64xf32, #tpu.memory_space<vmem>>
    %dma_wait3A_239 = arith.constant 0 : i32
    %dma_wait3A_240 = tpu.memref_slice %arg5[%dma_wait3A_232, %dma_wait3A_239] : memref<128x200xi32, #tpu.memory_space<vmem>> -> memref<1x200xi32, #tpu.memory_space<vmem>>
    %dma_wait3A_241 = tpu.memref_squeeze %dma_wait3A_240 : memref<1x200xi32, #tpu.memory_space<vmem>> -> memref<200xi32, #tpu.memory_space<vmem>>
    %dma_wait3A_242 = arith.constant 0 : i32
    %dma_wait3A_243 = tpu.memref_slice %dma_wait3A_241[%dma_wait3A_242] : memref<200xi32, #tpu.memory_space<vmem>> -> memref<128xi32, #tpu.memory_space<vmem>>
    %dma_wait3A_244 = arith.constant 0 : i32
    %dma_wait3A_245 = arith.constant 0 : i32
    %dma_wait3A_246 = tpu.memref_slice %arg3[%dma_wait3A_244, %dma_wait3A_245] : memref<1000000x64xf32, #tpu.memory_space<hbm>> -> memref<1000000x64xf32, #tpu.memory_space<hbm>>
    %dma_wait3A_247 = tpu.memref_slice %arg8[%dma_wait3A_234] : memref<4x!tpu.dma_semaphore, #tpu.memory_space<semaphore_mem>> -> memref<1x!tpu.dma_semaphore, #tpu.memory_space<semaphore_mem>>
    %dma_wait3A_248 = tpu.memref_squeeze %dma_wait3A_247 : memref<1x!tpu.dma_semaphore, #tpu.memory_space<semaphore_mem>> -> memref<!tpu.dma_semaphore, #tpu.memory_space<semaphore_mem>>
    tpu.wait_indirect_dma semaphore(%dma_wait3A_248 : memref<!tpu.dma_semaphore, #tpu.memory_space<semaphore_mem>>) src(%dma_wait3A_246 : memref<1000000x64xf32, #tpu.memory_space<hbm>>) dst(%dma_wait3A_238 : memref<128x64xf32, #tpu.memory_space<vmem>>)
    %dma_wait3A_249 = arith.constant 125 : i32
    %dma_wait3A_250 = arith.constant 1 : i32
    %dma_wait3A_251 = arith.constant 1 : i32
    %dma_wait3A_252 = arith.constant 0 : i32
    %dma_wait3A_253 = arith.constant 0 : i32
    %dma_wait3A_254 = tpu.memref_slice %arg7[%dma_wait3A_250, %dma_wait3A_252, %dma_wait3A_253] : memref<4x72x64xf32, #tpu.memory_space<vmem>> -> memref<1x72x64xf32, #tpu.memory_space<vmem>>
    %dma_wait3A_255 = tpu.memref_squeeze %dma_wait3A_254 : memref<1x72x64xf32, #tpu.memory_space<vmem>> -> memref<72x64xf32, #tpu.memory_space<vmem>>
    %dma_wait3A_256 = arith.constant 0 : i32
    %dma_wait3A_257 = tpu.memref_slice %arg5[%dma_wait3A_249, %dma_wait3A_256] : memref<128x200xi32, #tpu.memory_space<vmem>> -> memref<1x200xi32, #tpu.memory_space<vmem>>
    %dma_wait3A_258 = tpu.memref_squeeze %dma_wait3A_257 : memref<1x200xi32, #tpu.memory_space<vmem>> -> memref<200xi32, #tpu.memory_space<vmem>>
    %dma_wait3A_259 = arith.constant 128 : i32
    %dma_wait3A_260 = tpu.memref_slice %dma_wait3A_258[%dma_wait3A_259] : memref<200xi32, #tpu.memory_space<vmem>> -> memref<72xi32, #tpu.memory_space<vmem>>
    %dma_wait3A_261 = arith.constant 0 : i32
    %dma_wait3A_262 = arith.constant 0 : i32
    %dma_wait3A_263 = tpu.memref_slice %arg3[%dma_wait3A_261, %dma_wait3A_262] : memref<1000000x64xf32, #tpu.memory_space<hbm>> -> memref<1000000x64xf32, #tpu.memory_space<hbm>>
    %dma_wait3A_264 = tpu.memref_slice %arg8[%dma_wait3A_251] : memref<4x!tpu.dma_semaphore, #tpu.memory_space<semaphore_mem>> -> memref<1x!tpu.dma_semaphore, #tpu.memory_space<semaphore_mem>>
    %dma_wait3A_265 = tpu.memref_squeeze %dma_wait3A_264 : memref<1x!tpu.dma_semaphore, #tpu.memory_space<semaphore_mem>> -> memref<!tpu.dma_semaphore, #tpu.memory_space<semaphore_mem>>
    tpu.wait_indirect_dma semaphore(%dma_wait3A_265 : memref<!tpu.dma_semaphore, #tpu.memory_space<semaphore_mem>>) src(%dma_wait3A_263 : memref<1000000x64xf32, #tpu.memory_space<hbm>>) dst(%dma_wait3A_255 : memref<72x64xf32, #tpu.memory_space<vmem>>)
    %add3A_266 = arith.constant 125 : i32
    %add3A_267 = arith.addi %mul3A_2, %add3A_266 : i32
    %dma_start3A_268 = arith.constant 1 : i32
    %dma_start3A_269 = arith.constant 1 : i32
    %dma_start3A_270 = arith.constant 0 : i32
    %dma_start3A_271 = arith.constant 0 : i32
    %dma_start3A_272 = tpu.memref_slice %arg6[%dma_start3A_268, %dma_start3A_270, %dma_start3A_271] : memref<4x128x64xf32, #tpu.memory_space<vmem>> -> memref<1x128x64xf32, #tpu.memory_space<vmem>>
    %dma_start3A_273 = tpu.memref_squeeze %dma_start3A_272 : memref<1x128x64xf32, #tpu.memory_space<vmem>> -> memref<128x64xf32, #tpu.memory_space<vmem>>
    %dma_start3A_274 = arith.constant 0 : i32
    %dma_start3A_275 = arith.constant 0 : i32
    %dma_start3A_276 = tpu.memref_slice %arg4[%add3A_267, %dma_start3A_274, %dma_start3A_275] : memref<4096x200x64xf32, #tpu.memory_space<hbm>> -> memref<1x200x64xf32, #tpu.memory_space<hbm>>
    %dma_start3A_277 = tpu.memref_squeeze %dma_start3A_276 : memref<1x200x64xf32, #tpu.memory_space<hbm>> -> memref<200x64xf32, #tpu.memory_space<hbm>>
    %dma_start3A_278 = arith.constant 0 : i32
    %dma_start3A_279 = arith.constant 0 : i32
    %dma_start3A_280 = tpu.memref_slice %dma_start3A_277[%dma_start3A_278, %dma_start3A_279] : memref<200x64xf32, #tpu.memory_space<hbm>> -> memref<128x64xf32, #tpu.memory_space<hbm>>
    %dma_start3A_281 = tpu.memref_slice %arg9[%dma_start3A_269] : memref<4x!tpu.dma_semaphore, #tpu.memory_space<semaphore_mem>> -> memref<1x!tpu.dma_semaphore, #tpu.memory_space<semaphore_mem>>
    %dma_start3A_282 = tpu.memref_squeeze %dma_start3A_281 : memref<1x!tpu.dma_semaphore, #tpu.memory_space<semaphore_mem>> -> memref<!tpu.dma_semaphore, #tpu.memory_space<semaphore_mem>>
    %dma_start3A_283 = arith.constant 0 : i32
    %dma_start3A_284 = arith.constant 0 : i32
    %dma_start3A_285 = tpu.memref_slice %arg4[%add3A_267, %dma_start3A_283, %dma_start3A_284] : memref<4096x200x64xf32, #tpu.memory_space<hbm>> -> memref<1x200x64xf32, #tpu.memory_space<hbm>>
    %dma_start3A_286 = tpu.memref_squeeze %dma_start3A_285 : memref<1x200x64xf32, #tpu.memory_space<hbm>> -> memref<200x64xf32, #tpu.memory_space<hbm>>
    %dma_start3A_287 = arith.constant 0 : i32
    %dma_start3A_288 = arith.constant 0 : i32
    %dma_start3A_289 = tpu.memref_slice %dma_start3A_286[%dma_start3A_287, %dma_start3A_288] : memref<200x64xf32, #tpu.memory_space<hbm>> -> memref<128x64xf32, #tpu.memory_space<hbm>>
    %dma_start3A_290 = arith.constant 0 : i32
    %dma_start3A_291 = arith.constant 0 : i32
    %dma_start3A_292 = tpu.memref_slice %arg6[%dma_start3A_268, %dma_start3A_290, %dma_start3A_291] : memref<4x128x64xf32, #tpu.memory_space<vmem>> -> memref<1x128x64xf32, #tpu.memory_space<vmem>>
    %dma_start3A_293 = tpu.memref_squeeze %dma_start3A_292 : memref<1x128x64xf32, #tpu.memory_space<vmem>> -> memref<128x64xf32, #tpu.memory_space<vmem>>
    tpu.enqueue_dma source(%dma_start3A_293 : memref<128x64xf32, #tpu.memory_space<vmem>>) target(%dma_start3A_289 : memref<128x64xf32, #tpu.memory_space<hbm>>) target_semaphore(%dma_start3A_282 : memref<!tpu.dma_semaphore, #tpu.memory_space<semaphore_mem>>)
    %add3A_294 = arith.constant 125 : i32
    %add3A_295 = arith.addi %mul3A_2, %add3A_294 : i32
    %dma_start3A_296 = arith.constant 1 : i32
    %dma_start3A_297 = arith.constant 1 : i32
    %dma_start3A_298 = arith.constant 0 : i32
    %dma_start3A_299 = arith.constant 0 : i32
    %dma_start3A_300 = tpu.memref_slice %arg7[%dma_start3A_296, %dma_start3A_298, %dma_start3A_299] : memref<4x72x64xf32, #tpu.memory_space<vmem>> -> memref<1x72x64xf32, #tpu.memory_space<vmem>>
    %dma_start3A_301 = tpu.memref_squeeze %dma_start3A_300 : memref<1x72x64xf32, #tpu.memory_space<vmem>> -> memref<72x64xf32, #tpu.memory_space<vmem>>
    %dma_start3A_302 = arith.constant 0 : i32
    %dma_start3A_303 = arith.constant 0 : i32
    %dma_start3A_304 = tpu.memref_slice %arg4[%add3A_295, %dma_start3A_302, %dma_start3A_303] : memref<4096x200x64xf32, #tpu.memory_space<hbm>> -> memref<1x200x64xf32, #tpu.memory_space<hbm>>
    %dma_start3A_305 = tpu.memref_squeeze %dma_start3A_304 : memref<1x200x64xf32, #tpu.memory_space<hbm>> -> memref<200x64xf32, #tpu.memory_space<hbm>>
    %dma_start3A_306 = arith.constant 128 : i32
    %dma_start3A_307 = arith.constant 0 : i32
    %dma_start3A_308 = tpu.memref_slice %dma_start3A_305[%dma_start3A_306, %dma_start3A_307] : memref<200x64xf32, #tpu.memory_space<hbm>> -> memref<72x64xf32, #tpu.memory_space<hbm>>
    %dma_start3A_309 = tpu.memref_slice %arg9[%dma_start3A_297] : memref<4x!tpu.dma_semaphore, #tpu.memory_space<semaphore_mem>> -> memref<1x!tpu.dma_semaphore, #tpu.memory_space<semaphore_mem>>
    %dma_start3A_310 = tpu.memref_squeeze %dma_start3A_309 : memref<1x!tpu.dma_semaphore, #tpu.memory_space<semaphore_mem>> -> memref<!tpu.dma_semaphore, #tpu.memory_space<semaphore_mem>>
    %dma_start3A_311 = arith.constant 0 : i32
    %dma_start3A_312 = arith.constant 0 : i32
    %dma_start3A_313 = tpu.memref_slice %arg4[%add3A_295, %dma_start3A_311, %dma_start3A_312] : memref<4096x200x64xf32, #tpu.memory_space<hbm>> -> memref<1x200x64xf32, #tpu.memory_space<hbm>>
    %dma_start3A_314 = tpu.memref_squeeze %dma_start3A_313 : memref<1x200x64xf32, #tpu.memory_space<hbm>> -> memref<200x64xf32, #tpu.memory_space<hbm>>
    %dma_start3A_315 = arith.constant 128 : i32
    %dma_start3A_316 = arith.constant 0 : i32
    %dma_start3A_317 = tpu.memref_slice %dma_start3A_314[%dma_start3A_315, %dma_start3A_316] : memref<200x64xf32, #tpu.memory_space<hbm>> -> memref<72x64xf32, #tpu.memory_space<hbm>>
    %dma_start3A_318 = arith.constant 0 : i32
    %dma_start3A_319 = arith.constant 0 : i32
    %dma_start3A_320 = tpu.memref_slice %arg7[%dma_start3A_296, %dma_start3A_318, %dma_start3A_319] : memref<4x72x64xf32, #tpu.memory_space<vmem>> -> memref<1x72x64xf32, #tpu.memory_space<vmem>>
    %dma_start3A_321 = tpu.memref_squeeze %dma_start3A_320 : memref<1x72x64xf32, #tpu.memory_space<vmem>> -> memref<72x64xf32, #tpu.memory_space<vmem>>
    tpu.enqueue_dma source(%dma_start3A_321 : memref<72x64xf32, #tpu.memory_space<vmem>>) target(%dma_start3A_317 : memref<72x64xf32, #tpu.memory_space<hbm>>) target_semaphore(%dma_start3A_310 : memref<!tpu.dma_semaphore, #tpu.memory_space<semaphore_mem>>)
    %dma_wait3A_322 = arith.constant 126 : i32
    %dma_wait3A_323 = arith.constant 2 : i32
    %dma_wait3A_324 = arith.constant 2 : i32
    %dma_wait3A_325 = arith.constant 0 : i32
    %dma_wait3A_326 = arith.constant 0 : i32
    %dma_wait3A_327 = tpu.memref_slice %arg6[%dma_wait3A_323, %dma_wait3A_325, %dma_wait3A_326] : memref<4x128x64xf32, #tpu.memory_space<vmem>> -> memref<1x128x64xf32, #tpu.memory_space<vmem>>
    %dma_wait3A_328 = tpu.memref_squeeze %dma_wait3A_327 : memref<1x128x64xf32, #tpu.memory_space<vmem>> -> memref<128x64xf32, #tpu.memory_space<vmem>>
    %dma_wait3A_329 = arith.constant 0 : i32
    %dma_wait3A_330 = tpu.memref_slice %arg5[%dma_wait3A_322, %dma_wait3A_329] : memref<128x200xi32, #tpu.memory_space<vmem>> -> memref<1x200xi32, #tpu.memory_space<vmem>>
    %dma_wait3A_331 = tpu.memref_squeeze %dma_wait3A_330 : memref<1x200xi32, #tpu.memory_space<vmem>> -> memref<200xi32, #tpu.memory_space<vmem>>
    %dma_wait3A_332 = arith.constant 0 : i32
    %dma_wait3A_333 = tpu.memref_slice %dma_wait3A_331[%dma_wait3A_332] : memref<200xi32, #tpu.memory_space<vmem>> -> memref<128xi32, #tpu.memory_space<vmem>>
    %dma_wait3A_334 = arith.constant 0 : i32
    %dma_wait3A_335 = arith.constant 0 : i32
    %dma_wait3A_336 = tpu.memref_slice %arg3[%dma_wait3A_334, %dma_wait3A_335] : memref<1000000x64xf32, #tpu.memory_space<hbm>> -> memref<1000000x64xf32, #tpu.memory_space<hbm>>
    %dma_wait3A_337 = tpu.memref_slice %arg8[%dma_wait3A_324] : memref<4x!tpu.dma_semaphore, #tpu.memory_space<semaphore_mem>> -> memref<1x!tpu.dma_semaphore, #tpu.memory_space<semaphore_mem>>
    %dma_wait3A_338 = tpu.memref_squeeze %dma_wait3A_337 : memref<1x!tpu.dma_semaphore, #tpu.memory_space<semaphore_mem>> -> memref<!tpu.dma_semaphore, #tpu.memory_space<semaphore_mem>>
    tpu.wait_indirect_dma semaphore(%dma_wait3A_338 : memref<!tpu.dma_semaphore, #tpu.memory_space<semaphore_mem>>) src(%dma_wait3A_336 : memref<1000000x64xf32, #tpu.memory_space<hbm>>) dst(%dma_wait3A_328 : memref<128x64xf32, #tpu.memory_space<vmem>>)
    %dma_wait3A_339 = arith.constant 126 : i32
    %dma_wait3A_340 = arith.constant 2 : i32
    %dma_wait3A_341 = arith.constant 2 : i32
    %dma_wait3A_342 = arith.constant 0 : i32
    %dma_wait3A_343 = arith.constant 0 : i32
    %dma_wait3A_344 = tpu.memref_slice %arg7[%dma_wait3A_340, %dma_wait3A_342, %dma_wait3A_343] : memref<4x72x64xf32, #tpu.memory_space<vmem>> -> memref<1x72x64xf32, #tpu.memory_space<vmem>>
    %dma_wait3A_345 = tpu.memref_squeeze %dma_wait3A_344 : memref<1x72x64xf32, #tpu.memory_space<vmem>> -> memref<72x64xf32, #tpu.memory_space<vmem>>
    %dma_wait3A_346 = arith.constant 0 : i32
    %dma_wait3A_347 = tpu.memref_slice %arg5[%dma_wait3A_339, %dma_wait3A_346] : memref<128x200xi32, #tpu.memory_space<vmem>> -> memref<1x200xi32, #tpu.memory_space<vmem>>
    %dma_wait3A_348 = tpu.memref_squeeze %dma_wait3A_347 : memref<1x200xi32, #tpu.memory_space<vmem>> -> memref<200xi32, #tpu.memory_space<vmem>>
    %dma_wait3A_349 = arith.constant 128 : i32
    %dma_wait3A_350 = tpu.memref_slice %dma_wait3A_348[%dma_wait3A_349] : memref<200xi32, #tpu.memory_space<vmem>> -> memref<72xi32, #tpu.memory_space<vmem>>
    %dma_wait3A_351 = arith.constant 0 : i32
    %dma_wait3A_352 = arith.constant 0 : i32
    %dma_wait3A_353 = tpu.memref_slice %arg3[%dma_wait3A_351, %dma_wait3A_352] : memref<1000000x64xf32, #tpu.memory_space<hbm>> -> memref<1000000x64xf32, #tpu.memory_space<hbm>>
    %dma_wait3A_354 = tpu.memref_slice %arg8[%dma_wait3A_341] : memref<4x!tpu.dma_semaphore, #tpu.memory_space<semaphore_mem>> -> memref<1x!tpu.dma_semaphore, #tpu.memory_space<semaphore_mem>>
    %dma_wait3A_355 = tpu.memref_squeeze %dma_wait3A_354 : memref<1x!tpu.dma_semaphore, #tpu.memory_space<semaphore_mem>> -> memref<!tpu.dma_semaphore, #tpu.memory_space<semaphore_mem>>
    tpu.wait_indirect_dma semaphore(%dma_wait3A_355 : memref<!tpu.dma_semaphore, #tpu.memory_space<semaphore_mem>>) src(%dma_wait3A_353 : memref<1000000x64xf32, #tpu.memory_space<hbm>>) dst(%dma_wait3A_345 : memref<72x64xf32, #tpu.memory_space<vmem>>)
    %add3A_356 = arith.constant 126 : i32
    %add3A_357 = arith.addi %mul3A_2, %add3A_356 : i32
    %dma_start3A_358 = arith.constant 2 : i32
    %dma_start3A_359 = arith.constant 2 : i32
    %dma_start3A_360 = arith.constant 0 : i32
    %dma_start3A_361 = arith.constant 0 : i32
    %dma_start3A_362 = tpu.memref_slice %arg6[%dma_start3A_358, %dma_start3A_360, %dma_start3A_361] : memref<4x128x64xf32, #tpu.memory_space<vmem>> -> memref<1x128x64xf32, #tpu.memory_space<vmem>>
    %dma_start3A_363 = tpu.memref_squeeze %dma_start3A_362 : memref<1x128x64xf32, #tpu.memory_space<vmem>> -> memref<128x64xf32, #tpu.memory_space<vmem>>
    %dma_start3A_364 = arith.constant 0 : i32
    %dma_start3A_365 = arith.constant 0 : i32
    %dma_start3A_366 = tpu.memref_slice %arg4[%add3A_357, %dma_start3A_364, %dma_start3A_365] : memref<4096x200x64xf32, #tpu.memory_space<hbm>> -> memref<1x200x64xf32, #tpu.memory_space<hbm>>
    %dma_start3A_367 = tpu.memref_squeeze %dma_start3A_366 : memref<1x200x64xf32, #tpu.memory_space<hbm>> -> memref<200x64xf32, #tpu.memory_space<hbm>>
    %dma_start3A_368 = arith.constant 0 : i32
    %dma_start3A_369 = arith.constant 0 : i32
    %dma_start3A_370 = tpu.memref_slice %dma_start3A_367[%dma_start3A_368, %dma_start3A_369] : memref<200x64xf32, #tpu.memory_space<hbm>> -> memref<128x64xf32, #tpu.memory_space<hbm>>
    %dma_start3A_371 = tpu.memref_slice %arg9[%dma_start3A_359] : memref<4x!tpu.dma_semaphore, #tpu.memory_space<semaphore_mem>> -> memref<1x!tpu.dma_semaphore, #tpu.memory_space<semaphore_mem>>
    %dma_start3A_372 = tpu.memref_squeeze %dma_start3A_371 : memref<1x!tpu.dma_semaphore, #tpu.memory_space<semaphore_mem>> -> memref<!tpu.dma_semaphore, #tpu.memory_space<semaphore_mem>>
    %dma_start3A_373 = arith.constant 0 : i32
    %dma_start3A_374 = arith.constant 0 : i32
    %dma_start3A_375 = tpu.memref_slice %arg4[%add3A_357, %dma_start3A_373, %dma_start3A_374] : memref<4096x200x64xf32, #tpu.memory_space<hbm>> -> memref<1x200x64xf32, #tpu.memory_space<hbm>>
    %dma_start3A_376 = tpu.memref_squeeze %dma_start3A_375 : memref<1x200x64xf32, #tpu.memory_space<hbm>> -> memref<200x64xf32, #tpu.memory_space<hbm>>
    %dma_start3A_377 = arith.constant 0 : i32
    %dma_start3A_378 = arith.constant 0 : i32
    %dma_start3A_379 = tpu.memref_slice %dma_start3A_376[%dma_start3A_377, %dma_start3A_378] : memref<200x64xf32, #tpu.memory_space<hbm>> -> memref<128x64xf32, #tpu.memory_space<hbm>>
    %dma_start3A_380 = arith.constant 0 : i32
    %dma_start3A_381 = arith.constant 0 : i32
    %dma_start3A_382 = tpu.memref_slice %arg6[%dma_start3A_358, %dma_start3A_380, %dma_start3A_381] : memref<4x128x64xf32, #tpu.memory_space<vmem>> -> memref<1x128x64xf32, #tpu.memory_space<vmem>>
    %dma_start3A_383 = tpu.memref_squeeze %dma_start3A_382 : memref<1x128x64xf32, #tpu.memory_space<vmem>> -> memref<128x64xf32, #tpu.memory_space<vmem>>
    tpu.enqueue_dma source(%dma_start3A_383 : memref<128x64xf32, #tpu.memory_space<vmem>>) target(%dma_start3A_379 : memref<128x64xf32, #tpu.memory_space<hbm>>) target_semaphore(%dma_start3A_372 : memref<!tpu.dma_semaphore, #tpu.memory_space<semaphore_mem>>)
    %add3A_384 = arith.constant 126 : i32
    %add3A_385 = arith.addi %mul3A_2, %add3A_384 : i32
    %dma_start3A_386 = arith.constant 2 : i32
    %dma_start3A_387 = arith.constant 2 : i32
    %dma_start3A_388 = arith.constant 0 : i32
    %dma_start3A_389 = arith.constant 0 : i32
    %dma_start3A_390 = tpu.memref_slice %arg7[%dma_start3A_386, %dma_start3A_388, %dma_start3A_389] : memref<4x72x64xf32, #tpu.memory_space<vmem>> -> memref<1x72x64xf32, #tpu.memory_space<vmem>>
    %dma_start3A_391 = tpu.memref_squeeze %dma_start3A_390 : memref<1x72x64xf32, #tpu.memory_space<vmem>> -> memref<72x64xf32, #tpu.memory_space<vmem>>
    %dma_start3A_392 = arith.constant 0 : i32
    %dma_start3A_393 = arith.constant 0 : i32
    %dma_start3A_394 = tpu.memref_slice %arg4[%add3A_385, %dma_start3A_392, %dma_start3A_393] : memref<4096x200x64xf32, #tpu.memory_space<hbm>> -> memref<1x200x64xf32, #tpu.memory_space<hbm>>
    %dma_start3A_395 = tpu.memref_squeeze %dma_start3A_394 : memref<1x200x64xf32, #tpu.memory_space<hbm>> -> memref<200x64xf32, #tpu.memory_space<hbm>>
    %dma_start3A_396 = arith.constant 128 : i32
    %dma_start3A_397 = arith.constant 0 : i32
    %dma_start3A_398 = tpu.memref_slice %dma_start3A_395[%dma_start3A_396, %dma_start3A_397] : memref<200x64xf32, #tpu.memory_space<hbm>> -> memref<72x64xf32, #tpu.memory_space<hbm>>
    %dma_start3A_399 = tpu.memref_slice %arg9[%dma_start3A_387] : memref<4x!tpu.dma_semaphore, #tpu.memory_space<semaphore_mem>> -> memref<1x!tpu.dma_semaphore, #tpu.memory_space<semaphore_mem>>
    %dma_start3A_400 = tpu.memref_squeeze %dma_start3A_399 : memref<1x!tpu.dma_semaphore, #tpu.memory_space<semaphore_mem>> -> memref<!tpu.dma_semaphore, #tpu.memory_space<semaphore_mem>>
    %dma_start3A_401 = arith.constant 0 : i32
    %dma_start3A_402 = arith.constant 0 : i32
    %dma_start3A_403 = tpu.memref_slice %arg4[%add3A_385, %dma_start3A_401, %dma_start3A_402] : memref<4096x200x64xf32, #tpu.memory_space<hbm>> -> memref<1x200x64xf32, #tpu.memory_space<hbm>>
    %dma_start3A_404 = tpu.memref_squeeze %dma_start3A_403 : memref<1x200x64xf32, #tpu.memory_space<hbm>> -> memref<200x64xf32, #tpu.memory_space<hbm>>
    %dma_start3A_405 = arith.constant 128 : i32
    %dma_start3A_406 = arith.constant 0 : i32
    %dma_start3A_407 = tpu.memref_slice %dma_start3A_404[%dma_start3A_405, %dma_start3A_406] : memref<200x64xf32, #tpu.memory_space<hbm>> -> memref<72x64xf32, #tpu.memory_space<hbm>>
    %dma_start3A_408 = arith.constant 0 : i32
    %dma_start3A_409 = arith.constant 0 : i32
    %dma_start3A_410 = tpu.memref_slice %arg7[%dma_start3A_386, %dma_start3A_408, %dma_start3A_409] : memref<4x72x64xf32, #tpu.memory_space<vmem>> -> memref<1x72x64xf32, #tpu.memory_space<vmem>>
    %dma_start3A_411 = tpu.memref_squeeze %dma_start3A_410 : memref<1x72x64xf32, #tpu.memory_space<vmem>> -> memref<72x64xf32, #tpu.memory_space<vmem>>
    tpu.enqueue_dma source(%dma_start3A_411 : memref<72x64xf32, #tpu.memory_space<vmem>>) target(%dma_start3A_407 : memref<72x64xf32, #tpu.memory_space<hbm>>) target_semaphore(%dma_start3A_400 : memref<!tpu.dma_semaphore, #tpu.memory_space<semaphore_mem>>)
    %dma_wait3A_412 = arith.constant 127 : i32
    %dma_wait3A_413 = arith.constant 3 : i32
    %dma_wait3A_414 = arith.constant 3 : i32
    %dma_wait3A_415 = arith.constant 0 : i32
    %dma_wait3A_416 = arith.constant 0 : i32
    %dma_wait3A_417 = tpu.memref_slice %arg6[%dma_wait3A_413, %dma_wait3A_415, %dma_wait3A_416] : memref<4x128x64xf32, #tpu.memory_space<vmem>> -> memref<1x128x64xf32, #tpu.memory_space<vmem>>
    %dma_wait3A_418 = tpu.memref_squeeze %dma_wait3A_417 : memref<1x128x64xf32, #tpu.memory_space<vmem>> -> memref<128x64xf32, #tpu.memory_space<vmem>>
    %dma_wait3A_419 = arith.constant 0 : i32
    %dma_wait3A_420 = tpu.memref_slice %arg5[%dma_wait3A_412, %dma_wait3A_419] : memref<128x200xi32, #tpu.memory_space<vmem>> -> memref<1x200xi32, #tpu.memory_space<vmem>>
    %dma_wait3A_421 = tpu.memref_squeeze %dma_wait3A_420 : memref<1x200xi32, #tpu.memory_space<vmem>> -> memref<200xi32, #tpu.memory_space<vmem>>
    %dma_wait3A_422 = arith.constant 0 : i32
    %dma_wait3A_423 = tpu.memref_slice %dma_wait3A_421[%dma_wait3A_422] : memref<200xi32, #tpu.memory_space<vmem>> -> memref<128xi32, #tpu.memory_space<vmem>>
    %dma_wait3A_424 = arith.constant 0 : i32
    %dma_wait3A_425 = arith.constant 0 : i32
    %dma_wait3A_426 = tpu.memref_slice %arg3[%dma_wait3A_424, %dma_wait3A_425] : memref<1000000x64xf32, #tpu.memory_space<hbm>> -> memref<1000000x64xf32, #tpu.memory_space<hbm>>
    %dma_wait3A_427 = tpu.memref_slice %arg8[%dma_wait3A_414] : memref<4x!tpu.dma_semaphore, #tpu.memory_space<semaphore_mem>> -> memref<1x!tpu.dma_semaphore, #tpu.memory_space<semaphore_mem>>
    %dma_wait3A_428 = tpu.memref_squeeze %dma_wait3A_427 : memref<1x!tpu.dma_semaphore, #tpu.memory_space<semaphore_mem>> -> memref<!tpu.dma_semaphore, #tpu.memory_space<semaphore_mem>>
    tpu.wait_indirect_dma semaphore(%dma_wait3A_428 : memref<!tpu.dma_semaphore, #tpu.memory_space<semaphore_mem>>) src(%dma_wait3A_426 : memref<1000000x64xf32, #tpu.memory_space<hbm>>) dst(%dma_wait3A_418 : memref<128x64xf32, #tpu.memory_space<vmem>>)
    %dma_wait3A_429 = arith.constant 127 : i32
    %dma_wait3A_430 = arith.constant 3 : i32
    %dma_wait3A_431 = arith.constant 3 : i32
    %dma_wait3A_432 = arith.constant 0 : i32
    %dma_wait3A_433 = arith.constant 0 : i32
    %dma_wait3A_434 = tpu.memref_slice %arg7[%dma_wait3A_430, %dma_wait3A_432, %dma_wait3A_433] : memref<4x72x64xf32, #tpu.memory_space<vmem>> -> memref<1x72x64xf32, #tpu.memory_space<vmem>>
    %dma_wait3A_435 = tpu.memref_squeeze %dma_wait3A_434 : memref<1x72x64xf32, #tpu.memory_space<vmem>> -> memref<72x64xf32, #tpu.memory_space<vmem>>
    %dma_wait3A_436 = arith.constant 0 : i32
    %dma_wait3A_437 = tpu.memref_slice %arg5[%dma_wait3A_429, %dma_wait3A_436] : memref<128x200xi32, #tpu.memory_space<vmem>> -> memref<1x200xi32, #tpu.memory_space<vmem>>
    %dma_wait3A_438 = tpu.memref_squeeze %dma_wait3A_437 : memref<1x200xi32, #tpu.memory_space<vmem>> -> memref<200xi32, #tpu.memory_space<vmem>>
    %dma_wait3A_439 = arith.constant 128 : i32
    %dma_wait3A_440 = tpu.memref_slice %dma_wait3A_438[%dma_wait3A_439] : memref<200xi32, #tpu.memory_space<vmem>> -> memref<72xi32, #tpu.memory_space<vmem>>
    %dma_wait3A_441 = arith.constant 0 : i32
    %dma_wait3A_442 = arith.constant 0 : i32
    %dma_wait3A_443 = tpu.memref_slice %arg3[%dma_wait3A_441, %dma_wait3A_442] : memref<1000000x64xf32, #tpu.memory_space<hbm>> -> memref<1000000x64xf32, #tpu.memory_space<hbm>>
    %dma_wait3A_444 = tpu.memref_slice %arg8[%dma_wait3A_431] : memref<4x!tpu.dma_semaphore, #tpu.memory_space<semaphore_mem>> -> memref<1x!tpu.dma_semaphore, #tpu.memory_space<semaphore_mem>>
    %dma_wait3A_445 = tpu.memref_squeeze %dma_wait3A_444 : memref<1x!tpu.dma_semaphore, #tpu.memory_space<semaphore_mem>> -> memref<!tpu.dma_semaphore, #tpu.memory_space<semaphore_mem>>
    tpu.wait_indirect_dma semaphore(%dma_wait3A_445 : memref<!tpu.dma_semaphore, #tpu.memory_space<semaphore_mem>>) src(%dma_wait3A_443 : memref<1000000x64xf32, #tpu.memory_space<hbm>>) dst(%dma_wait3A_435 : memref<72x64xf32, #tpu.memory_space<vmem>>)
    %add3A_446 = arith.constant 127 : i32
    %add3A_447 = arith.addi %mul3A_2, %add3A_446 : i32
    %dma_start3A_448 = arith.constant 3 : i32
    %dma_start3A_449 = arith.constant 3 : i32
    %dma_start3A_450 = arith.constant 0 : i32
    %dma_start3A_451 = arith.constant 0 : i32
    %dma_start3A_452 = tpu.memref_slice %arg6[%dma_start3A_448, %dma_start3A_450, %dma_start3A_451] : memref<4x128x64xf32, #tpu.memory_space<vmem>> -> memref<1x128x64xf32, #tpu.memory_space<vmem>>
    %dma_start3A_453 = tpu.memref_squeeze %dma_start3A_452 : memref<1x128x64xf32, #tpu.memory_space<vmem>> -> memref<128x64xf32, #tpu.memory_space<vmem>>
    %dma_start3A_454 = arith.constant 0 : i32
    %dma_start3A_455 = arith.constant 0 : i32
    %dma_start3A_456 = tpu.memref_slice %arg4[%add3A_447, %dma_start3A_454, %dma_start3A_455] : memref<4096x200x64xf32, #tpu.memory_space<hbm>> -> memref<1x200x64xf32, #tpu.memory_space<hbm>>
    %dma_start3A_457 = tpu.memref_squeeze %dma_start3A_456 : memref<1x200x64xf32, #tpu.memory_space<hbm>> -> memref<200x64xf32, #tpu.memory_space<hbm>>
    %dma_start3A_458 = arith.constant 0 : i32
    %dma_start3A_459 = arith.constant 0 : i32
    %dma_start3A_460 = tpu.memref_slice %dma_start3A_457[%dma_start3A_458, %dma_start3A_459] : memref<200x64xf32, #tpu.memory_space<hbm>> -> memref<128x64xf32, #tpu.memory_space<hbm>>
    %dma_start3A_461 = tpu.memref_slice %arg9[%dma_start3A_449] : memref<4x!tpu.dma_semaphore, #tpu.memory_space<semaphore_mem>> -> memref<1x!tpu.dma_semaphore, #tpu.memory_space<semaphore_mem>>
    %dma_start3A_462 = tpu.memref_squeeze %dma_start3A_461 : memref<1x!tpu.dma_semaphore, #tpu.memory_space<semaphore_mem>> -> memref<!tpu.dma_semaphore, #tpu.memory_space<semaphore_mem>>
    %dma_start3A_463 = arith.constant 0 : i32
    %dma_start3A_464 = arith.constant 0 : i32
    %dma_start3A_465 = tpu.memref_slice %arg4[%add3A_447, %dma_start3A_463, %dma_start3A_464] : memref<4096x200x64xf32, #tpu.memory_space<hbm>> -> memref<1x200x64xf32, #tpu.memory_space<hbm>>
    %dma_start3A_466 = tpu.memref_squeeze %dma_start3A_465 : memref<1x200x64xf32, #tpu.memory_space<hbm>> -> memref<200x64xf32, #tpu.memory_space<hbm>>
    %dma_start3A_467 = arith.constant 0 : i32
    %dma_start3A_468 = arith.constant 0 : i32
    %dma_start3A_469 = tpu.memref_slice %dma_start3A_466[%dma_start3A_467, %dma_start3A_468] : memref<200x64xf32, #tpu.memory_space<hbm>> -> memref<128x64xf32, #tpu.memory_space<hbm>>
    %dma_start3A_470 = arith.constant 0 : i32
    %dma_start3A_471 = arith.constant 0 : i32
    %dma_start3A_472 = tpu.memref_slice %arg6[%dma_start3A_448, %dma_start3A_470, %dma_start3A_471] : memref<4x128x64xf32, #tpu.memory_space<vmem>> -> memref<1x128x64xf32, #tpu.memory_space<vmem>>
    %dma_start3A_473 = tpu.memref_squeeze %dma_start3A_472 : memref<1x128x64xf32, #tpu.memory_space<vmem>> -> memref<128x64xf32, #tpu.memory_space<vmem>>
    tpu.enqueue_dma source(%dma_start3A_473 : memref<128x64xf32, #tpu.memory_space<vmem>>) target(%dma_start3A_469 : memref<128x64xf32, #tpu.memory_space<hbm>>) target_semaphore(%dma_start3A_462 : memref<!tpu.dma_semaphore, #tpu.memory_space<semaphore_mem>>)
    %add3A_474 = arith.constant 127 : i32
    %add3A_475 = arith.addi %mul3A_2, %add3A_474 : i32
    %dma_start3A_476 = arith.constant 3 : i32
    %dma_start3A_477 = arith.constant 3 : i32
    %dma_start3A_478 = arith.constant 0 : i32
    %dma_start3A_479 = arith.constant 0 : i32
    %dma_start3A_480 = tpu.memref_slice %arg7[%dma_start3A_476, %dma_start3A_478, %dma_start3A_479] : memref<4x72x64xf32, #tpu.memory_space<vmem>> -> memref<1x72x64xf32, #tpu.memory_space<vmem>>
    %dma_start3A_481 = tpu.memref_squeeze %dma_start3A_480 : memref<1x72x64xf32, #tpu.memory_space<vmem>> -> memref<72x64xf32, #tpu.memory_space<vmem>>
    %dma_start3A_482 = arith.constant 0 : i32
    %dma_start3A_483 = arith.constant 0 : i32
    %dma_start3A_484 = tpu.memref_slice %arg4[%add3A_475, %dma_start3A_482, %dma_start3A_483] : memref<4096x200x64xf32, #tpu.memory_space<hbm>> -> memref<1x200x64xf32, #tpu.memory_space<hbm>>
    %dma_start3A_485 = tpu.memref_squeeze %dma_start3A_484 : memref<1x200x64xf32, #tpu.memory_space<hbm>> -> memref<200x64xf32, #tpu.memory_space<hbm>>
    %dma_start3A_486 = arith.constant 128 : i32
    %dma_start3A_487 = arith.constant 0 : i32
    %dma_start3A_488 = tpu.memref_slice %dma_start3A_485[%dma_start3A_486, %dma_start3A_487] : memref<200x64xf32, #tpu.memory_space<hbm>> -> memref<72x64xf32, #tpu.memory_space<hbm>>
    %dma_start3A_489 = tpu.memref_slice %arg9[%dma_start3A_477] : memref<4x!tpu.dma_semaphore, #tpu.memory_space<semaphore_mem>> -> memref<1x!tpu.dma_semaphore, #tpu.memory_space<semaphore_mem>>
    %dma_start3A_490 = tpu.memref_squeeze %dma_start3A_489 : memref<1x!tpu.dma_semaphore, #tpu.memory_space<semaphore_mem>> -> memref<!tpu.dma_semaphore, #tpu.memory_space<semaphore_mem>>
    %dma_start3A_491 = arith.constant 0 : i32
    %dma_start3A_492 = arith.constant 0 : i32
    %dma_start3A_493 = tpu.memref_slice %arg4[%add3A_475, %dma_start3A_491, %dma_start3A_492] : memref<4096x200x64xf32, #tpu.memory_space<hbm>> -> memref<1x200x64xf32, #tpu.memory_space<hbm>>
    %dma_start3A_494 = tpu.memref_squeeze %dma_start3A_493 : memref<1x200x64xf32, #tpu.memory_space<hbm>> -> memref<200x64xf32, #tpu.memory_space<hbm>>
    %dma_start3A_495 = arith.constant 128 : i32
    %dma_start3A_496 = arith.constant 0 : i32
    %dma_start3A_497 = tpu.memref_slice %dma_start3A_494[%dma_start3A_495, %dma_start3A_496] : memref<200x64xf32, #tpu.memory_space<hbm>> -> memref<72x64xf32, #tpu.memory_space<hbm>>
    %dma_start3A_498 = arith.constant 0 : i32
    %dma_start3A_499 = arith.constant 0 : i32
    %dma_start3A_500 = tpu.memref_slice %arg7[%dma_start3A_476, %dma_start3A_498, %dma_start3A_499] : memref<4x72x64xf32, #tpu.memory_space<vmem>> -> memref<1x72x64xf32, #tpu.memory_space<vmem>>
    %dma_start3A_501 = tpu.memref_squeeze %dma_start3A_500 : memref<1x72x64xf32, #tpu.memory_space<vmem>> -> memref<72x64xf32, #tpu.memory_space<vmem>>
    tpu.enqueue_dma source(%dma_start3A_501 : memref<72x64xf32, #tpu.memory_space<vmem>>) target(%dma_start3A_497 : memref<72x64xf32, #tpu.memory_space<hbm>>) target_semaphore(%dma_start3A_490 : memref<!tpu.dma_semaphore, #tpu.memory_space<semaphore_mem>>)
    %add3A_502 = arith.constant 124 : i32
    %add3A_503 = arith.addi %mul3A_2, %add3A_502 : i32
    %dma_wait3A_504 = arith.constant 0 : i32
    %dma_wait3A_505 = arith.constant 0 : i32
    %dma_wait3A_506 = arith.constant 0 : i32
    %dma_wait3A_507 = arith.constant 0 : i32
    %dma_wait3A_508 = tpu.memref_slice %arg6[%dma_wait3A_504, %dma_wait3A_506, %dma_wait3A_507] : memref<4x128x64xf32, #tpu.memory_space<vmem>> -> memref<1x128x64xf32, #tpu.memory_space<vmem>>
    %dma_wait3A_509 = tpu.memref_squeeze %dma_wait3A_508 : memref<1x128x64xf32, #tpu.memory_space<vmem>> -> memref<128x64xf32, #tpu.memory_space<vmem>>
    %dma_wait3A_510 = arith.constant 0 : i32
    %dma_wait3A_511 = arith.constant 0 : i32
    %dma_wait3A_512 = tpu.memref_slice %arg4[%add3A_503, %dma_wait3A_510, %dma_wait3A_511] : memref<4096x200x64xf32, #tpu.memory_space<hbm>> -> memref<1x200x64xf32, #tpu.memory_space<hbm>>
    %dma_wait3A_513 = tpu.memref_squeeze %dma_wait3A_512 : memref<1x200x64xf32, #tpu.memory_space<hbm>> -> memref<200x64xf32, #tpu.memory_space<hbm>>
    %dma_wait3A_514 = arith.constant 0 : i32
    %dma_wait3A_515 = arith.constant 0 : i32
    %dma_wait3A_516 = tpu.memref_slice %dma_wait3A_513[%dma_wait3A_514, %dma_wait3A_515] : memref<200x64xf32, #tpu.memory_space<hbm>> -> memref<128x64xf32, #tpu.memory_space<hbm>>
    %dma_wait3A_517 = tpu.memref_slice %arg9[%dma_wait3A_505] : memref<4x!tpu.dma_semaphore, #tpu.memory_space<semaphore_mem>> -> memref<1x!tpu.dma_semaphore, #tpu.memory_space<semaphore_mem>>
    %dma_wait3A_518 = tpu.memref_squeeze %dma_wait3A_517 : memref<1x!tpu.dma_semaphore, #tpu.memory_space<semaphore_mem>> -> memref<!tpu.dma_semaphore, #tpu.memory_space<semaphore_mem>>
    %dma_wait3A_519 = arith.constant 0 : i32
    %dma_wait3A_520 = arith.constant 0 : i32
    %dma_wait3A_521 = tpu.memref_slice %arg4[%add3A_503, %dma_wait3A_519, %dma_wait3A_520] : memref<4096x200x64xf32, #tpu.memory_space<hbm>> -> memref<1x200x64xf32, #tpu.memory_space<hbm>>
    %dma_wait3A_522 = tpu.memref_squeeze %dma_wait3A_521 : memref<1x200x64xf32, #tpu.memory_space<hbm>> -> memref<200x64xf32, #tpu.memory_space<hbm>>
    %dma_wait3A_523 = arith.constant 0 : i32
    %dma_wait3A_524 = arith.constant 0 : i32
    %dma_wait3A_525 = tpu.memref_slice %dma_wait3A_522[%dma_wait3A_523, %dma_wait3A_524] : memref<200x64xf32, #tpu.memory_space<hbm>> -> memref<128x64xf32, #tpu.memory_space<hbm>>
    %dma_wait3A_526 = arith.constant 0 : i32
    %dma_wait3A_527 = arith.constant 0 : i32
    %dma_wait3A_528 = tpu.memref_slice %arg6[%dma_wait3A_504, %dma_wait3A_526, %dma_wait3A_527] : memref<4x128x64xf32, #tpu.memory_space<vmem>> -> memref<1x128x64xf32, #tpu.memory_space<vmem>>
    %dma_wait3A_529 = tpu.memref_squeeze %dma_wait3A_528 : memref<1x128x64xf32, #tpu.memory_space<vmem>> -> memref<128x64xf32, #tpu.memory_space<vmem>>
    tpu.wait_dma2 semaphore(%dma_wait3A_518 : memref<!tpu.dma_semaphore, #tpu.memory_space<semaphore_mem>>) src(%dma_wait3A_529 : memref<128x64xf32, #tpu.memory_space<vmem>>) dst(%dma_wait3A_525 : memref<128x64xf32, #tpu.memory_space<hbm>>)
    %add3A_530 = arith.constant 124 : i32
    %add3A_531 = arith.addi %mul3A_2, %add3A_530 : i32
    %dma_wait3A_532 = arith.constant 0 : i32
    %dma_wait3A_533 = arith.constant 0 : i32
    %dma_wait3A_534 = arith.constant 0 : i32
    %dma_wait3A_535 = arith.constant 0 : i32
    %dma_wait3A_536 = tpu.memref_slice %arg7[%dma_wait3A_532, %dma_wait3A_534, %dma_wait3A_535] : memref<4x72x64xf32, #tpu.memory_space<vmem>> -> memref<1x72x64xf32, #tpu.memory_space<vmem>>
    %dma_wait3A_537 = tpu.memref_squeeze %dma_wait3A_536 : memref<1x72x64xf32, #tpu.memory_space<vmem>> -> memref<72x64xf32, #tpu.memory_space<vmem>>
    %dma_wait3A_538 = arith.constant 0 : i32
    %dma_wait3A_539 = arith.constant 0 : i32
    %dma_wait3A_540 = tpu.memref_slice %arg4[%add3A_531, %dma_wait3A_538, %dma_wait3A_539] : memref<4096x200x64xf32, #tpu.memory_space<hbm>> -> memref<1x200x64xf32, #tpu.memory_space<hbm>>
    %dma_wait3A_541 = tpu.memref_squeeze %dma_wait3A_540 : memref<1x200x64xf32, #tpu.memory_space<hbm>> -> memref<200x64xf32, #tpu.memory_space<hbm>>
    %dma_wait3A_542 = arith.constant 128 : i32
    %dma_wait3A_543 = arith.constant 0 : i32
    %dma_wait3A_544 = tpu.memref_slice %dma_wait3A_541[%dma_wait3A_542, %dma_wait3A_543] : memref<200x64xf32, #tpu.memory_space<hbm>> -> memref<72x64xf32, #tpu.memory_space<hbm>>
    %dma_wait3A_545 = tpu.memref_slice %arg9[%dma_wait3A_533] : memref<4x!tpu.dma_semaphore, #tpu.memory_space<semaphore_mem>> -> memref<1x!tpu.dma_semaphore, #tpu.memory_space<semaphore_mem>>
    %dma_wait3A_546 = tpu.memref_squeeze %dma_wait3A_545 : memref<1x!tpu.dma_semaphore, #tpu.memory_space<semaphore_mem>> -> memref<!tpu.dma_semaphore, #tpu.memory_space<semaphore_mem>>
    %dma_wait3A_547 = arith.constant 0 : i32
    %dma_wait3A_548 = arith.constant 0 : i32
    %dma_wait3A_549 = tpu.memref_slice %arg4[%add3A_531, %dma_wait3A_547, %dma_wait3A_548] : memref<4096x200x64xf32, #tpu.memory_space<hbm>> -> memref<1x200x64xf32, #tpu.memory_space<hbm>>
    %dma_wait3A_550 = tpu.memref_squeeze %dma_wait3A_549 : memref<1x200x64xf32, #tpu.memory_space<hbm>> -> memref<200x64xf32, #tpu.memory_space<hbm>>
    %dma_wait3A_551 = arith.constant 128 : i32
    %dma_wait3A_552 = arith.constant 0 : i32
    %dma_wait3A_553 = tpu.memref_slice %dma_wait3A_550[%dma_wait3A_551, %dma_wait3A_552] : memref<200x64xf32, #tpu.memory_space<hbm>> -> memref<72x64xf32, #tpu.memory_space<hbm>>
    %dma_wait3A_554 = arith.constant 0 : i32
    %dma_wait3A_555 = arith.constant 0 : i32
    %dma_wait3A_556 = tpu.memref_slice %arg7[%dma_wait3A_532, %dma_wait3A_554, %dma_wait3A_555] : memref<4x72x64xf32, #tpu.memory_space<vmem>> -> memref<1x72x64xf32, #tpu.memory_space<vmem>>
    %dma_wait3A_557 = tpu.memref_squeeze %dma_wait3A_556 : memref<1x72x64xf32, #tpu.memory_space<vmem>> -> memref<72x64xf32, #tpu.memory_space<vmem>>
    tpu.wait_dma2 semaphore(%dma_wait3A_546 : memref<!tpu.dma_semaphore, #tpu.memory_space<semaphore_mem>>) src(%dma_wait3A_557 : memref<72x64xf32, #tpu.memory_space<vmem>>) dst(%dma_wait3A_553 : memref<72x64xf32, #tpu.memory_space<hbm>>)
    %add3A_558 = arith.constant 125 : i32
    %add3A_559 = arith.addi %mul3A_2, %add3A_558 : i32
    %dma_wait3A_560 = arith.constant 1 : i32
    %dma_wait3A_561 = arith.constant 1 : i32
    %dma_wait3A_562 = arith.constant 0 : i32
    %dma_wait3A_563 = arith.constant 0 : i32
    %dma_wait3A_564 = tpu.memref_slice %arg6[%dma_wait3A_560, %dma_wait3A_562, %dma_wait3A_563] : memref<4x128x64xf32, #tpu.memory_space<vmem>> -> memref<1x128x64xf32, #tpu.memory_space<vmem>>
    %dma_wait3A_565 = tpu.memref_squeeze %dma_wait3A_564 : memref<1x128x64xf32, #tpu.memory_space<vmem>> -> memref<128x64xf32, #tpu.memory_space<vmem>>
    %dma_wait3A_566 = arith.constant 0 : i32
    %dma_wait3A_567 = arith.constant 0 : i32
    %dma_wait3A_568 = tpu.memref_slice %arg4[%add3A_559, %dma_wait3A_566, %dma_wait3A_567] : memref<4096x200x64xf32, #tpu.memory_space<hbm>> -> memref<1x200x64xf32, #tpu.memory_space<hbm>>
    %dma_wait3A_569 = tpu.memref_squeeze %dma_wait3A_568 : memref<1x200x64xf32, #tpu.memory_space<hbm>> -> memref<200x64xf32, #tpu.memory_space<hbm>>
    %dma_wait3A_570 = arith.constant 0 : i32
    %dma_wait3A_571 = arith.constant 0 : i32
    %dma_wait3A_572 = tpu.memref_slice %dma_wait3A_569[%dma_wait3A_570, %dma_wait3A_571] : memref<200x64xf32, #tpu.memory_space<hbm>> -> memref<128x64xf32, #tpu.memory_space<hbm>>
    %dma_wait3A_573 = tpu.memref_slice %arg9[%dma_wait3A_561] : memref<4x!tpu.dma_semaphore, #tpu.memory_space<semaphore_mem>> -> memref<1x!tpu.dma_semaphore, #tpu.memory_space<semaphore_mem>>
    %dma_wait3A_574 = tpu.memref_squeeze %dma_wait3A_573 : memref<1x!tpu.dma_semaphore, #tpu.memory_space<semaphore_mem>> -> memref<!tpu.dma_semaphore, #tpu.memory_space<semaphore_mem>>
    %dma_wait3A_575 = arith.constant 0 : i32
    %dma_wait3A_576 = arith.constant 0 : i32
    %dma_wait3A_577 = tpu.memref_slice %arg4[%add3A_559, %dma_wait3A_575, %dma_wait3A_576] : memref<4096x200x64xf32, #tpu.memory_space<hbm>> -> memref<1x200x64xf32, #tpu.memory_space<hbm>>
    %dma_wait3A_578 = tpu.memref_squeeze %dma_wait3A_577 : memref<1x200x64xf32, #tpu.memory_space<hbm>> -> memref<200x64xf32, #tpu.memory_space<hbm>>
    %dma_wait3A_579 = arith.constant 0 : i32
    %dma_wait3A_580 = arith.constant 0 : i32
    %dma_wait3A_581 = tpu.memref_slice %dma_wait3A_578[%dma_wait3A_579, %dma_wait3A_580] : memref<200x64xf32, #tpu.memory_space<hbm>> -> memref<128x64xf32, #tpu.memory_space<hbm>>
    %dma_wait3A_582 = arith.constant 0 : i32
    %dma_wait3A_583 = arith.constant 0 : i32
    %dma_wait3A_584 = tpu.memref_slice %arg6[%dma_wait3A_560, %dma_wait3A_582, %dma_wait3A_583] : memref<4x128x64xf32, #tpu.memory_space<vmem>> -> memref<1x128x64xf32, #tpu.memory_space<vmem>>
    %dma_wait3A_585 = tpu.memref_squeeze %dma_wait3A_584 : memref<1x128x64xf32, #tpu.memory_space<vmem>> -> memref<128x64xf32, #tpu.memory_space<vmem>>
    tpu.wait_dma2 semaphore(%dma_wait3A_574 : memref<!tpu.dma_semaphore, #tpu.memory_space<semaphore_mem>>) src(%dma_wait3A_585 : memref<128x64xf32, #tpu.memory_space<vmem>>) dst(%dma_wait3A_581 : memref<128x64xf32, #tpu.memory_space<hbm>>)
    %add3A_586 = arith.constant 125 : i32
    %add3A_587 = arith.addi %mul3A_2, %add3A_586 : i32
    %dma_wait3A_588 = arith.constant 1 : i32
    %dma_wait3A_589 = arith.constant 1 : i32
    %dma_wait3A_590 = arith.constant 0 : i32
    %dma_wait3A_591 = arith.constant 0 : i32
    %dma_wait3A_592 = tpu.memref_slice %arg7[%dma_wait3A_588, %dma_wait3A_590, %dma_wait3A_591] : memref<4x72x64xf32, #tpu.memory_space<vmem>> -> memref<1x72x64xf32, #tpu.memory_space<vmem>>
    %dma_wait3A_593 = tpu.memref_squeeze %dma_wait3A_592 : memref<1x72x64xf32, #tpu.memory_space<vmem>> -> memref<72x64xf32, #tpu.memory_space<vmem>>
    %dma_wait3A_594 = arith.constant 0 : i32
    %dma_wait3A_595 = arith.constant 0 : i32
    %dma_wait3A_596 = tpu.memref_slice %arg4[%add3A_587, %dma_wait3A_594, %dma_wait3A_595] : memref<4096x200x64xf32, #tpu.memory_space<hbm>> -> memref<1x200x64xf32, #tpu.memory_space<hbm>>
    %dma_wait3A_597 = tpu.memref_squeeze %dma_wait3A_596 : memref<1x200x64xf32, #tpu.memory_space<hbm>> -> memref<200x64xf32, #tpu.memory_space<hbm>>
    %dma_wait3A_598 = arith.constant 128 : i32
    %dma_wait3A_599 = arith.constant 0 : i32
    %dma_wait3A_600 = tpu.memref_slice %dma_wait3A_597[%dma_wait3A_598, %dma_wait3A_599] : memref<200x64xf32, #tpu.memory_space<hbm>> -> memref<72x64xf32, #tpu.memory_space<hbm>>
    %dma_wait3A_601 = tpu.memref_slice %arg9[%dma_wait3A_589] : memref<4x!tpu.dma_semaphore, #tpu.memory_space<semaphore_mem>> -> memref<1x!tpu.dma_semaphore, #tpu.memory_space<semaphore_mem>>
    %dma_wait3A_602 = tpu.memref_squeeze %dma_wait3A_601 : memref<1x!tpu.dma_semaphore, #tpu.memory_space<semaphore_mem>> -> memref<!tpu.dma_semaphore, #tpu.memory_space<semaphore_mem>>
    %dma_wait3A_603 = arith.constant 0 : i32
    %dma_wait3A_604 = arith.constant 0 : i32
    %dma_wait3A_605 = tpu.memref_slice %arg4[%add3A_587, %dma_wait3A_603, %dma_wait3A_604] : memref<4096x200x64xf32, #tpu.memory_space<hbm>> -> memref<1x200x64xf32, #tpu.memory_space<hbm>>
    %dma_wait3A_606 = tpu.memref_squeeze %dma_wait3A_605 : memref<1x200x64xf32, #tpu.memory_space<hbm>> -> memref<200x64xf32, #tpu.memory_space<hbm>>
    %dma_wait3A_607 = arith.constant 128 : i32
    %dma_wait3A_608 = arith.constant 0 : i32
    %dma_wait3A_609 = tpu.memref_slice %dma_wait3A_606[%dma_wait3A_607, %dma_wait3A_608] : memref<200x64xf32, #tpu.memory_space<hbm>> -> memref<72x64xf32, #tpu.memory_space<hbm>>
    %dma_wait3A_610 = arith.constant 0 : i32
    %dma_wait3A_611 = arith.constant 0 : i32
    %dma_wait3A_612 = tpu.memref_slice %arg7[%dma_wait3A_588, %dma_wait3A_610, %dma_wait3A_611] : memref<4x72x64xf32, #tpu.memory_space<vmem>> -> memref<1x72x64xf32, #tpu.memory_space<vmem>>
    %dma_wait3A_613 = tpu.memref_squeeze %dma_wait3A_612 : memref<1x72x64xf32, #tpu.memory_space<vmem>> -> memref<72x64xf32, #tpu.memory_space<vmem>>
    tpu.wait_dma2 semaphore(%dma_wait3A_602 : memref<!tpu.dma_semaphore, #tpu.memory_space<semaphore_mem>>) src(%dma_wait3A_613 : memref<72x64xf32, #tpu.memory_space<vmem>>) dst(%dma_wait3A_609 : memref<72x64xf32, #tpu.memory_space<hbm>>)
    %add3A_614 = arith.constant 126 : i32
    %add3A_615 = arith.addi %mul3A_2, %add3A_614 : i32
    %dma_wait3A_616 = arith.constant 2 : i32
    %dma_wait3A_617 = arith.constant 2 : i32
    %dma_wait3A_618 = arith.constant 0 : i32
    %dma_wait3A_619 = arith.constant 0 : i32
    %dma_wait3A_620 = tpu.memref_slice %arg6[%dma_wait3A_616, %dma_wait3A_618, %dma_wait3A_619] : memref<4x128x64xf32, #tpu.memory_space<vmem>> -> memref<1x128x64xf32, #tpu.memory_space<vmem>>
    %dma_wait3A_621 = tpu.memref_squeeze %dma_wait3A_620 : memref<1x128x64xf32, #tpu.memory_space<vmem>> -> memref<128x64xf32, #tpu.memory_space<vmem>>
    %dma_wait3A_622 = arith.constant 0 : i32
    %dma_wait3A_623 = arith.constant 0 : i32
    %dma_wait3A_624 = tpu.memref_slice %arg4[%add3A_615, %dma_wait3A_622, %dma_wait3A_623] : memref<4096x200x64xf32, #tpu.memory_space<hbm>> -> memref<1x200x64xf32, #tpu.memory_space<hbm>>
    %dma_wait3A_625 = tpu.memref_squeeze %dma_wait3A_624 : memref<1x200x64xf32, #tpu.memory_space<hbm>> -> memref<200x64xf32, #tpu.memory_space<hbm>>
    %dma_wait3A_626 = arith.constant 0 : i32
    %dma_wait3A_627 = arith.constant 0 : i32
    %dma_wait3A_628 = tpu.memref_slice %dma_wait3A_625[%dma_wait3A_626, %dma_wait3A_627] : memref<200x64xf32, #tpu.memory_space<hbm>> -> memref<128x64xf32, #tpu.memory_space<hbm>>
    %dma_wait3A_629 = tpu.memref_slice %arg9[%dma_wait3A_617] : memref<4x!tpu.dma_semaphore, #tpu.memory_space<semaphore_mem>> -> memref<1x!tpu.dma_semaphore, #tpu.memory_space<semaphore_mem>>
    %dma_wait3A_630 = tpu.memref_squeeze %dma_wait3A_629 : memref<1x!tpu.dma_semaphore, #tpu.memory_space<semaphore_mem>> -> memref<!tpu.dma_semaphore, #tpu.memory_space<semaphore_mem>>
    %dma_wait3A_631 = arith.constant 0 : i32
    %dma_wait3A_632 = arith.constant 0 : i32
    %dma_wait3A_633 = tpu.memref_slice %arg4[%add3A_615, %dma_wait3A_631, %dma_wait3A_632] : memref<4096x200x64xf32, #tpu.memory_space<hbm>> -> memref<1x200x64xf32, #tpu.memory_space<hbm>>
    %dma_wait3A_634 = tpu.memref_squeeze %dma_wait3A_633 : memref<1x200x64xf32, #tpu.memory_space<hbm>> -> memref<200x64xf32, #tpu.memory_space<hbm>>
    %dma_wait3A_635 = arith.constant 0 : i32
    %dma_wait3A_636 = arith.constant 0 : i32
    %dma_wait3A_637 = tpu.memref_slice %dma_wait3A_634[%dma_wait3A_635, %dma_wait3A_636] : memref<200x64xf32, #tpu.memory_space<hbm>> -> memref<128x64xf32, #tpu.memory_space<hbm>>
    %dma_wait3A_638 = arith.constant 0 : i32
    %dma_wait3A_639 = arith.constant 0 : i32
    %dma_wait3A_640 = tpu.memref_slice %arg6[%dma_wait3A_616, %dma_wait3A_638, %dma_wait3A_639] : memref<4x128x64xf32, #tpu.memory_space<vmem>> -> memref<1x128x64xf32, #tpu.memory_space<vmem>>
    %dma_wait3A_641 = tpu.memref_squeeze %dma_wait3A_640 : memref<1x128x64xf32, #tpu.memory_space<vmem>> -> memref<128x64xf32, #tpu.memory_space<vmem>>
    tpu.wait_dma2 semaphore(%dma_wait3A_630 : memref<!tpu.dma_semaphore, #tpu.memory_space<semaphore_mem>>) src(%dma_wait3A_641 : memref<128x64xf32, #tpu.memory_space<vmem>>) dst(%dma_wait3A_637 : memref<128x64xf32, #tpu.memory_space<hbm>>)
    %add3A_642 = arith.constant 126 : i32
    %add3A_643 = arith.addi %mul3A_2, %add3A_642 : i32
    %dma_wait3A_644 = arith.constant 2 : i32
    %dma_wait3A_645 = arith.constant 2 : i32
    %dma_wait3A_646 = arith.constant 0 : i32
    %dma_wait3A_647 = arith.constant 0 : i32
    %dma_wait3A_648 = tpu.memref_slice %arg7[%dma_wait3A_644, %dma_wait3A_646, %dma_wait3A_647] : memref<4x72x64xf32, #tpu.memory_space<vmem>> -> memref<1x72x64xf32, #tpu.memory_space<vmem>>
    %dma_wait3A_649 = tpu.memref_squeeze %dma_wait3A_648 : memref<1x72x64xf32, #tpu.memory_space<vmem>> -> memref<72x64xf32, #tpu.memory_space<vmem>>
    %dma_wait3A_650 = arith.constant 0 : i32
    %dma_wait3A_651 = arith.constant 0 : i32
    %dma_wait3A_652 = tpu.memref_slice %arg4[%add3A_643, %dma_wait3A_650, %dma_wait3A_651] : memref<4096x200x64xf32, #tpu.memory_space<hbm>> -> memref<1x200x64xf32, #tpu.memory_space<hbm>>
    %dma_wait3A_653 = tpu.memref_squeeze %dma_wait3A_652 : memref<1x200x64xf32, #tpu.memory_space<hbm>> -> memref<200x64xf32, #tpu.memory_space<hbm>>
    %dma_wait3A_654 = arith.constant 128 : i32
    %dma_wait3A_655 = arith.constant 0 : i32
    %dma_wait3A_656 = tpu.memref_slice %dma_wait3A_653[%dma_wait3A_654, %dma_wait3A_655] : memref<200x64xf32, #tpu.memory_space<hbm>> -> memref<72x64xf32, #tpu.memory_space<hbm>>
    %dma_wait3A_657 = tpu.memref_slice %arg9[%dma_wait3A_645] : memref<4x!tpu.dma_semaphore, #tpu.memory_space<semaphore_mem>> -> memref<1x!tpu.dma_semaphore, #tpu.memory_space<semaphore_mem>>
    %dma_wait3A_658 = tpu.memref_squeeze %dma_wait3A_657 : memref<1x!tpu.dma_semaphore, #tpu.memory_space<semaphore_mem>> -> memref<!tpu.dma_semaphore, #tpu.memory_space<semaphore_mem>>
    %dma_wait3A_659 = arith.constant 0 : i32
    %dma_wait3A_660 = arith.constant 0 : i32
    %dma_wait3A_661 = tpu.memref_slice %arg4[%add3A_643, %dma_wait3A_659, %dma_wait3A_660] : memref<4096x200x64xf32, #tpu.memory_space<hbm>> -> memref<1x200x64xf32, #tpu.memory_space<hbm>>
    %dma_wait3A_662 = tpu.memref_squeeze %dma_wait3A_661 : memref<1x200x64xf32, #tpu.memory_space<hbm>> -> memref<200x64xf32, #tpu.memory_space<hbm>>
    %dma_wait3A_663 = arith.constant 128 : i32
    %dma_wait3A_664 = arith.constant 0 : i32
    %dma_wait3A_665 = tpu.memref_slice %dma_wait3A_662[%dma_wait3A_663, %dma_wait3A_664] : memref<200x64xf32, #tpu.memory_space<hbm>> -> memref<72x64xf32, #tpu.memory_space<hbm>>
    %dma_wait3A_666 = arith.constant 0 : i32
    %dma_wait3A_667 = arith.constant 0 : i32
    %dma_wait3A_668 = tpu.memref_slice %arg7[%dma_wait3A_644, %dma_wait3A_666, %dma_wait3A_667] : memref<4x72x64xf32, #tpu.memory_space<vmem>> -> memref<1x72x64xf32, #tpu.memory_space<vmem>>
    %dma_wait3A_669 = tpu.memref_squeeze %dma_wait3A_668 : memref<1x72x64xf32, #tpu.memory_space<vmem>> -> memref<72x64xf32, #tpu.memory_space<vmem>>
    tpu.wait_dma2 semaphore(%dma_wait3A_658 : memref<!tpu.dma_semaphore, #tpu.memory_space<semaphore_mem>>) src(%dma_wait3A_669 : memref<72x64xf32, #tpu.memory_space<vmem>>) dst(%dma_wait3A_665 : memref<72x64xf32, #tpu.memory_space<hbm>>)
    %add3A_670 = arith.constant 127 : i32
    %add3A_671 = arith.addi %mul3A_2, %add3A_670 : i32
    %dma_wait3A_672 = arith.constant 3 : i32
    %dma_wait3A_673 = arith.constant 3 : i32
    %dma_wait3A_674 = arith.constant 0 : i32
    %dma_wait3A_675 = arith.constant 0 : i32
    %dma_wait3A_676 = tpu.memref_slice %arg6[%dma_wait3A_672, %dma_wait3A_674, %dma_wait3A_675] : memref<4x128x64xf32, #tpu.memory_space<vmem>> -> memref<1x128x64xf32, #tpu.memory_space<vmem>>
    %dma_wait3A_677 = tpu.memref_squeeze %dma_wait3A_676 : memref<1x128x64xf32, #tpu.memory_space<vmem>> -> memref<128x64xf32, #tpu.memory_space<vmem>>
    %dma_wait3A_678 = arith.constant 0 : i32
    %dma_wait3A_679 = arith.constant 0 : i32
    %dma_wait3A_680 = tpu.memref_slice %arg4[%add3A_671, %dma_wait3A_678, %dma_wait3A_679] : memref<4096x200x64xf32, #tpu.memory_space<hbm>> -> memref<1x200x64xf32, #tpu.memory_space<hbm>>
    %dma_wait3A_681 = tpu.memref_squeeze %dma_wait3A_680 : memref<1x200x64xf32, #tpu.memory_space<hbm>> -> memref<200x64xf32, #tpu.memory_space<hbm>>
    %dma_wait3A_682 = arith.constant 0 : i32
    %dma_wait3A_683 = arith.constant 0 : i32
    %dma_wait3A_684 = tpu.memref_slice %dma_wait3A_681[%dma_wait3A_682, %dma_wait3A_683] : memref<200x64xf32, #tpu.memory_space<hbm>> -> memref<128x64xf32, #tpu.memory_space<hbm>>
    %dma_wait3A_685 = tpu.memref_slice %arg9[%dma_wait3A_673] : memref<4x!tpu.dma_semaphore, #tpu.memory_space<semaphore_mem>> -> memref<1x!tpu.dma_semaphore, #tpu.memory_space<semaphore_mem>>
    %dma_wait3A_686 = tpu.memref_squeeze %dma_wait3A_685 : memref<1x!tpu.dma_semaphore, #tpu.memory_space<semaphore_mem>> -> memref<!tpu.dma_semaphore, #tpu.memory_space<semaphore_mem>>
    %dma_wait3A_687 = arith.constant 0 : i32
    %dma_wait3A_688 = arith.constant 0 : i32
    %dma_wait3A_689 = tpu.memref_slice %arg4[%add3A_671, %dma_wait3A_687, %dma_wait3A_688] : memref<4096x200x64xf32, #tpu.memory_space<hbm>> -> memref<1x200x64xf32, #tpu.memory_space<hbm>>
    %dma_wait3A_690 = tpu.memref_squeeze %dma_wait3A_689 : memref<1x200x64xf32, #tpu.memory_space<hbm>> -> memref<200x64xf32, #tpu.memory_space<hbm>>
    %dma_wait3A_691 = arith.constant 0 : i32
    %dma_wait3A_692 = arith.constant 0 : i32
    %dma_wait3A_693 = tpu.memref_slice %dma_wait3A_690[%dma_wait3A_691, %dma_wait3A_692] : memref<200x64xf32, #tpu.memory_space<hbm>> -> memref<128x64xf32, #tpu.memory_space<hbm>>
    %dma_wait3A_694 = arith.constant 0 : i32
    %dma_wait3A_695 = arith.constant 0 : i32
    %dma_wait3A_696 = tpu.memref_slice %arg6[%dma_wait3A_672, %dma_wait3A_694, %dma_wait3A_695] : memref<4x128x64xf32, #tpu.memory_space<vmem>> -> memref<1x128x64xf32, #tpu.memory_space<vmem>>
    %dma_wait3A_697 = tpu.memref_squeeze %dma_wait3A_696 : memref<1x128x64xf32, #tpu.memory_space<vmem>> -> memref<128x64xf32, #tpu.memory_space<vmem>>
    tpu.wait_dma2 semaphore(%dma_wait3A_686 : memref<!tpu.dma_semaphore, #tpu.memory_space<semaphore_mem>>) src(%dma_wait3A_697 : memref<128x64xf32, #tpu.memory_space<vmem>>) dst(%dma_wait3A_693 : memref<128x64xf32, #tpu.memory_space<hbm>>)
    %add3A_698 = arith.constant 127 : i32
    %add3A_699 = arith.addi %mul3A_2, %add3A_698 : i32
    %dma_wait3A_700 = arith.constant 3 : i32
    %dma_wait3A_701 = arith.constant 3 : i32
    %dma_wait3A_702 = arith.constant 0 : i32
    %dma_wait3A_703 = arith.constant 0 : i32
    %dma_wait3A_704 = tpu.memref_slice %arg7[%dma_wait3A_700, %dma_wait3A_702, %dma_wait3A_703] : memref<4x72x64xf32, #tpu.memory_space<vmem>> -> memref<1x72x64xf32, #tpu.memory_space<vmem>>
    %dma_wait3A_705 = tpu.memref_squeeze %dma_wait3A_704 : memref<1x72x64xf32, #tpu.memory_space<vmem>> -> memref<72x64xf32, #tpu.memory_space<vmem>>
    %dma_wait3A_706 = arith.constant 0 : i32
    %dma_wait3A_707 = arith.constant 0 : i32
    %dma_wait3A_708 = tpu.memref_slice %arg4[%add3A_699, %dma_wait3A_706, %dma_wait3A_707] : memref<4096x200x64xf32, #tpu.memory_space<hbm>> -> memref<1x200x64xf32, #tpu.memory_space<hbm>>
    %dma_wait3A_709 = tpu.memref_squeeze %dma_wait3A_708 : memref<1x200x64xf32, #tpu.memory_space<hbm>> -> memref<200x64xf32, #tpu.memory_space<hbm>>
    %dma_wait3A_710 = arith.constant 128 : i32
    %dma_wait3A_711 = arith.constant 0 : i32
    %dma_wait3A_712 = tpu.memref_slice %dma_wait3A_709[%dma_wait3A_710, %dma_wait3A_711] : memref<200x64xf32, #tpu.memory_space<hbm>> -> memref<72x64xf32, #tpu.memory_space<hbm>>
    %dma_wait3A_713 = tpu.memref_slice %arg9[%dma_wait3A_701] : memref<4x!tpu.dma_semaphore, #tpu.memory_space<semaphore_mem>> -> memref<1x!tpu.dma_semaphore, #tpu.memory_space<semaphore_mem>>
    %dma_wait3A_714 = tpu.memref_squeeze %dma_wait3A_713 : memref<1x!tpu.dma_semaphore, #tpu.memory_space<semaphore_mem>> -> memref<!tpu.dma_semaphore, #tpu.memory_space<semaphore_mem>>
    %dma_wait3A_715 = arith.constant 0 : i32
    %dma_wait3A_716 = arith.constant 0 : i32
    %dma_wait3A_717 = tpu.memref_slice %arg4[%add3A_699, %dma_wait3A_715, %dma_wait3A_716] : memref<4096x200x64xf32, #tpu.memory_space<hbm>> -> memref<1x200x64xf32, #tpu.memory_space<hbm>>
    %dma_wait3A_718 = tpu.memref_squeeze %dma_wait3A_717 : memref<1x200x64xf32, #tpu.memory_space<hbm>> -> memref<200x64xf32, #tpu.memory_space<hbm>>
    %dma_wait3A_719 = arith.constant 128 : i32
    %dma_wait3A_720 = arith.constant 0 : i32
    %dma_wait3A_721 = tpu.memref_slice %dma_wait3A_718[%dma_wait3A_719, %dma_wait3A_720] : memref<200x64xf32, #tpu.memory_space<hbm>> -> memref<72x64xf32, #tpu.memory_space<hbm>>
    %dma_wait3A_722 = arith.constant 0 : i32
    %dma_wait3A_723 = arith.constant 0 : i32
    %dma_wait3A_724 = tpu.memref_slice %arg7[%dma_wait3A_700, %dma_wait3A_722, %dma_wait3A_723] : memref<4x72x64xf32, #tpu.memory_space<vmem>> -> memref<1x72x64xf32, #tpu.memory_space<vmem>>
    %dma_wait3A_725 = tpu.memref_squeeze %dma_wait3A_724 : memref<1x72x64xf32, #tpu.memory_space<vmem>> -> memref<72x64xf32, #tpu.memory_space<vmem>>
    tpu.wait_dma2 semaphore(%dma_wait3A_714 : memref<!tpu.dma_semaphore, #tpu.memory_space<semaphore_mem>>) src(%dma_wait3A_725 : memref<72x64xf32, #tpu.memory_space<vmem>>) dst(%dma_wait3A_721 : memref<72x64xf32, #tpu.memory_space<hbm>>)
    return
  }
}

</mosaic_0001>

<sc_bundles>
// kernel: kernel.3.cloned.1.call-start
scs
__scs_entry_jumppad:
0x0: {  	(pc) =	sbr.rel $0x88, $3  }
0x1: {  	(tag) =	ssettag $0x0;
	lr =	simm.s32 $0x1  }
0x2: {  	[smem:$0x3F9F] =	sst lr;
	_ =	strace $0xD0000000  }
0x3: {  	_ = 	snop  }
0x4: {  	_ = 	snop  }
0x5: {  	_ = 	snop  }
0x6: {  	_ = 	snop  }
0x7: {  	_ = 	snop  }
__scs_overlays_trampoline_lowered:
0x8: {  	[smem:$0x3FAE] =	sst s0  }
0x9: {  	[smem:$0x3FAF] =	sst s1  }
0xa: {  	[smem:$0x3FB0] =	sst s2  }
0xb: {  	[smem:$0x3FB1] =	sst s3  }
0xc: {  	[smem:$0x3FB2] =	sst s4  }
0xd: {  	[smem:$0x3FB3] =	sst s5  }
0xe: {  	[smem:$0x3FB4] =	sst s6  }
0xf: {  	[smem:$0x3FB5] =	sst s7  }
0x10: {  	[smem:$0x3FB6] =	sst s8  }
0x11: {  	[smem:$0x3FB7] =	sst s9;
	s0 =	simm.s32 @!p0 $0x0  }
0x12: {  	s1 =	sld [smem:$0x3F9D];
	s0 =	simm.s32 @p0 $0x1  }
0x13: {  	[smem:$0x3FB8] =	sst s0;
	s0 =	simm.s32 @!p1 $0x0  }
0x14: {  	s2 =	sld [smem:$0x3F9C];
	s0 =	simm.s32 @p1 $0x1  }
0x15: {  	[smem:$0x3FB9] =	sst s0;
	s0 =	simm.s32 @!p2 $0x0  }
0x16: {  	s3 =	sld [smem:$0x3FDB];
	s0 =	simm.s32 @p2 $0x1  }
0x17: {  	s4 =	simm.s32 $0x1BF5;
	[smem:$0x3FBB] =	sst s0  }
0x18: {  	s0 =	sld [smem:$0x3F9E];
	_ =	swait.ge [sflag:s4], $0x0  }
0x19: {  	s7 =	sld [smem:$0x3F9F]  }
0x1a: {  	s8 =	sadd.s32 $0xFFFFE003, lr  }
0x1b: {  	s9 =	sadd.s32 $0xFFFFFEF7, lr;
	s5 =	simm.s32 $0xFFFFFFFF;
	p2 =	slt.u32 s8, $0xFFFFF086  }
0x1c: {  	p1 =	slt.u32 s9, $0xF7A;
	s5 =	simm.s32 @!p2 $0x0  }
0x1d: {  	s5 =	simm.s32 @p1 $0x1;
	p0 =	seq.s32 s7, s2  }
0x1e: {  	s7 =	smul.u32 @!p0 $0xF7A, s2;
	p2 =	seq.s32 @!p0 s5, $0x0  }
0x1f: {  	s9 =	smul.u32 $0xF7A, s1;
	s8 =	simm.s32 @!p0 $0x1BF5;
	p2 =	por !p2, p0  }
0x20: {  	[sflag:s8] =	ssyncset.s32 @!p0 $0xFFFFF086;
	s6 =	sadd.s32 @!p0 s3, s7;
	s7 =	simm.s32 @!p0 $0x108  }
0x21: {  	s3 =	sadd.s32 s3, s9;
	s6 =	sadd.s32 @!p0 $0x88, s6;
	s7 =	simm.s32 @p2 $0x1082  }
0x22: {  	[simem:s7], [sflag:s8] =	dma.local @!p0 [hbm:s6], $0xF7A  }
0x23: {  	s9 =	sor.u32 $0xD0000000, s2;
	s6 =	simm.s32 $0x108;
	_ =	swait.ge @!p0 [sflag:s8], $0x0  }
0x24: {  	s3 =	sadd.s32 $0x88, s3;
	s6 =	simm.s32 @!p1 $0x1082;
	[sflag:s4] =	ssyncset.s32 $0xFFFFF086  }
0x25: {  	[simem:s6], [sflag:s4] =	dma.local [hbm:s3], $0xF7A  }
0x26: {  	[smem:$0x3F9F] =	sst s1;
	(tag) =	ssettag s2;
	_ =	strace s9  }
0x27: {  	s1 =	sld [smem:$0x3FAF]  }
0x28: {  	s2 =	sld [smem:$0x3FB0]  }
0x29: {  	s4 =	sld [smem:$0x3FB2]  }
0x2a: {  	p0 =	seq.s32 s5, $0x0;
	s5 =	sld [smem:$0x3FB3]  }
0x2b: {  	s6 =	sld [smem:$0x3FB4]  }
0x2c: {  	s7 =	sld [smem:$0x3FB5]  }
0x2d: {  	s3 =	simm.s32 $0x108;
	s8 =	sld [smem:$0x3FB6]  }
0x2e: {  	s3 =	simm.s32 @!p0 $0x1082;
	s9 =	sld [smem:$0x3FB7]  }
0x2f: {  	lr =	sadd.s32 s0, s3;
	s0 =	sld [smem:$0x3FAE]  }
0x30: {  	s3 =	sld [smem:$0x3FB1]  }
0x31: {  	[smem:$0x3FBA] =	sst s10  }
0x32: {  	s10 =	sld [smem:$0x3FB8];
	_ =	sdelay $0x3  }
0x33: {  	p0 =	seq.s32 s10, $0x1;
	s10 =	sld [smem:$0x3FBA];
	_ =	sdelay $0x3  }
0x34: {  	[smem:$0x3FBA] =	sst s10  }
0x35: {  	s10 =	sld [smem:$0x3FB9];
	_ =	sdelay $0x3  }
0x36: {  	p1 =	seq.s32 s10, $0x1;
	s10 =	sld [smem:$0x3FBA];
	_ =	sdelay $0x3  }
0x37: {  	[smem:$0x3FBA] =	sst s10  }
0x38: {  	s10 =	sld [smem:$0x3FBB]  }
0x39: {  	_ = 	snop;
	(pc) =	sbr.ind lr, $3  }
0x3a: {  	_ = 	snop  }
0x3b: {  	_ = 	snop  }
0x3c: {  	p2 =	seq.s32 s10, $0x1;
	s10 =	sld [smem:$0x3FBA]  }
0x3d: {  	_ =	shalt  }
0x3e: {  	_ =	shalt  }
0x3f: {  	_ =	shalt  }
0x40: {  	_ =	shalt  }
0x41: {  	_ =	shalt  }
0x42: {  	_ =	shalt  }
0x43: {  	_ =	shalt  }
0x44: {  	_ =	shalt  }
0x45: {  	_ =	shalt  }
0x46: {  	_ =	shalt  }
0x47: {  	_ =	shalt  }
0x48: {  	_ =	shalt  }
0x49: {  	_ =	shalt  }
0x4a: {  	_ =	shalt  }
0x4b: {  	_ =	shalt  }
0x4c: {  	_ =	shalt  }
0x4d: {  	_ =	shalt  }
0x4e: {  	_ =	shalt  }
0x4f: {  	_ =	shalt  }
0x50: {  	_ =	shalt  }
0x51: {  	_ =	shalt  }
0x52: {  	_ =	shalt  }
0x53: {  	_ =	shalt  }
0x54: {  	_ =	shalt  }
0x55: {  	_ =	shalt  }
0x56: {  	_ =	shalt  }
0x57: {  	_ =	shalt  }
0x58: {  	_ =	shalt  }
0x59: {  	_ =	shalt  }
0x5a: {  	_ =	shalt  }
0x5b: {  	_ =	shalt  }
0x5c: {  	_ =	shalt  }
0x5d: {  	_ =	shalt  }
0x5e: {  	_ =	shalt  }
0x5f: {  	_ =	shalt  }
0x60: {  	_ =	shalt  }
0x61: {  	_ =	shalt  }
0x62: {  	_ =	shalt  }
0x63: {  	_ =	shalt  }
0x64: {  	_ =	shalt  }
0x65: {  	_ =	shalt  }
0x66: {  	_ =	shalt  }
0x67: {  	_ =	shalt  }
0x68: {  	_ =	shalt  }
0x69: {  	_ =	shalt  }
0x6a: {  	_ =	shalt  }
0x6b: {  	_ =	shalt  }
0x6c: {  	_ =	shalt  }
0x6d: {  	_ =	shalt  }
0x6e: {  	_ =	shalt  }
0x6f: {  	_ =	shalt  }
0x70: {  	_ =	shalt  }
0x71: {  	_ =	shalt  }
0x72: {  	_ =	shalt  }
0x73: {  	_ =	shalt  }
0x74: {  	_ =	shalt  }
0x75: {  	_ =	shalt  }
0x76: {  	_ =	shalt  }
0x77: {  	_ =	shalt  }
0x78: {  	_ =	shalt  }
0x79: {  	_ =	shalt  }
0x7a: {  	_ =	shalt  }
0x7b: {  	_ =	shalt  }
0x7c: {  	_ =	shalt  }
0x7d: {  	_ =	shalt  }
0x7e: {  	_ =	shalt  }
0x7f: {  	_ =	shalt  }
0x80: {  	_ =	shalt  }
0x81: {  	_ =	shalt  }
0x82: {  	_ =	shalt  }
0x83: {  	_ =	shalt  }
0x84: {  	_ =	shalt  }
0x85: {  	_ =	shalt  }
0x86: {  	_ =	shalt  }
0x87: {  	_ =	shalt  }
.Lfunc_end0:
.L_simem_size_0:
called_computation.1_lowered:
.L_overlay_start_0:
0x88: {  	s2 =	sld [smem:$0x3FD9]  }
0x89: {  	s3 =	sld [smem:$0x3FFE];
	_ =	sdelay $0x1  }
0x8a: {  	s1 =	srdreg.scid  }
0x8b: {  	s0 =	sand.u32 $0x1, s1  }
0x8c: {  	s17 =	sshll.u32 s0, $0xA;
	s2 =	sadd.s32 s3, s2  }
0x8d: {  	s2 =	sadd.s32 s2, s17  }
0x8e: {  	[smem:$0x3FC6] =	sst s2  }
0x8f: {  	_ = 	snop  }
0x90: {  	s2 =	sld [smem:$0x3FD0];
	(tm) =	ssettm $0x1  }
0x91: {  	s18 =	sld [smem:$0x3FFB];
	_ =	sdelay $0x3  }
0x92: {  	_ =	strace s18  }
0x93: {  	s3 =	sld [smem:$0x3FFC];
	_ =	sdelay $0x3  }
0x94: {  	_ =	strace s3  }
0x95: {  	s3 =	sld [smem:$0x3FFD];
	_ =	sdelay $0x3  }
0x96: {  	_ =	strace s3  }
0x97: {  	_ =	strace $0x8FFFFFFF  }
0x98: {  	s19 =	sld [smem:$0x3FDB];
	_ =	sdelay $0x1  }
0x99: {  	s4 =	simm.s32 $_scs_section_size  }
0x9a: {  	s5 =	simm.s32 $_size__tile_overlayer_lowered;
	s6 =	simm.s32 $_tile_overlayer_lowered  }
0x9b: {  	s22 =	simm.s32 $0x1BFF;
	s21 =	sshll.u32 s6, $0x1;
	s3 =	sadd.s32 s4, s19  }
0x9c: {  	s7 =	simm.s32 $0x0;
	s20 =	sshll.u32 s5, $0x1;
	s5 =	sadd.s32 s21, s3  }
0x9d: {  	[timem:s7], [sflag:s22] =	dma.local [hbm:s5], s20  }
0x9e: {  	_ =	swait.ge [sflag:s22], s20  }
0x9f: {  	s4 =	ssub.s32 $0x0, s20;
	[sflag:s22] =	ssyncset.done $0x0  }
0xa0: {  	[sflag:s22] =	ssyncadd.s32 s4;
	_ =	sdelay $0x1  }
0xa1: {  	s23 =	simm.s32 $0x1B8B  }
0xa2: {  	_ =	swait.ge [sflag:s23], $0x1  }
0xa3: {  	[sflag:s23] =	ssyncset.done $0x0  }
0xa4: {  	s25 =	simm.s32 $0x1B8E;
	s24 =	sld [smem:$0x3FFE];
	[sflag:s23] =	ssyncadd.s32 $0xFFFFFFFF  }
0xa5: {  	s26 =	simm.s32 $execute0_lowered;
	[smem:$0x3FD2] =	sst s25  }
0xa6: {  	s5 =	sshll.u32 s26, $0x1;
	_ =	strace $0x80000046;
	[dreg:$0x1] =	wrdreg $0xFFFFFFFF  }
0xa7: {  	s28 =	simm.s32 $_size_execute0_lowered;
	s3 =	sadd.s32 s3, s5;
	[dreg:$0x0] =	wrdreg $0x0  }
0xa8: {  	s5 =	sshll.u32 s28, $0x1;
	[dreg:$0x2] =	wrdreg s3  }
0xa9: {  	[dreg:$0x3] =	wrdreg s5  }
0xaa: {  	[dreg:$0x4] =	wrdreg $0xC0  }
0xab: {  	_ =	task [dreg:s7], $0x5FFFF  }
0xac: {  	[dreg:$0x1] =	wrdreg $0xFFFFFFFF  }
0xad: {  	[dreg:$0x0] =	wrdreg $0x60  }
0xae: {  	[dreg:$0x2] =	wrdreg s24  }
0xaf: {  	[dreg:$0x3] =	wrdreg s2  }
0xb0: {  	[dreg:$0x4] =	wrdreg $0x9  }
0xb1: {  	_ =	task.clear_ibuf [dreg:s7], $0x5FFFF;
	_ =	strace $0x90000046  }
0xb2: {  	s29 =	simm.s32 $0x9;
	_ =	strace $0x80000048  }
0xb3: {  	_ =	swait.ge [sflag:s29], $0x1  }
0xb4: {  	[sflag:s29] =	ssyncadd.s32 $0xFFFFFFFF  }
0xb5: {  	_ =	strace $0x90000048  }
0xb6: {  	_ =	sfence  }
0xb7: {  	s30 =	sld [smem:$0x0];
	_ =	sdelay $0x2  }
0xb8: {  	s31 =	sshll.u32 s1, $0xD;
	s1 =	sshrl.u32 s1, $0x2  }
0xb9: {  	s3 =	sand.u32 $0x4000, s31;
	s1 =	sadd.s32 s1, s30  }
0xba: {  	s0 =	sor.u32 s3, s0;
	s1 =	sshll.u32 s1, $0x11  }
0xbb: {  	s0 =	sor.u32 s1, s0  }
0xbc: {  	s0 =	sadd.s32 $0x8F2B, s0  }
0xbd: {  	[sflag:s0] =	ssyncadd.remote.s32 $0x1  }
0xbe: {  	_ =	sfence.sel $0xFFFF  }
0xbf: {  	[dreg:$0x0] =	wrdreg $0xFFFFFFFF;
	(pc) =	sbr.abs _section_cstart, $3  }
0xc0: {  	[dreg:$0x1] =	wrdreg $0xFFFFFFFF  }
0xc1: {  	_ =	task.clear_ibuf [dreg:s7], $0x2FFFF;
	_ =	strace $0x9FFFFFFF  }
0xc2: {  	(tm) =	ssettm $0x7FFFFFFF  }
0xc3: {  	_ =	shalt  }
tec
execute0_lowered:
.L_overlay_start_1:
0x0: {  	(tag) =	ssettag $0x1  }
0x1: {  	s0 =	srdreg.scid;
	s1 =	rddreg [dreg:$0x0]  }
0x2: {  	s9 =	stileid.u32;
	s4 =	rddreg [dreg:$0x1]  }
0x3: {  	s11 =	simm.s32 $0x9;
	s12 =	simm.s32 $0x80;
	s13 =	simm.s32 $0x6400  }
0x4: {  	s14 =	simm.s32 $0x48;
	s15 =	simm.s32 $0xE400;
	s17 =	simm.s32 $0x8400  }
0x5: {  	s19 =	simm.s32 $0xF600;
	s21 =	simm.s32 $0xA400;
	s23 =	simm.s32 $0x10800  }
0x6: {  	s28 =	simm.s32 $0x11A00;
	s29 =	simm.s32 $0x1;
	s30 =	simm.s32 $0x2  }
0x7: {  	s31 =	simm.s32 $0x3;
	s16 =	simm.s32 $0x6;
	s18 =	simm.s32 $0x7  }
0x8: {  	s20 =	simm.s32 $0x8;
	s22 =	simm.s32 $0x0;
	s0 =	sand.u32 $0x1, s0  }
0x9: {  	s2 =	sshll.u32 s9, $0x8;
	s10 =	smul.u32 $0x64000, s9;
	s3 =	sshll.u32 s0, $0x7  }
0xa: {  	s6 =	ssub.s32 $0x2, s0;
	s0 =	smul.u32 $0x32000, s0;
	s3 =	sor.u32 s3, s2  }
0xb: {  	s2 =	simm.s32 $0x0;
	s7 =	sshrl.u32 s6, $0x1;
	s5 =	smul.u32 $0x19, s3  }
0xc: {  	s26 =	sadd.s32 s10, s4;
	[smem:$0x7FF] =	sst s2;
	s3 =	smul.u32 $0x3200, s3  }
0xd: {  	s25 =	ssub.s32 s6, s7;
	s10 =	sadd.s32 s0, s26;
	s0 =	simm.s32 $0x5  }
0xe: {  	_ =	strace $0x80000047;
	s5 =	sadd.s32 s5, s1;
	s8 =	sshrl.u32 s3, $0x3  }
0xf: {  	s3 =	sadd.s32 $0xF42E00, s1;
	s1 =	smax.u32 s25, $0x1;
	s25 =	simm.s32 $0xC400  }
0x10: {  	s8 =	sadd.s32 s4, s8;
	s5 =	sadd.s32 $0xA00, s5;
	[dreg:$0x4] =	wrdreg s1  }
0x11: {  	s1 =	simm.s32 $0x4;
	[dreg:$0x3] =	wrdreg s5;
	s5 =	sadd.s32 $0x30700, s8  }
0x12: {  	s6 =	sadd.s32 $0x30D40, s8;
	s7 =	sadd.s32 $0x31380, s8;
	s8 =	sadd.s32 $0x319C0, s8  }
.LBB2_1:
0x13: {  	s4 =	rddreg [dreg:$0x3]  }
0x14: {  	[tilespmem:s2], [sflag:$0x9] =	stream.linear.gather [hbm4b:s4+s2], $0x6400, $0x38;
	[tilespmem:$0x12C00] =	vst v63  }
0x15: {  	_ =	swait.ge [sflag:s11], $0x6400  }
0x16: {  	[sflag:s11] =	ssyncset.done $0x0  }
0x17: {  	[sflag:s11] =	ssyncadd.s32 $0xFFFF9C00  }
0x18: {  	[tilespmem:s13], [sflag:$0x1] =	stream.indirect.gather [hbm4b:s3+s12], $0x40, s2, s12, $0xb8;
	[tilespmem:$0x12C00] =	vst v63  }
0x19: {  	_ = 	snop  }
0x1a: {  	[tilespmem:s15], [sflag:$0x1] =	stream.indirect.gather [hbm4b:s3+s14], $0x40, s12, s14, $0xb8;
	[tilespmem:$0x12C00] =	vst v63  }
0x1b: {  	s24 =	simm.s32 $0xC8  }
0x1c: {  	[tilespmem:s17], [sflag:$0x2] =	stream.indirect.gather [hbm4b:s3+s12], $0x40, s24, s12, $0xb8;
	[tilespmem:$0x12C00] =	vst v63  }
0x1d: {  	s26 =	simm.s32 $0x148  }
0x1e: {  	[tilespmem:s19], [sflag:$0x2] =	stream.indirect.gather [hbm4b:s3+s14], $0x40, s26, s14, $0xb8;
	[tilespmem:$0x12C00] =	vst v63  }
0x1f: {  	s9 =	simm.s32 $0x190  }
0x20: {  	[tilespmem:s21], [sflag:$0x3] =	stream.indirect.gather [hbm4b:s3+s12], $0x40, s9, s12, $0xb8;
	[tilespmem:$0x12C00] =	vst v63  }
0x21: {  	s24 =	simm.s32 $0x210  }
0x22: {  	[tilespmem:s23], [sflag:$0x3] =	stream.indirect.gather [hbm4b:s3+s14], $0x40, s24, s14, $0xb8;
	[tilespmem:$0x12C00] =	vst v63  }
0x23: {  	s26 =	simm.s32 $0x258  }
0x24: {  	[tilespmem:s25], [sflag:$0x4] =	stream.indirect.gather [hbm4b:s3+s12], $0x40, s26, s12, $0xb8;
	[tilespmem:$0x12C00] =	vst v63  }
0x25: {  	s9 =	simm.s32 $0x2D8  }
0x26: {  	[tilespmem:s28], [sflag:$0x4] =	stream.indirect.gather [hbm4b:s3+s14], $0x40, s9, s14, $0xb8;
	[tilespmem:$0x12C00] =	vst v63  }
0x27: {  	_ =	swait.ge [sflag:s29], $0x2000  }
0x28: {  	[sflag:s29] =	ssyncset.done $0x0  }
0x29: {  	[sflag:s29] =	ssyncadd.s32 $0xFFFFE000  }
0x2a: {  	_ =	swait.ge [sflag:s29], $0x1200  }
0x2b: {  	[sflag:s29] =	ssyncset.done $0x0  }
0x2c: {  	[sflag:s29] =	ssyncadd.s32 $0xFFFFEE00  }
0x2d: {  	[hbm4b:s10+s2] =	stream.linear.scatter [tilespmem:s13], [sflag:$0x5], $0x2000, $0x38;
	[tilespmem:$0x12C00] =	vst v63  }
0x2e: {  	s24 =	sadd.s32 $0x400, s10  }
0x2f: {  	[hbm4b:s24+s2] =	stream.linear.scatter [tilespmem:s15], [sflag:$0x5], $0x1200, $0x38;
	[tilespmem:$0x12C00] =	vst v63  }
0x30: {  	_ =	swait.ge [sflag:s30], $0x2000  }
0x31: {  	[sflag:s30] =	ssyncset.done $0x0  }
0x32: {  	[sflag:s30] =	ssyncadd.s32 $0xFFFFE000  }
0x33: {  	_ =	swait.ge [sflag:s30], $0x1200  }
0x34: {  	[sflag:s30] =	ssyncset.done $0x0  }
0x35: {  	s26 =	sadd.s32 $0x640, s10;
	[sflag:s30] =	ssyncadd.s32 $0xFFFFEE00  }
0x36: {  	[hbm4b:s26+s2] =	stream.linear.scatter [tilespmem:s17], [sflag:$0x6], $0x2000, $0x38;
	[tilespmem:$0x12C00] =	vst v63  }
0x37: {  	s9 =	sadd.s32 $0xA40, s10  }
0x38: {  	[hbm4b:s9+s2] =	stream.linear.scatter [tilespmem:s19], [sflag:$0x6], $0x1200, $0x38;
	[tilespmem:$0x12C00] =	vst v63  }
0x39: {  	_ =	swait.ge [sflag:s31], $0x2000  }
0x3a: {  	[sflag:s31] =	ssyncset.done $0x0  }
0x3b: {  	[sflag:s31] =	ssyncadd.s32 $0xFFFFE000  }
0x3c: {  	_ =	swait.ge [sflag:s31], $0x1200  }
0x3d: {  	[sflag:s31] =	ssyncset.done $0x0  }
0x3e: {  	s24 =	sadd.s32 $0xC80, s10;
	[sflag:s31] =	ssyncadd.s32 $0xFFFFEE00  }
0x3f: {  	[hbm4b:s24+s2] =	stream.linear.scatter [tilespmem:s21], [sflag:$0x7], $0x2000, $0x38;
	[tilespmem:$0x12C00] =	vst v63  }
0x40: {  	s26 =	sadd.s32 $0x1080, s10  }
0x41: {  	[hbm4b:s26+s2] =	stream.linear.scatter [tilespmem:s23], [sflag:$0x7], $0x1200, $0x38;
	[tilespmem:$0x12C00] =	vst v63  }
0x42: {  	_ =	swait.ge [sflag:s1], $0x2000  }
0x43: {  	[sflag:s1] =	ssyncset.done $0x0  }
0x44: {  	[sflag:s1] =	ssyncadd.s32 $0xFFFFE000  }
0x45: {  	_ =	swait.ge [sflag:s1], $0x1200  }
0x46: {  	[sflag:s1] =	ssyncset.done $0x0  }
0x47: {  	s9 =	sadd.s32 $0x12C0, s10;
	[sflag:s1] =	ssyncadd.s32 $0xFFFFEE00  }
0x48: {  	[hbm4b:s9+s2] =	stream.linear.scatter [tilespmem:s25], [sflag:$0x8], $0x2000, $0x38;
	[tilespmem:$0x12C00] =	vst v63  }
0x49: {  	s24 =	sadd.s32 $0x16C0, s10  }
0x4a: {  	[hbm4b:s24+s2] =	stream.linear.scatter [tilespmem:s28], [sflag:$0x8], $0x1200, $0x38;
	[tilespmem:$0x12C00] =	vst v63  }
0x4b: {  	_ =	swait.ge [sflag:s0], $0x2000  }
0x4c: {  	[sflag:s0] =	ssyncset.done $0x0  }
0x4d: {  	[sflag:s0] =	ssyncadd.s32 $0xFFFFE000  }
0x4e: {  	_ =	swait.ge [sflag:s0], $0x1200  }
0x4f: {  	[sflag:s0] =	ssyncset.done $0x0  }
0x50: {  	s26 =	simm.s32 $0x320;
	[sflag:s0] =	ssyncadd.s32 $0xFFFFEE00  }
0x51: {  	[tilespmem:s13], [sflag:$0x1] =	stream.indirect.gather [hbm4b:s3+s12], $0x40, s26, s12, $0xb8;
	[tilespmem:$0x12C00] =	vst v63  }
0x52: {  	s9 =	simm.s32 $0x3A0  }
0x53: {  	[tilespmem:s15], [sflag:$0x1] =	stream.indirect.gather [hbm4b:s3+s14], $0x40, s9, s14, $0xb8;
	[tilespmem:$0x12C00] =	vst v63  }
0x54: {  	_ =	swait.ge [sflag:s16], $0x2000  }
0x55: {  	[sflag:s16] =	ssyncset.done $0x0  }
0x56: {  	[sflag:s16] =	ssyncadd.s32 $0xFFFFE000  }
0x57: {  	_ =	swait.ge [sflag:s16], $0x1200  }
0x58: {  	[sflag:s16] =	ssyncset.done $0x0  }
0x59: {  	s24 =	simm.s32 $0x3E8;
	[sflag:s16] =	ssyncadd.s32 $0xFFFFEE00  }
0x5a: {  	[tilespmem:s17], [sflag:$0x2] =	stream.indirect.gather [hbm4b:s3+s12], $0x40, s24, s12, $0xb8;
	[tilespmem:$0x12C00] =	vst v63  }
0x5b: {  	s26 =	simm.s32 $0x468  }
0x5c: {  	[tilespmem:s19], [sflag:$0x2] =	stream.indirect.gather [hbm4b:s3+s14], $0x40, s26, s14, $0xb8;
	[tilespmem:$0x12C00] =	vst v63  }
0x5d: {  	_ =	swait.ge [sflag:s18], $0x2000  }
0x5e: {  	[sflag:s18] =	ssyncset.done $0x0  }
0x5f: {  	[sflag:s18] =	ssyncadd.s32 $0xFFFFE000  }
0x60: {  	_ =	swait.ge [sflag:s18], $0x1200  }
0x61: {  	[sflag:s18] =	ssyncset.done $0x0  }
0x62: {  	s9 =	simm.s32 $0x4B0;
	[sflag:s18] =	ssyncadd.s32 $0xFFFFEE00  }
0x63: {  	[tilespmem:s21], [sflag:$0x3] =	stream.indirect.gather [hbm4b:s3+s12], $0x40, s9, s12, $0xb8;
	[tilespmem:$0x12C00] =	vst v63  }
0x64: {  	s24 =	simm.s32 $0x530  }
0x65: {  	[tilespmem:s23], [sflag:$0x3] =	stream.indirect.gather [hbm4b:s3+s14], $0x40, s24, s14, $0xb8;
	[tilespmem:$0x12C00] =	vst v63  }
0x66: {  	_ =	swait.ge [sflag:s20], $0x2000  }
0x67: {  	[sflag:s20] =	ssyncset.done $0x0  }
0x68: {  	[sflag:s20] =	ssyncadd.s32 $0xFFFFE000  }
0x69: {  	_ =	swait.ge [sflag:s20], $0x1200  }
0x6a: {  	[sflag:s20] =	ssyncset.done $0x0  }
0x6b: {  	s26 =	simm.s32 $0x578;
	[sflag:s20] =	ssyncadd.s32 $0xFFFFEE00  }
0x6c: {  	[tilespmem:s25], [sflag:$0x4] =	stream.indirect.gather [hbm4b:s3+s12], $0x40, s26, s12, $0xb8;
	[tilespmem:$0x12C00] =	vst v63  }
0x6d: {  	s4 =	simm.s32 $0x5F8;
	s24 =	simm.s32 $0xC80;
	s26 =	sadd.s32 $0x1900, s10  }
.LBB2_2:
0x6e: {  	[tilespmem:s28], [sflag:$0x4] =	stream.indirect.gather [hbm4b:s3+s14], $0x40, s4, s14, $0xb8;
	[tilespmem:$0x12C00] =	vst v63  }
0x6f: {  	s4 =	smov.u32 s24  }
0x70: {  	p0 =	sne.s32 s24, $0x17700;
	s24 =	sadd.s32 $0xC80, s24;
	_ =	swait.ge [sflag:s29], $0x2000  }
0x71: {  	[sflag:s29] =	ssyncset.done $0x0  }
0x72: {  	[sflag:s29] =	ssyncadd.s32 $0xFFFFE000  }
0x73: {  	_ =	swait.ge [sflag:s29], $0x1200  }
0x74: {  	[sflag:s29] =	ssyncset.done $0x0  }
0x75: {  	[sflag:s29] =	ssyncadd.s32 $0xFFFFEE00  }
0x76: {  	[hbm4b:s26+s2] =	stream.linear.scatter [tilespmem:s13], [sflag:$0x5], $0x2000, $0x38;
	[tilespmem:$0x12C00] =	vst v63  }
0x77: {  	s9 =	sadd.s32 $0x400, s26  }
0x78: {  	[hbm4b:s9+s2] =	stream.linear.scatter [tilespmem:s15], [sflag:$0x5], $0x1200, $0x38;
	[tilespmem:$0x12C00] =	vst v63  }
0x79: {  	_ =	swait.ge [sflag:s30], $0x2000  }
0x7a: {  	[sflag:s30] =	ssyncset.done $0x0  }
0x7b: {  	[sflag:s30] =	ssyncadd.s32 $0xFFFFE000  }
0x7c: {  	_ =	swait.ge [sflag:s30], $0x1200  }
0x7d: {  	[sflag:s30] =	ssyncset.done $0x0  }
0x7e: {  	s9 =	sadd.s32 $0x640, s26;
	[sflag:s30] =	ssyncadd.s32 $0xFFFFEE00  }
0x7f: {  	[hbm4b:s9+s2] =	stream.linear.scatter [tilespmem:s17], [sflag:$0x6], $0x2000, $0x38;
	[tilespmem:$0x12C00] =	vst v63  }
0x80: {  	s9 =	sadd.s32 $0xA40, s26  }
0x81: {  	[hbm4b:s9+s2] =	stream.linear.scatter [tilespmem:s19], [sflag:$0x6], $0x1200, $0x38;
	[tilespmem:$0x12C00] =	vst v63  }
0x82: {  	_ =	swait.ge [sflag:s31], $0x2000  }
0x83: {  	[sflag:s31] =	ssyncset.done $0x0  }
0x84: {  	[sflag:s31] =	ssyncadd.s32 $0xFFFFE000  }
0x85: {  	_ =	swait.ge [sflag:s31], $0x1200  }
0x86: {  	[sflag:s31] =	ssyncset.done $0x0  }
0x87: {  	s9 =	sadd.s32 $0xC80, s26;
	[sflag:s31] =	ssyncadd.s32 $0xFFFFEE00  }
0x88: {  	[hbm4b:s9+s2] =	stream.linear.scatter [tilespmem:s21], [sflag:$0x7], $0x2000, $0x38;
	[tilespmem:$0x12C00] =	vst v63  }
0x89: {  	s9 =	sadd.s32 $0x1080, s26  }
0x8a: {  	[hbm4b:s9+s2] =	stream.linear.scatter [tilespmem:s23], [sflag:$0x7], $0x1200, $0x38;
	[tilespmem:$0x12C00] =	vst v63  }
0x8b: {  	_ =	swait.ge [sflag:s1], $0x2000  }
0x8c: {  	[sflag:s1] =	ssyncset.done $0x0  }
0x8d: {  	[sflag:s1] =	ssyncadd.s32 $0xFFFFE000  }
0x8e: {  	_ =	swait.ge [sflag:s1], $0x1200  }
0x8f: {  	[sflag:s1] =	ssyncset.done $0x0  }
0x90: {  	s9 =	sadd.s32 $0x12C0, s26;
	[sflag:s1] =	ssyncadd.s32 $0xFFFFEE00  }
0x91: {  	[hbm4b:s9+s2] =	stream.linear.scatter [tilespmem:s25], [sflag:$0x8], $0x2000, $0x38;
	[tilespmem:$0x12C00] =	vst v63  }
0x92: {  	s9 =	sadd.s32 $0x16C0, s26  }
0x93: {  	[hbm4b:s9+s2] =	stream.linear.scatter [tilespmem:s28], [sflag:$0x8], $0x1200, $0x38;
	[tilespmem:$0x12C00] =	vst v63  }
0x94: {  	_ =	swait.ge [sflag:s0], $0x2000  }
0x95: {  	[sflag:s0] =	ssyncset.done $0x0  }
0x96: {  	[sflag:s0] =	ssyncadd.s32 $0xFFFFE000  }
0x97: {  	_ =	swait.ge [sflag:s0], $0x1200  }
0x98: {  	s4 =	sshra.s32 s4, $0x2;
	[sflag:s0] =	ssyncset.done $0x0  }
0x99: {  	s9 =	sadd.s32 $0x320, s4;
	[sflag:s0] =	ssyncadd.s32 $0xFFFFEE00  }
0x9a: {  	[tilespmem:s13], [sflag:$0x1] =	stream.indirect.gather [hbm4b:s3+s12], $0x40, s9, s12, $0xb8;
	[tilespmem:$0x12C00] =	vst v63  }
0x9b: {  	s9 =	sadd.s32 $0x3A0, s4  }
0x9c: {  	[tilespmem:s15], [sflag:$0x1] =	stream.indirect.gather [hbm4b:s3+s14], $0x40, s9, s14, $0xb8;
	[tilespmem:$0x12C00] =	vst v63  }
0x9d: {  	_ =	swait.ge [sflag:s16], $0x2000  }
0x9e: {  	[sflag:s16] =	ssyncset.done $0x0  }
0x9f: {  	[sflag:s16] =	ssyncadd.s32 $0xFFFFE000  }
0xa0: {  	_ =	swait.ge [sflag:s16], $0x1200  }
0xa1: {  	[sflag:s16] =	ssyncset.done $0x0  }
0xa2: {  	s9 =	sadd.s32 $0x3E8, s4;
	[sflag:s16] =	ssyncadd.s32 $0xFFFFEE00  }
0xa3: {  	[tilespmem:s17], [sflag:$0x2] =	stream.indirect.gather [hbm4b:s3+s12], $0x40, s9, s12, $0xb8;
	[tilespmem:$0x12C00] =	vst v63  }
0xa4: {  	s9 =	sadd.s32 $0x468, s4  }
0xa5: {  	[tilespmem:s19], [sflag:$0x2] =	stream.indirect.gather [hbm4b:s3+s14], $0x40, s9, s14, $0xb8;
	[tilespmem:$0x12C00] =	vst v63  }
0xa6: {  	_ =	swait.ge [sflag:s18], $0x2000  }
0xa7: {  	[sflag:s18] =	ssyncset.done $0x0  }
0xa8: {  	[sflag:s18] =	ssyncadd.s32 $0xFFFFE000  }
0xa9: {  	_ =	swait.ge [sflag:s18], $0x1200  }
0xaa: {  	[sflag:s18] =	ssyncset.done $0x0  }
0xab: {  	s9 =	sadd.s32 $0x4B0, s4;
	[sflag:s18] =	ssyncadd.s32 $0xFFFFEE00  }
0xac: {  	[tilespmem:s21], [sflag:$0x3] =	stream.indirect.gather [hbm4b:s3+s12], $0x40, s9, s12, $0xb8;
	[tilespmem:$0x12C00] =	vst v63  }
0xad: {  	s9 =	sadd.s32 $0x530, s4  }
0xae: {  	[tilespmem:s23], [sflag:$0x3] =	stream.indirect.gather [hbm4b:s3+s14], $0x40, s9, s14, $0xb8;
	[tilespmem:$0x12C00] =	vst v63  }
0xaf: {  	_ =	swait.ge [sflag:s20], $0x2000  }
0xb0: {  	[sflag:s20] =	ssyncset.done $0x0  }
0xb1: {  	[sflag:s20] =	ssyncadd.s32 $0xFFFFE000  }
.Ltmp0:
0xb2: {  	_ =	swait.ge [sflag:s20], $0x1200;
	(pc) =	sbr.rel @p0 .LBB2_2-.Ltmp0, $4  }
0xb3: {  	[sflag:s20] =	ssyncset.done $0x0  }
0xb4: {  	s9 =	sadd.s32 $0x578, s4;
	[sflag:s20] =	ssyncadd.s32 $0xFFFFEE00  }
0xb5: {  	[tilespmem:s25], [sflag:$0x4] =	stream.indirect.gather [hbm4b:s3+s12], $0x40, s9, s12, $0xb8;
	[tilespmem:$0x12C00] =	vst v63  }
0xb6: {  	s26 =	sadd.s32 $0x1900, s26;
	s4 =	sadd.s32 $0x5F8, s4  }
0xb7: {  	[tilespmem:s28], [sflag:$0x4] =	stream.indirect.gather [hbm4b:s3+s14], $0x40, s4, s14, $0xb8;
	[tilespmem:$0x12C00] =	vst v63  }
0xb8: {  	_ =	swait.ge [sflag:s29], $0x2000  }
0xb9: {  	[sflag:s29] =	ssyncset.done $0x0  }
0xba: {  	[sflag:s29] =	ssyncadd.s32 $0xFFFFE000  }
0xbb: {  	_ =	swait.ge [sflag:s29], $0x1200  }
0xbc: {  	[sflag:s29] =	ssyncset.done $0x0  }
0xbd: {  	[sflag:s29] =	ssyncadd.s32 $0xFFFFEE00  }
0xbe: {  	[hbm4b:s5+s2] =	stream.linear.scatter [tilespmem:s13], [sflag:$0x5], $0x2000, $0x38;
	[tilespmem:$0x12C00] =	vst v63  }
0xbf: {  	s24 =	sadd.s32 $0x400, s5  }
0xc0: {  	[hbm4b:s24+s2] =	stream.linear.scatter [tilespmem:s15], [sflag:$0x5], $0x1200, $0x38;
	[tilespmem:$0x12C00] =	vst v63  }
0xc1: {  	_ =	swait.ge [sflag:s30], $0x2000  }
0xc2: {  	[sflag:s30] =	ssyncset.done $0x0  }
0xc3: {  	[sflag:s30] =	ssyncadd.s32 $0xFFFFE000  }
0xc4: {  	_ =	swait.ge [sflag:s30], $0x1200  }
0xc5: {  	[sflag:s30] =	ssyncset.done $0x0  }
0xc6: {  	[sflag:s30] =	ssyncadd.s32 $0xFFFFEE00  }
0xc7: {  	[hbm4b:s6+s2] =	stream.linear.scatter [tilespmem:s17], [sflag:$0x6], $0x2000, $0x38;
	[tilespmem:$0x12C00] =	vst v63  }
0xc8: {  	s26 =	sadd.s32 $0x400, s6  }
0xc9: {  	[hbm4b:s26+s2] =	stream.linear.scatter [tilespmem:s19], [sflag:$0x6], $0x1200, $0x38;
	[tilespmem:$0x12C00] =	vst v63  }
0xca: {  	_ =	swait.ge [sflag:s31], $0x2000  }
0xcb: {  	[sflag:s31] =	ssyncset.done $0x0  }
0xcc: {  	[sflag:s31] =	ssyncadd.s32 $0xFFFFE000  }
0xcd: {  	_ =	swait.ge [sflag:s31], $0x1200  }
0xce: {  	[sflag:s31] =	ssyncset.done $0x0  }
0xcf: {  	[sflag:s31] =	ssyncadd.s32 $0xFFFFEE00  }
0xd0: {  	[hbm4b:s7+s2] =	stream.linear.scatter [tilespmem:s21], [sflag:$0x7], $0x2000, $0x38;
	[tilespmem:$0x12C00] =	vst v63  }
0xd1: {  	s9 =	sadd.s32 $0x400, s7  }
0xd2: {  	[hbm4b:s9+s2] =	stream.linear.scatter [tilespmem:s23], [sflag:$0x7], $0x1200, $0x38;
	[tilespmem:$0x12C00] =	vst v63  }
0xd3: {  	_ =	swait.ge [sflag:s1], $0x2000  }
0xd4: {  	[sflag:s1] =	ssyncset.done $0x0  }
0xd5: {  	[sflag:s1] =	ssyncadd.s32 $0xFFFFE000  }
0xd6: {  	_ =	swait.ge [sflag:s1], $0x1200  }
0xd7: {  	[sflag:s1] =	ssyncset.done $0x0  }
0xd8: {  	[sflag:s1] =	ssyncadd.s32 $0xFFFFEE00  }
0xd9: {  	[hbm4b:s8+s2] =	stream.linear.scatter [tilespmem:s25], [sflag:$0x8], $0x2000, $0x38;
	[tilespmem:$0x12C00] =	vst v63  }
0xda: {  	s24 =	sadd.s32 $0x400, s8  }
0xdb: {  	[hbm4b:s24+s2] =	stream.linear.scatter [tilespmem:s28], [sflag:$0x8], $0x1200, $0x38;
	[tilespmem:$0x12C00] =	vst v63  }
0xdc: {  	_ =	swait.ge [sflag:s0], $0x2000  }
0xdd: {  	[sflag:s0] =	ssyncset.done $0x0  }
0xde: {  	[sflag:s0] =	ssyncadd.s32 $0xFFFFE000  }
0xdf: {  	_ =	swait.ge [sflag:s0], $0x1200  }
0xe0: {  	[sflag:s0] =	ssyncset.done $0x0  }
0xe1: {  	[sflag:s0] =	ssyncadd.s32 $0xFFFFEE00  }
0xe2: {  	_ =	swait.ge [sflag:s16], $0x2000  }
0xe3: {  	[sflag:s16] =	ssyncset.done $0x0  }
0xe4: {  	[sflag:s16] =	ssyncadd.s32 $0xFFFFE000  }
0xe5: {  	_ =	swait.ge [sflag:s16], $0x1200  }
0xe6: {  	[sflag:s16] =	ssyncset.done $0x0  }
0xe7: {  	[sflag:s16] =	ssyncadd.s32 $0xFFFFEE00  }
0xe8: {  	_ =	swait.ge [sflag:s18], $0x2000  }
0xe9: {  	[sflag:s18] =	ssyncset.done $0x0  }
0xea: {  	[sflag:s18] =	ssyncadd.s32 $0xFFFFE000  }
0xeb: {  	_ =	swait.ge [sflag:s18], $0x1200  }
0xec: {  	[sflag:s18] =	ssyncset.done $0x0  }
0xed: {  	[sflag:s18] =	ssyncadd.s32 $0xFFFFEE00  }
0xee: {  	_ =	swait.ge [sflag:s20], $0x2000  }
0xef: {  	[sflag:s20] =	ssyncset.done $0x0  }
0xf0: {  	[sflag:s20] =	ssyncadd.s32 $0xFFFFE000  }
0xf1: {  	_ =	swait.ge [sflag:s20], $0x1200  }
0xf2: {  	s22 =	sadd.s32 $0x1, s22;
	s26 =	rddreg [dreg:$0x4]  }
0xf3: {  	p0 =	sne.s32 s22, s26  }
.Ltmp1:
0xf4: {  	_ = 	snop;
	(pc) =	sbr.rel @p0 .LBB2_1-.Ltmp1, $3  }
0xf5: {  	_ =	sdelay $0x1  }
0xf6: {  	[sflag:s20] =	ssyncset.done $0x0  }
0xf7: {  	[sflag:s20] =	ssyncadd.s32 $0xFFFFEE00  }
0xf8: {  	_ =	sfence.sel $0x180000  }
0xf9: {  	[bflag:$0x0] =	sbarrier.arrive $0xFFFF  }
0xfa: {  	_ =	strace $0x90000047  }
0xfb: {  	s0 =	stileid.u32;
	[bflag:$0x2] =	sbarrier.arrive $0xFFFF  }
0xfc: {  	p0 =	sne.s32 s0, $0x0;
	s0 =	rddreg [dreg:$0x2]  }
0xfd: {  	s0 =	sadd.s32 @!p0 $0x100000, s0  }
0xfe: {  	[sflag:s0] =	ssyncadd.tile.s32 @!p0 $0x1;
	_ =	shalt  }
.Lfunc_end2:
_tile_overlayer_lowered:
.L_overlay_start_2:
0xff: {  	(tag) =	ssettag $0x2  }
0x100: {  	s0 =	rddreg [dreg:$0x0];
	s2 =	stileid.u32  }
0x101: {  	s1 =	rddreg [dreg:$0x1];
	p0 =	sne.s32 s2, $0x0  }
0x102: {  	s3 =	rddreg [dreg:$0x2];
	[bflag:$0x3] =	sbarrier.arrive $0xFFFF;
	s2 =	simm.s32 @!p0 $0x1C09  }
0x103: {  	[timem:s3], [sflag:s2] =	dma.local @!p0 [hbm:s0], s1  }
0x104: {  	s0 =	simm.s32 @!p0 $0x9  }
0x105: {  	_ =	swait.ge @!p0 [sflag:s0], s1  }
0x106: {  	s1 =	ssub.s32 @!p0 $0x0, s1;
	[sflag:s0] =	ssyncset.done @!p0 $0x0  }
0x107: {  	[sflag:s0] =	ssyncadd.s32 @!p0 s1  }
0x108: {  	[bflag:$0x3] =	sbarrier.arrive $0xFFFF  }
0x109: {  	_ =	shalt  }

// kernel: sparse-core-data-format-call.cloned.1.call-start
scs
called_computation_lowered:
.L_overlay_start_0:
0x0: {  	s2 =	sld [smem:$0x3FD9]  }
0x1: {  	s3 =	sld [smem:$0x3FFE];
	_ =	sdelay $0x1  }
0x2: {  	s1 =	srdreg.scid  }
0x3: {  	s0 =	sand.u32 $0x1, s1  }
0x4: {  	s18 =	sshll.u32 s0, $0xA;
	s2 =	sadd.s32 s3, s2  }
0x5: {  	s2 =	sadd.s32 s2, s18  }
0x6: {  	[smem:$0x3FC6] =	sst s2  }
0x7: {  	_ = 	snop  }
0x8: {  	s2 =	sld [smem:$0x3FD0];
	(tm) =	ssettm $0x1  }
0x9: {  	s19 =	sld [smem:$0x3FFB];
	_ =	sdelay $0x3  }
0xa: {  	_ =	strace s19  }
0xb: {  	s3 =	sld [smem:$0x3FFC];
	_ =	sdelay $0x3  }
0xc: {  	_ =	strace s3  }
0xd: {  	s3 =	sld [smem:$0x3FFD];
	_ =	sdelay $0x3  }
0xe: {  	_ =	strace s3  }
0xf: {  	_ =	strace $0x8FFFFFFF  }
0x10: {  	s20 =	sld [smem:$0x3FDB];
	_ =	sdelay $0x1  }
0x11: {  	s4 =	simm.s32 $_scs_section_size  }
0x12: {  	s5 =	simm.s32 $_size__tile_overlayer_lowered;
	s6 =	simm.s32 $_tile_overlayer_lowered  }
0x13: {  	s23 =	simm.s32 $0x1BFF;
	s22 =	sshll.u32 s6, $0x1;
	s3 =	sadd.s32 s4, s20  }
0x14: {  	s7 =	simm.s32 $0x0;
	s21 =	sshll.u32 s5, $0x1;
	s5 =	sadd.s32 s22, s3  }
0x15: {  	[timem:s7], [sflag:s23] =	dma.local [hbm:s5], s21  }
0x16: {  	_ =	swait.ge [sflag:s23], s21  }
0x17: {  	s4 =	ssub.s32 $0x0, s21;
	[sflag:s23] =	ssyncset.done $0x0  }
0x18: {  	[sflag:s23] =	ssyncadd.s32 s4;
	_ =	sdelay $0x1  }
0x19: {  	s24 =	simm.s32 $0x1B8B  }
0x1a: {  	_ =	swait.ge [sflag:s24], $0x1  }
0x1b: {  	[sflag:s24] =	ssyncset.done $0x0  }
0x1c: {  	s26 =	simm.s32 $0x1B8E;
	s25 =	sld [smem:$0x3FFE];
	[sflag:s24] =	ssyncadd.s32 $0xFFFFFFFF  }
0x1d: {  	s27 =	simm.s32 $execute0_lowered;
	[smem:$0x3FD2] =	sst s26  }
0x1e: {  	s5 =	sshll.u32 s27, $0x1;
	_ =	strace $0x80000049;
	[dreg:$0x1] =	wrdreg $0xFFFFFFFF  }
0x1f: {  	s28 =	simm.s32 $_size_execute0_lowered;
	s3 =	sadd.s32 s3, s5;
	[dreg:$0x0] =	wrdreg $0x0  }
0x20: {  	s5 =	sshll.u32 s28, $0x1;
	[dreg:$0x2] =	wrdreg s3  }
0x21: {  	[dreg:$0x3] =	wrdreg s5  }
0x22: {  	[dreg:$0x4] =	wrdreg $0xC0  }
0x23: {  	_ =	task [dreg:s7], $0x5FFFF  }
0x24: {  	[dreg:$0x1] =	wrdreg $0xFFFFFFFF  }
0x25: {  	[dreg:$0x0] =	wrdreg $0x60  }
0x26: {  	[dreg:$0x2] =	wrdreg s25  }
0x27: {  	[dreg:$0x3] =	wrdreg s2  }
0x28: {  	[dreg:$0x4] =	wrdreg $0x9  }
0x29: {  	_ =	task.clear_ibuf [dreg:s7], $0x5FFFF;
	_ =	strace $0x90000049  }
0x2a: {  	s29 =	simm.s32 $0x9;
	_ =	strace $0x8000004B  }
0x2b: {  	_ =	swait.ge [sflag:s29], $0x1  }
0x2c: {  	[sflag:s29] =	ssyncadd.s32 $0xFFFFFFFF  }
0x2d: {  	_ =	strace $0x9000004B  }
0x2e: {  	_ =	sfence  }
0x2f: {  	s30 =	sld [smem:$0x0];
	_ =	sdelay $0x2  }
0x30: {  	s31 =	sshll.u32 s1, $0xD;
	s1 =	sshrl.u32 s1, $0x2  }
0x31: {  	s3 =	sand.u32 $0x4000, s31;
	s1 =	sadd.s32 s1, s30  }
0x32: {  	s0 =	sor.u32 s3, s0;
	s1 =	sshll.u32 s1, $0x11  }
0x33: {  	s0 =	sor.u32 s1, s0  }
0x34: {  	s0 =	sadd.s32 $0x8F2B, s0  }
0x35: {  	[sflag:s0] =	ssyncadd.remote.s32 $0x1  }
0x36: {  	_ =	sfence.sel $0xFFFF  }
0x37: {  	[dreg:$0x0] =	wrdreg $0xFFFFFFFF;
	(pc) =	sbr.abs _section_cstart, $3  }
0x38: {  	[dreg:$0x1] =	wrdreg $0xFFFFFFFF  }
0x39: {  	_ =	task.clear_ibuf [dreg:s7], $0x2FFFF;
	_ =	strace $0x9FFFFFFF  }
0x3a: {  	(tm) =	ssettm $0x7FFFFFFF  }
0x3b: {  	_ =	shalt  }
tec
execute0_lowered:
.L_overlay_start_1:
0x0: {  	(tag) =	ssettag $0x1  }
0x1: {  	s0 =	srdreg.scid  }
0x2: {  	s1 =	sshll.u32 s0, $0x4  }
0x3: {  	s0 =	stileid.u32;
	s1 =	sand.u32 $0x10, s1  }
0x4: {  	s1 =	sor.u32 s0, s1  }
0x5: {  	s6 =	rddreg [dreg:$0x0];
	s4 =	simm.s32 $0x1;
	s2 =	sshll.u32 s1, $0x7  }
0x6: {  	s7 =	simm.s32 $0x2;
	s12 =	simm.s32 $0x0;
	s1 =	ssub.s32 $0x1000, s2  }
0x7: {  	s8 =	simm.s32 $0x8000;
	s13 =	simm.s32 $0x0;
	s3 =	sand.u32 $0xF80, s1  }
0x8: {  	s9 =	simm.s32 $0x0;
	s5 =	sshrl.u32 s1, $0xC;
	p0 =	sne.s32 s3, $0x0  }
.Ltmp0:
0x9: {  	s1 =	rddreg [dreg:$0x2];
	s4 =	simm.s32 @!p0 $0x0;
	(pc) =	sbr.rel .LBB1_1-.Ltmp0, $4  }
0xa: {  	s11 =	simm.s32 $0x0;
	s3 =	rddreg [dreg:$0x1];
	s5 =	sadd.s32 s4, s5  }
0xb: {  	_ =	strace $0x8000004A;
	s4 =	simm.s32 $0x1;
	s5 =	smul.u32 $0xC8, s5  }
0xc: {  	s6 =	sadd.s32 $0xA00, s6;
	s10 =	smov.u32 s2;
	[sflag:s4] =	ssyncpa.u1 $0x0  }
0xd: {  	p0 =	por $0x0, $0x0;
	[sflag:s7] =	ssyncpa.u1 $0x0;
	s7 =	sor.u32 $0x1, s5  }
.LBB1_4:
0xe: {  	s16 =	sshll.u32 s13, $0x3;
	s17 =	sand.u32 $0x78, s13  }
0xf: {  	s30 =	sand.u32 $0x7E00, s13;
	s12 =	sshll.u32 s12, $0xF;
	s16 =	sand.u32 $0xC00, s16  }
0x10: {  	[tilespmem:s15+$0x810 ss:$0x81] =	vst.msk $0xffff, v2;
	s31 =	sand.u32 $0x7, s13;
	s16 =	sor.u32 s17, s16;
	s17 =	sadd.s32 s3, s30  }
0x11: {  	[tilespmem:s15+$0x1020 ss:$0x81] =	vst.msk $0xffff, v0;
	s13 =	sshll.u32 s31, $0x12;
	s12 =	sadd.s32 s12, s17;
	s16 =	sshrl.u32 s16, $0x3  }
0x12: {  	[tilespmem:s15+$0x0 ss:$0x81] =	vst.msk $0xffff, v1;
	s13 =	sor.u32 $0x400, s13;
	s12 =	sadd.s32 s16, s12  }
0x13: {  	[hbm4b:s12+s13] =	stream.strided.scatter [tilespmem:s14], [sflag:$0x2], $0x2000, s8, s13, $0x20;
	[tilespmem:$0x8080] =	vst v63  }
.LBB1_5:
0x14: {  	s14 =	sadd.s32 $0x1, s9  }
0x15: {  	s12 =	sadd.s32 $0x1000, s10;
	s16 =	smov.u32 s10;
	p2 =	sgt.s32 s14, $0xC7  }
0x16: {  	s16 =	smov.u32 @p2 s12  }
0x17: {  	s14 =	simm.s32 @p2 $0x0;
	p2 =	sgt.s32 s16, $0xFFF  }
0x18: {  	s16 =	smov.u32 @p2 s2;
	p2 =	sne.s32 s11, s7  }
.Ltmp1:
0x19: {  	p1 =	slt.u32 s11, $0x2;
	(pc) =	sbr.rel @!p2 .LBB1_6-.Ltmp1, $4  }
0x1a: {  	s15 =	simm.s32 @!p1 $0x2  }
0x1b: {  	s13 =	smov.u32 s10;
	p0 =	por !p0, !p0;
	_ =	swait.ge @!p1 [sflag:s15], $0x2000  }
0x1c: {  	s12 =	smov.u32 s9;
	[sflag:s15] =	ssyncset.done @!p1 $0x0;
	s9 =	smov.u32 s14  }
0x1d: {  	s11 =	sadd.s32 $0x1, s11;
	[sflag:s15] =	ssyncadd.s32 @!p1 $0xFFFFE000;
	s10 =	smov.u32 s16  }
.LBB1_1:
0x1e: {  	p1 =	sge.u32 s11, s5  }
0x1f: {  	s14 =	sand.u32 @!p1 $0x1FFFFFF, s9  }
0x20: {  	s15 =	smulhi.u32 @!p1 $0x147AE15, s14;
	_ =	sdelay $0x1  }
0x21: {  	s15 =	smul.u32 @!p1 $0xC8, s15  }
0x22: {  	s16 =	sxor.u32 @!p1 $0xFFFFFFFF, s11;
	s17 =	smul.u32 @!p1 $0xC80, s10  }
0x23: {  	s31 =	sadd.s32 $0xFFFFFFFF, s11;
	s16 =	sshll.u32 @!p1 s16, $0xD;
	s14 =	ssub.s32 @!p1 s14, s15  }
0x24: {  	s15 =	sand.u32 @!p1 $0x2000, s16;
	s16 =	sadd.s32 @!p1 s6, s17;
	s14 =	sshll.u32 @!p1 s14, $0x4  }
0x25: {  	s17 =	simm.s32 @!p1 $0x6400;
	s14 =	sadd.s32 @!p1 s14, s16;
	s16 =	simm.s32 @!p1 $0x40  }
0x26: {  	[tilespmem:s15], [sflag:$0x1] =	stream.strided.gather @!p1 [hbm4b:s14+s16], $0x2000, s17, s16, $0x38;
	[tilespmem:$0x8080] =	vst v63  }
0x27: {  	p1 =	sge.u32 s31, s5  }
.Ltmp2:
0x28: {  	_ = 	snop;
	(pc) =	sbr.rel @p1 .LBB1_5-.Ltmp2, $1  }
0x29: {  	_ =	sdelay $0x3  }
0x2a: {  	s14 =	simm.s32 $0x1  }
0x2b: {  	_ =	swait.ge [sflag:s4], $0x2000;
	s14 =	simm.s32 @!p0 $0x0  }
0x2c: {  	[sflag:s4] =	ssyncset.done $0x0;
	s15 =	sshll.u32 s14, $0xD  }
0x2d: {  	[sflag:s4] =	ssyncadd.s32 $0xFFFFE000;
	s18 =	sor.u32 $0x20, s15  }
0x2e: {  	s14 =	smul.u32 $0x8100, s14;
	v3 =	vld [tilespmem:s18+$0x10]  }
0x2f: {  	s30 =	sand.u32 $0x1, s11;
	v2 =	vld [tilespmem:s18+$0xFFFFFFF0]  }
0x30: {  	s15 =	smul.u32 $0x8100, s30;
	s14 =	sshrl.u32 s14, $0x2;
	v0 =	vld [tilespmem:s18+$0x0]  }
0x31: {  	v1 =	vld [tilespmem:s18+$0xFFFFFFE0];
	s16 =	sor.u32 $0x4000, s14  }
0x32: {  	s31 =	sshrl.u32 s15, $0x2;
	s15 =	sadd.s32 $0x0, s16  }
0x33: {  	s17 =	simm.s32 $0x4;
	s18 =	sadd.s32 $0x40, s18;
	s14 =	sor.u32 $0x4000, s31;
	[tilespmem:s15+$0x1830 ss:$0x81] =	vst.msk $0xffff, v3  }
.LBB1_3:
0x34: {  	v3 =	vld [tilespmem:s18+$0x10];
	p1 =	sne.s32 s17, $0x1FC;
	[tilespmem:s15+$0x810 ss:$0x81] =	vst.msk $0xffff, v2;
	s19 =	smov.u32 s17;
	s17 =	sadd.s32 $0x4, s17  }
.Ltmp3:
0x35: {  	v2 =	vld [tilespmem:s18+$0xFFFFFFF0];
	[tilespmem:s15+$0x1020 ss:$0x81] =	vst.msk $0xffff, v0;
	(pc) =	sbr.rel @p1 .LBB1_3-.Ltmp3, $4  }
0x36: {  	v0 =	vld [tilespmem:s18+$0x0];
	[tilespmem:s15+$0x0 ss:$0x81] =	vst.msk $0xffff, v1  }
0x37: {  	s15 =	sshra.s32 s19, $0x2;
	v1 =	vld [tilespmem:s18+$0xFFFFFFE0]  }
0x38: {  	s15 =	sadd.s32 s15, s16  }
0x39: {  	s18 =	sadd.s32 $0x40, s18;
	[tilespmem:s15+$0x1830 ss:$0x81] =	vst.msk $0xffff, v3  }
.Ltmp4:
0x3a: {  	_ = 	snop;
	(pc) =	sbr.rel .LBB1_4-.Ltmp4, $1  }
0x3b: {  	_ =	sdelay $0x3  }
.LBB1_6:
0x3c: {  	_ =	sfence.sel $0x180000  }
0x3d: {  	s2 =	simm.s32 $0x1;
	[bflag:$0x0] =	sbarrier.arrive $0xFFFF  }
0x3e: {  	s31 =	simm.s32 $0x2;
	[sflag:s2] =	ssyncpa.u1 $0x1  }
0x3f: {  	[sflag:s31] =	ssyncpa.u1 $0x1  }
0x40: {  	p0 =	sne.s32 s0, $0x0;
	_ =	strace $0x9000004A  }
0x41: {  	s0 =	sadd.s32 @!p0 $0x100000, s1;
	[bflag:$0x2] =	sbarrier.arrive $0xFFFF  }
0x42: {  	[sflag:s0] =	ssyncadd.tile.s32 @!p0 $0x1;
	_ =	shalt  }
.Lfunc_end1:
_tile_overlayer_lowered:
.L_overlay_start_2:
0x43: {  	(tag) =	ssettag $0x2  }
0x44: {  	s0 =	rddreg [dreg:$0x0];
	s2 =	stileid.u32  }
0x45: {  	s1 =	rddreg [dreg:$0x1];
	p0 =	sne.s32 s2, $0x0  }
0x46: {  	s3 =	rddreg [dreg:$0x2];
	[bflag:$0x3] =	sbarrier.arrive $0xFFFF;
	s2 =	simm.s32 @!p0 $0x1C01  }
0x47: {  	[timem:s3], [sflag:s2] =	dma.local @!p0 [hbm:s0], s1  }
0x48: {  	s0 =	simm.s32 @!p0 $0x1  }
0x49: {  	_ =	swait.ge @!p0 [sflag:s0], s1  }
0x4a: {  	s1 =	ssub.s32 @!p0 $0x0, s1;
	[sflag:s0] =	ssyncset.done @!p0 $0x0  }
0x4b: {  	[sflag:s0] =	ssyncadd.s32 @!p0 s1  }
0x4c: {  	[bflag:$0x3] =	sbarrier.arrive $0xFFFF  }
0x4d: {  	_ =	shalt  }

</sc_bundles>
